<compile_context>
chip_gen: v7x
topology: tpu7x:2x2x1
jax: 0.10.2.dev20260603
libtpu: 0.0.44.dev20260713+nightly
codegen_flags: <defaults>
</compile_context>

<pallas_src>
import functools

import jax
import jax.numpy as jnp
from jax import lax
from jax.experimental import pallas as pl
from jax.experimental.pallas import tpu as pltpu
from jax.experimental.pallas import tpu_sc as plsc

N = 10000
E = 320000
D = 128

NC = 2
NS = 16
NW = NC * NS
CHUNK = 128
NCHUNK = 79
EPW = NCHUNK * CHUNK
E_PAD = NW * EPW
NROWCHUNK = 79
CPT = 5


def _matmul_body(x_ref, w_ref, o_ref):
    o_ref[...] = jnp.dot(x_ref[...], w_ref[...],
                         preferred_element_type=jnp.float32)


def _matmul(x, w):
    blk = 2000
    grid = N // blk
    return pl.pallas_call(
        _matmul_body,
        grid=(grid,),
        in_specs=[
            pl.BlockSpec((blk, D), lambda i: (i, 0)),
            pl.BlockSpec((D, D), lambda i: (0, 0)),
        ],
        out_specs=pl.BlockSpec((blk, D), lambda i: (i, 0)),
        out_shape=jax.ShapeDtypeStruct((N, D), jnp.float32),
    )(x, w)


def _edge_body(support_hbm, src_hbm, dst_hbm, ew_hbm, out_hbm,
               src_v, dst_v, ew_v, buf, acc, gsem):
    cid = lax.axis_index("c")
    sid = lax.axis_index("s")
    wid = sid * NC + cid

    def zrow(i, _):
        for q in range(D // 16):
            buf[i, pl.ds(q * 16, 16)] = jnp.zeros((16,), jnp.float32)
        return 0
    lax.fori_loop(0, CHUNK, zrow, 0)

    for k in range(CPT):
        c = sid * CPT + k

        @pl.when(c < NROWCHUNK - 1)
        def _():
            pltpu.sync_copy(buf, acc.at[pl.ds(c * CHUNK, CHUNK)])

        @pl.when(c == NROWCHUNK - 1)
        def _():
            pltpu.sync_copy(buf.at[pl.ds(0, N - (NROWCHUNK - 1) * CHUNK)],
                            acc.at[pl.ds((NROWCHUNK - 1) * CHUNK,
                                         N - (NROWCHUNK - 1) * CHUNK)])

    pltpu.sync_copy(src_hbm.at[wid], src_v)
    pltpu.sync_copy(dst_hbm.at[wid], dst_v)
    pltpu.sync_copy(ew_hbm.at[wid], ew_v)

    plsc.subcore_barrier()

    def chunk_body(j, _):
        pltpu.async_copy(support_hbm.at[src_v.at[j]], buf, gsem).wait()

        def scale(g, _):
            wv = ew_v[pl.ds(j * CHUNK + g * 16, 16)]
            for r in range(16):
                w = wv[r]
                for q in range(D // 16):
                    sl = pl.ds(q * 16, 16)
                    buf[g * 16 + r, sl] = buf[g * 16 + r, sl] * w
            return 0
        lax.fori_loop(0, CHUNK // 16, scale, 0)

        pltpu.sync_copy(buf, acc.at[dst_v.at[j]], add=True)
        return 0

    lax.fori_loop(0, NCHUNK, chunk_body, 0)

    plsc.subcore_barrier()

    for k in range(CPT):
        c = sid * CPT + k

        @pl.when(c < NROWCHUNK - 1)
        def _():
            pltpu.sync_copy(acc.at[pl.ds(c * CHUNK, CHUNK)],
                            out_hbm.at[cid, pl.ds(c * CHUNK, CHUNK)])

        @pl.when(c == NROWCHUNK - 1)
        def _():
            rem = N - (NROWCHUNK - 1) * CHUNK
            pltpu.sync_copy(acc.at[pl.ds((NROWCHUNK - 1) * CHUNK, rem)],
                            out_hbm.at[cid, pl.ds((NROWCHUNK - 1) * CHUNK,
                                                  rem)])


def _edge_agg(support, src_p, dst_p, ew_p):
    mesh = plsc.VectorSubcoreMesh(core_axis_name="c", subcore_axis_name="s")
    k = functools.partial(
        pl.kernel,
        mesh=mesh,
        out_type=jax.ShapeDtypeStruct((NC, N, D), jnp.float32),
        scratch_types=[
            pltpu.VMEM((NCHUNK, CHUNK), jnp.int32),
            pltpu.VMEM((NCHUNK, CHUNK), jnp.int32),
            pltpu.VMEM((EPW,), jnp.float32),
            pltpu.VMEM((CHUNK, D), jnp.float32),
            pltpu.VMEM_SHARED((N, D), jnp.float32),
            pltpu.SemaphoreType.DMA,
        ],
        compiler_params=pltpu.CompilerParams(needs_layout_passes=False),
    )(_edge_body)
    return k(support, src_p, dst_p, ew_p)


def _combine_body(s_ref, p_ref, t_ref, o_ref):
    t = t_ref[0, 0]
    o_ref[...] = (1.0 - t) * s_ref[...] + t * (p_ref[0] + p_ref[1])


def _combine(support, partials, t):
    blk = 2000
    grid = N // blk
    t2 = t.reshape(1, 1)
    return pl.pallas_call(
        _combine_body,
        grid=(grid,),
        in_specs=[
            pl.BlockSpec((blk, D), lambda i: (i, 0)),
            pl.BlockSpec((NC, blk, D), lambda i: (0, i, 0)),
            pl.BlockSpec(memory_space=pltpu.MemorySpace.SMEM),
        ],
        out_specs=pl.BlockSpec((blk, D), lambda i: (i, 0)),
        out_shape=jax.ShapeDtypeStruct((N, D), jnp.float32),
    )(support, partials, t2)


def kernel(x, edge_index, edge_weight, weight, t):
    support = _matmul(x, weight)

    pad = E_PAD - E
    src = jnp.concatenate(
        [edge_index[0], jnp.zeros((pad,), jnp.int32)]).reshape(NW, NCHUNK, CHUNK)
    dst = jnp.concatenate(
        [edge_index[1], jnp.zeros((pad,), jnp.int32)]).reshape(NW, NCHUNK, CHUNK)
    ew = jnp.concatenate(
        [edge_weight, jnp.zeros((pad,), jnp.float32)]).reshape(NW, EPW)

    partials = _edge_agg(support, src, dst, ew)
    return _combine(support, partials, t)

# --- scband reference (transcript-rebuilt; emitter-appended) ---
"""Pipeline reference for scband-adaptive-diffusion-layer-82944408420613 (READ-ONLY COPY).

The authoritative reference and input builder live on the scoring server;
editing this copy changes nothing except your own understanding.
"""

import jax, jax.numpy as jnp
import numpy as np

N = 10000
E = 320000
D_IN = 128
D_OUT = 128


def setup_inputs(seed: int = 0) -> dict:
    key = jax.random.key(seed)
    k1, k2, k3, k4 = jax.random.split(key, 4)
    x = jax.random.normal(k1, (N, D_IN), dtype=jnp.float32)
    edge_index = jax.random.randint(k2, (2, E), 0, N, dtype=jnp.int32)
    edge_weight = jax.random.uniform(k3, (E,), dtype=jnp.float32)
    # learned parameters per module __init__
    stdv = 1.0 / np.sqrt(D_OUT)
    weight = jax.random.uniform(k4, (D_IN, D_OUT), minval=-stdv, maxval=stdv, dtype=jnp.float32)
    t = jnp.ones((1,), dtype=jnp.float32)
    return {"x": x, "edge_index": edge_index, "edge_weight": edge_weight, "weight": weight, "t": t}


def reference(x, edge_index, edge_weight, weight, t):
    # support = x @ W  (th.spmm(x, weight) with dense x degenerates to matmul)
    support = x @ weight
    # sparse adj @ support expressed as gather + scatter-add over edges
    src = edge_index[0]
    dst = edge_index[1]
    msgs = support[src] * edge_weight[:, None]
    agg = jax.ops.segment_sum(msgs, dst, num_segments=N)
    term_identity = (1.0 - t) * support
    term_adj = t * agg
    return term_identity + term_adj

if __name__ == "__main__":
    import jax
    _d = setup_inputs()
    print(jax.jit(kernel)(*tuple(_d.values())))

</pallas_src>

<mosaic_0001>
#map = affine_map<(d0, d1) -> (0, 0)>
#map1 = affine_map<(d0, d1) -> (0, 0, 0)>
module attributes {stable_mosaic.version = 14 : i64} {
  func.func @_edge_body(%arg0: i32, %arg1: i32, %arg2: memref<10000x128xf32, #tpu.memory_space<hbm>>, %arg3: memref<32x79x128xi32, #tpu.memory_space<hbm>>, %arg4: memref<32x79x128xi32, #tpu.memory_space<hbm>>, %arg5: memref<32x10112xf32, #tpu.memory_space<hbm>>, %arg6: memref<2x10000x128xf32, #tpu.memory_space<hbm>>, %arg7: memref<79x128xi32, #tpu.memory_space<vmem>>, %arg8: memref<79x128xi32, #tpu.memory_space<vmem>>, %arg9: memref<10112xf32, #tpu.memory_space<vmem>>, %arg10: memref<128x128xf32, #tpu.memory_space<vmem>>, %arg11: memref<10000x128xf32, #tpu.memory_space<vmem_shared>>, %arg12: memref<!tpu.dma_semaphore, #tpu.memory_space<semaphore_mem>>) attributes {dimension_semantics = [#tpu.dimension_semantics<core_parallel>, #tpu.dimension_semantics<subcore_parallel>], iteration_bounds = array<i64: 2, 16>, scalar_prefetch = 0 : i64, scratch_operands = 6 : i64, tpu.core_type = #tpu.core_type<sc_vector_subcore>, window_params = [{transform_indices = #map}, {transform_indices = #map1}, {transform_indices = #map1}, {transform_indices = #map}, {transform_indices = #map1}]} {
    %mul3A = arith.constant 2 : i32
    %mul3A_0 = arith.muli %arg1, %mul3A : i32
    %add3A = arith.addi %mul3A_0, %arg0 : i32
    %scan3A = arith.constant 0 : i32
    %scan3A_1 = arith.constant 0 : i32
    %scan3A_2 = arith.constant 128 : i32
    %scan3A_3 = arith.addi %scan3A_1, %scan3A_2 : i32
    %scan3A_4 = arith.constant 1 : i32
    %scan3A_5 = scf.for %scan3A_151 = %scan3A_1 to %scan3A_3 step %scan3A_4 iter_args(%scan3A_152 = %scan3A) -> (i32)  : i32 {
      %broadcast_in_dim3A = arith.constant 0.000000e+00 : f32
      %broadcast_in_dim3A_153 = vector.broadcast %broadcast_in_dim3A : f32 to vector<16xf32>
      %swap3A = arith.index_cast %scan3A_151 : i32 to index
      %swap3A_154 = arith.constant 0 : index
      %swap3A_155 = tpu.vector_load %arg10[%swap3A, %swap3A_154] {strides = array<i32>} : memref<128x128xf32, #tpu.memory_space<vmem>>, vector<16xf32>,
      tpu.vector_store %arg10[%swap3A, %swap3A_154], %broadcast_in_dim3A_153 {strides = array<i32>} : memref<128x128xf32, #tpu.memory_space<vmem>>, vector<16xf32>,
      %broadcast_in_dim3A_156 = arith.constant 0.000000e+00 : f32
      %broadcast_in_dim3A_157 = vector.broadcast %broadcast_in_dim3A_156 : f32 to vector<16xf32>
      %swap3A_158 = arith.index_cast %scan3A_151 : i32 to index
      %swap3A_159 = arith.constant 16 : index
      %swap3A_160 = tpu.vector_load %arg10[%swap3A_158, %swap3A_159] {strides = array<i32>} : memref<128x128xf32, #tpu.memory_space<vmem>>, vector<16xf32>,
      tpu.vector_store %arg10[%swap3A_158, %swap3A_159], %broadcast_in_dim3A_157 {strides = array<i32>} : memref<128x128xf32, #tpu.memory_space<vmem>>, vector<16xf32>,
      %broadcast_in_dim3A_161 = arith.constant 0.000000e+00 : f32
      %broadcast_in_dim3A_162 = vector.broadcast %broadcast_in_dim3A_161 : f32 to vector<16xf32>
      %swap3A_163 = arith.index_cast %scan3A_151 : i32 to index
      %swap3A_164 = arith.constant 32 : index
      %swap3A_165 = tpu.vector_load %arg10[%swap3A_163, %swap3A_164] {strides = array<i32>} : memref<128x128xf32, #tpu.memory_space<vmem>>, vector<16xf32>,
      tpu.vector_store %arg10[%swap3A_163, %swap3A_164], %broadcast_in_dim3A_162 {strides = array<i32>} : memref<128x128xf32, #tpu.memory_space<vmem>>, vector<16xf32>,
      %broadcast_in_dim3A_166 = arith.constant 0.000000e+00 : f32
      %broadcast_in_dim3A_167 = vector.broadcast %broadcast_in_dim3A_166 : f32 to vector<16xf32>
      %swap3A_168 = arith.index_cast %scan3A_151 : i32 to index
      %swap3A_169 = arith.constant 48 : index
      %swap3A_170 = tpu.vector_load %arg10[%swap3A_168, %swap3A_169] {strides = array<i32>} : memref<128x128xf32, #tpu.memory_space<vmem>>, vector<16xf32>,
      tpu.vector_store %arg10[%swap3A_168, %swap3A_169], %broadcast_in_dim3A_167 {strides = array<i32>} : memref<128x128xf32, #tpu.memory_space<vmem>>, vector<16xf32>,
      %broadcast_in_dim3A_171 = arith.constant 0.000000e+00 : f32
      %broadcast_in_dim3A_172 = vector.broadcast %broadcast_in_dim3A_171 : f32 to vector<16xf32>
      %swap3A_173 = arith.index_cast %scan3A_151 : i32 to index
      %swap3A_174 = arith.constant 64 : index
      %swap3A_175 = tpu.vector_load %arg10[%swap3A_173, %swap3A_174] {strides = array<i32>} : memref<128x128xf32, #tpu.memory_space<vmem>>, vector<16xf32>,
      tpu.vector_store %arg10[%swap3A_173, %swap3A_174], %broadcast_in_dim3A_172 {strides = array<i32>} : memref<128x128xf32, #tpu.memory_space<vmem>>, vector<16xf32>,
      %broadcast_in_dim3A_176 = arith.constant 0.000000e+00 : f32
      %broadcast_in_dim3A_177 = vector.broadcast %broadcast_in_dim3A_176 : f32 to vector<16xf32>
      %swap3A_178 = arith.index_cast %scan3A_151 : i32 to index
      %swap3A_179 = arith.constant 80 : index
      %swap3A_180 = tpu.vector_load %arg10[%swap3A_178, %swap3A_179] {strides = array<i32>} : memref<128x128xf32, #tpu.memory_space<vmem>>, vector<16xf32>,
      tpu.vector_store %arg10[%swap3A_178, %swap3A_179], %broadcast_in_dim3A_177 {strides = array<i32>} : memref<128x128xf32, #tpu.memory_space<vmem>>, vector<16xf32>,
      %broadcast_in_dim3A_181 = arith.constant 0.000000e+00 : f32
      %broadcast_in_dim3A_182 = vector.broadcast %broadcast_in_dim3A_181 : f32 to vector<16xf32>
      %swap3A_183 = arith.index_cast %scan3A_151 : i32 to index
      %swap3A_184 = arith.constant 96 : index
      %swap3A_185 = tpu.vector_load %arg10[%swap3A_183, %swap3A_184] {strides = array<i32>} : memref<128x128xf32, #tpu.memory_space<vmem>>, vector<16xf32>,
      tpu.vector_store %arg10[%swap3A_183, %swap3A_184], %broadcast_in_dim3A_182 {strides = array<i32>} : memref<128x128xf32, #tpu.memory_space<vmem>>, vector<16xf32>,
      %broadcast_in_dim3A_186 = arith.constant 0.000000e+00 : f32
      %broadcast_in_dim3A_187 = vector.broadcast %broadcast_in_dim3A_186 : f32 to vector<16xf32>
      %swap3A_188 = arith.index_cast %scan3A_151 : i32 to index
      %swap3A_189 = arith.constant 112 : index
      %swap3A_190 = tpu.vector_load %arg10[%swap3A_188, %swap3A_189] {strides = array<i32>} : memref<128x128xf32, #tpu.memory_space<vmem>>, vector<16xf32>,
      tpu.vector_store %arg10[%swap3A_188, %swap3A_189], %broadcast_in_dim3A_187 {strides = array<i32>} : memref<128x128xf32, #tpu.memory_space<vmem>>, vector<16xf32>,
      %scan3A_191 = arith.constant 0 : i32
      scf.yield %scan3A_191 : i32
    }
    %scan3A_6 = arith.constant 128 : i32
    %mul3A_7 = arith.constant 5 : i32
    %mul3A_8 = arith.muli %arg1, %mul3A_7 : i32
    %add3A_9 = arith.constant 0 : i32
    %add3A_10 = arith.addi %mul3A_8, %add3A_9 : i32
    %lt3A = arith.constant 78 : i32
    %lt3A_11 = arith.cmpi slt, %add3A_10, %lt3A : i32
    %convert_element_type3A = arith.extui %lt3A_11 : i1 to i32
    %cond3A = arith.constant 0 : i32
    %cond3A_12 = arith.cmpi ne, %convert_element_type3A, %cond3A : i32
    scf.if %cond3A_12 {
      %mul3A_151 = arith.constant 128 : i32
      %mul3A_152 = arith.muli %add3A_10, %mul3A_151 : i32
      "tpu.region"() ({
        %run_scoped3A = tpu.sem_alloc : memref<!tpu.dma_semaphore, #tpu.memory_space<semaphore_mem>>
        %dma_start3A = arith.constant 0 : i32
        %dma_start3A_153 = tpu.memref_slice %arg11[%mul3A_152, %dma_start3A] : memref<10000x128xf32, #tpu.memory_space<vmem_shared>> -> memref<128x128xf32, #tpu.memory_space<vmem_shared>>
        %dma_start3A_154 = arith.constant 0 : i32
        %dma_start3A_155 = tpu.memref_slice %arg11[%mul3A_152, %dma_start3A_154] : memref<10000x128xf32, #tpu.memory_space<vmem_shared>> -> memref<128x128xf32, #tpu.memory_space<vmem_shared>>
        tpu.enqueue_dma source(%arg10 : memref<128x128xf32, #tpu.memory_space<vmem>>) target(%dma_start3A_155 : memref<128x128xf32, #tpu.memory_space<vmem_shared>>) target_semaphore(%run_scoped3A : memref<!tpu.dma_semaphore, #tpu.memory_space<semaphore_mem>>)
        %dma_wait3A = arith.constant 0 : i32
        %dma_wait3A_156 = tpu.memref_slice %arg11[%mul3A_152, %dma_wait3A] : memref<10000x128xf32, #tpu.memory_space<vmem_shared>> -> memref<128x128xf32, #tpu.memory_space<vmem_shared>>
        %dma_wait3A_157 = arith.constant 0 : i32
        %dma_wait3A_158 = tpu.memref_slice %arg11[%mul3A_152, %dma_wait3A_157] : memref<10000x128xf32, #tpu.memory_space<vmem_shared>> -> memref<128x128xf32, #tpu.memory_space<vmem_shared>>
        tpu.wait_dma2 semaphore(%run_scoped3A : memref<!tpu.dma_semaphore, #tpu.memory_space<semaphore_mem>>) src(%arg10 : memref<128x128xf32, #tpu.memory_space<vmem>>) dst(%dma_wait3A_158 : memref<128x128xf32, #tpu.memory_space<vmem_shared>>)
        tpu.yield
      }) : () -> ()
    } else {
    }
    %eq3A = arith.constant 78 : i32
    %eq3A_13 = arith.cmpi eq, %add3A_10, %eq3A : i32
    %convert_element_type3A_14 = arith.extui %eq3A_13 : i1 to i32
    %cond3A_15 = arith.constant 0 : i32
    %cond3A_16 = arith.cmpi ne, %convert_element_type3A_14, %cond3A_15 : i32
    scf.if %cond3A_16 {
      "tpu.region"() ({
        %run_scoped3A = tpu.sem_alloc : memref<!tpu.dma_semaphore, #tpu.memory_space<semaphore_mem>>
        %dma_start3A = arith.constant 0 : i32
        %dma_start3A_151 = arith.constant 0 : i32
        %dma_start3A_152 = tpu.memref_slice %arg10[%dma_start3A, %dma_start3A_151] : memref<128x128xf32, #tpu.memory_space<vmem>> -> memref<16x128xf32, #tpu.memory_space<vmem>>
        %dma_start3A_153 = arith.constant 9984 : i32
        %dma_start3A_154 = arith.constant 0 : i32
        %dma_start3A_155 = tpu.memref_slice %arg11[%dma_start3A_153, %dma_start3A_154] : memref<10000x128xf32, #tpu.memory_space<vmem_shared>> -> memref<16x128xf32, #tpu.memory_space<vmem_shared>>
        %dma_start3A_156 = arith.constant 9984 : i32
        %dma_start3A_157 = arith.constant 0 : i32
        %dma_start3A_158 = tpu.memref_slice %arg11[%dma_start3A_156, %dma_start3A_157] : memref<10000x128xf32, #tpu.memory_space<vmem_shared>> -> memref<16x128xf32, #tpu.memory_space<vmem_shared>>
        %dma_start3A_159 = arith.constant 0 : i32
        %dma_start3A_160 = arith.constant 0 : i32
        %dma_start3A_161 = tpu.memref_slice %arg10[%dma_start3A_159, %dma_start3A_160] : memref<128x128xf32, #tpu.memory_space<vmem>> -> memref<16x128xf32, #tpu.memory_space<vmem>>
        tpu.enqueue_dma source(%dma_start3A_161 : memref<16x128xf32, #tpu.memory_space<vmem>>) target(%dma_start3A_158 : memref<16x128xf32, #tpu.memory_space<vmem_shared>>) target_semaphore(%run_scoped3A : memref<!tpu.dma_semaphore, #tpu.memory_space<semaphore_mem>>)
        %dma_wait3A = arith.constant 0 : i32
        %dma_wait3A_162 = arith.constant 0 : i32
        %dma_wait3A_163 = tpu.memref_slice %arg10[%dma_wait3A, %dma_wait3A_162] : memref<128x128xf32, #tpu.memory_space<vmem>> -> memref<16x128xf32, #tpu.memory_space<vmem>>
        %dma_wait3A_164 = arith.constant 9984 : i32
        %dma_wait3A_165 = arith.constant 0 : i32
        %dma_wait3A_166 = tpu.memref_slice %arg11[%dma_wait3A_164, %dma_wait3A_165] : memref<10000x128xf32, #tpu.memory_space<vmem_shared>> -> memref<16x128xf32, #tpu.memory_space<vmem_shared>>
        %dma_wait3A_167 = arith.constant 9984 : i32
        %dma_wait3A_168 = arith.constant 0 : i32
        %dma_wait3A_169 = tpu.memref_slice %arg11[%dma_wait3A_167, %dma_wait3A_168] : memref<10000x128xf32, #tpu.memory_space<vmem_shared>> -> memref<16x128xf32, #tpu.memory_space<vmem_shared>>
        %dma_wait3A_170 = arith.constant 0 : i32
        %dma_wait3A_171 = arith.constant 0 : i32
        %dma_wait3A_172 = tpu.memref_slice %arg10[%dma_wait3A_170, %dma_wait3A_171] : memref<128x128xf32, #tpu.memory_space<vmem>> -> memref<16x128xf32, #tpu.memory_space<vmem>>
        tpu.wait_dma2 semaphore(%run_scoped3A : memref<!tpu.dma_semaphore, #tpu.memory_space<semaphore_mem>>) src(%dma_wait3A_172 : memref<16x128xf32, #tpu.memory_space<vmem>>) dst(%dma_wait3A_169 : memref<16x128xf32, #tpu.memory_space<vmem_shared>>)
        tpu.yield
      }) : () -> ()
    } else {
    }
    %mul3A_17 = arith.constant 5 : i32
    %mul3A_18 = arith.muli %arg1, %mul3A_17 : i32
    %add3A_19 = arith.constant 1 : i32
    %add3A_20 = arith.addi %mul3A_18, %add3A_19 : i32
    %lt3A_21 = arith.constant 78 : i32
    %lt3A_22 = arith.cmpi slt, %add3A_20, %lt3A_21 : i32
    %convert_element_type3A_23 = arith.extui %lt3A_22 : i1 to i32
    %cond3A_24 = arith.constant 0 : i32
    %cond3A_25 = arith.cmpi ne, %convert_element_type3A_23, %cond3A_24 : i32
    scf.if %cond3A_25 {
      %mul3A_151 = arith.constant 128 : i32
      %mul3A_152 = arith.muli %add3A_20, %mul3A_151 : i32
      "tpu.region"() ({
        %run_scoped3A = tpu.sem_alloc : memref<!tpu.dma_semaphore, #tpu.memory_space<semaphore_mem>>
        %dma_start3A = arith.constant 0 : i32
        %dma_start3A_153 = tpu.memref_slice %arg11[%mul3A_152, %dma_start3A] : memref<10000x128xf32, #tpu.memory_space<vmem_shared>> -> memref<128x128xf32, #tpu.memory_space<vmem_shared>>
        %dma_start3A_154 = arith.constant 0 : i32
        %dma_start3A_155 = tpu.memref_slice %arg11[%mul3A_152, %dma_start3A_154] : memref<10000x128xf32, #tpu.memory_space<vmem_shared>> -> memref<128x128xf32, #tpu.memory_space<vmem_shared>>
        tpu.enqueue_dma source(%arg10 : memref<128x128xf32, #tpu.memory_space<vmem>>) target(%dma_start3A_155 : memref<128x128xf32, #tpu.memory_space<vmem_shared>>) target_semaphore(%run_scoped3A : memref<!tpu.dma_semaphore, #tpu.memory_space<semaphore_mem>>)
        %dma_wait3A = arith.constant 0 : i32
        %dma_wait3A_156 = tpu.memref_slice %arg11[%mul3A_152, %dma_wait3A] : memref<10000x128xf32, #tpu.memory_space<vmem_shared>> -> memref<128x128xf32, #tpu.memory_space<vmem_shared>>
        %dma_wait3A_157 = arith.constant 0 : i32
        %dma_wait3A_158 = tpu.memref_slice %arg11[%mul3A_152, %dma_wait3A_157] : memref<10000x128xf32, #tpu.memory_space<vmem_shared>> -> memref<128x128xf32, #tpu.memory_space<vmem_shared>>
        tpu.wait_dma2 semaphore(%run_scoped3A : memref<!tpu.dma_semaphore, #tpu.memory_space<semaphore_mem>>) src(%arg10 : memref<128x128xf32, #tpu.memory_space<vmem>>) dst(%dma_wait3A_158 : memref<128x128xf32, #tpu.memory_space<vmem_shared>>)
        tpu.yield
      }) : () -> ()
    } else {
    }
    %eq3A_26 = arith.constant 78 : i32
    %eq3A_27 = arith.cmpi eq, %add3A_20, %eq3A_26 : i32
    %convert_element_type3A_28 = arith.extui %eq3A_27 : i1 to i32
    %cond3A_29 = arith.constant 0 : i32
    %cond3A_30 = arith.cmpi ne, %convert_element_type3A_28, %cond3A_29 : i32
    scf.if %cond3A_30 {
      "tpu.region"() ({
        %run_scoped3A = tpu.sem_alloc : memref<!tpu.dma_semaphore, #tpu.memory_space<semaphore_mem>>
        %dma_start3A = arith.constant 0 : i32
        %dma_start3A_151 = arith.constant 0 : i32
        %dma_start3A_152 = tpu.memref_slice %arg10[%dma_start3A, %dma_start3A_151] : memref<128x128xf32, #tpu.memory_space<vmem>> -> memref<16x128xf32, #tpu.memory_space<vmem>>
        %dma_start3A_153 = arith.constant 9984 : i32
        %dma_start3A_154 = arith.constant 0 : i32
        %dma_start3A_155 = tpu.memref_slice %arg11[%dma_start3A_153, %dma_start3A_154] : memref<10000x128xf32, #tpu.memory_space<vmem_shared>> -> memref<16x128xf32, #tpu.memory_space<vmem_shared>>
        %dma_start3A_156 = arith.constant 9984 : i32
        %dma_start3A_157 = arith.constant 0 : i32
        %dma_start3A_158 = tpu.memref_slice %arg11[%dma_start3A_156, %dma_start3A_157] : memref<10000x128xf32, #tpu.memory_space<vmem_shared>> -> memref<16x128xf32, #tpu.memory_space<vmem_shared>>
        %dma_start3A_159 = arith.constant 0 : i32
        %dma_start3A_160 = arith.constant 0 : i32
        %dma_start3A_161 = tpu.memref_slice %arg10[%dma_start3A_159, %dma_start3A_160] : memref<128x128xf32, #tpu.memory_space<vmem>> -> memref<16x128xf32, #tpu.memory_space<vmem>>
        tpu.enqueue_dma source(%dma_start3A_161 : memref<16x128xf32, #tpu.memory_space<vmem>>) target(%dma_start3A_158 : memref<16x128xf32, #tpu.memory_space<vmem_shared>>) target_semaphore(%run_scoped3A : memref<!tpu.dma_semaphore, #tpu.memory_space<semaphore_mem>>)
        %dma_wait3A = arith.constant 0 : i32
        %dma_wait3A_162 = arith.constant 0 : i32
        %dma_wait3A_163 = tpu.memref_slice %arg10[%dma_wait3A, %dma_wait3A_162] : memref<128x128xf32, #tpu.memory_space<vmem>> -> memref<16x128xf32, #tpu.memory_space<vmem>>
        %dma_wait3A_164 = arith.constant 9984 : i32
        %dma_wait3A_165 = arith.constant 0 : i32
        %dma_wait3A_166 = tpu.memref_slice %arg11[%dma_wait3A_164, %dma_wait3A_165] : memref<10000x128xf32, #tpu.memory_space<vmem_shared>> -> memref<16x128xf32, #tpu.memory_space<vmem_shared>>
        %dma_wait3A_167 = arith.constant 9984 : i32
        %dma_wait3A_168 = arith.constant 0 : i32
        %dma_wait3A_169 = tpu.memref_slice %arg11[%dma_wait3A_167, %dma_wait3A_168] : memref<10000x128xf32, #tpu.memory_space<vmem_shared>> -> memref<16x128xf32, #tpu.memory_space<vmem_shared>>
        %dma_wait3A_170 = arith.constant 0 : i32
        %dma_wait3A_171 = arith.constant 0 : i32
        %dma_wait3A_172 = tpu.memref_slice %arg10[%dma_wait3A_170, %dma_wait3A_171] : memref<128x128xf32, #tpu.memory_space<vmem>> -> memref<16x128xf32, #tpu.memory_space<vmem>>
        tpu.wait_dma2 semaphore(%run_scoped3A : memref<!tpu.dma_semaphore, #tpu.memory_space<semaphore_mem>>) src(%dma_wait3A_172 : memref<16x128xf32, #tpu.memory_space<vmem>>) dst(%dma_wait3A_169 : memref<16x128xf32, #tpu.memory_space<vmem_shared>>)
        tpu.yield
      }) : () -> ()
    } else {
    }
    %mul3A_31 = arith.constant 5 : i32
    %mul3A_32 = arith.muli %arg1, %mul3A_31 : i32
    %add3A_33 = arith.constant 2 : i32
    %add3A_34 = arith.addi %mul3A_32, %add3A_33 : i32
    %lt3A_35 = arith.constant 78 : i32
    %lt3A_36 = arith.cmpi slt, %add3A_34, %lt3A_35 : i32
    %convert_element_type3A_37 = arith.extui %lt3A_36 : i1 to i32
    %cond3A_38 = arith.constant 0 : i32
    %cond3A_39 = arith.cmpi ne, %convert_element_type3A_37, %cond3A_38 : i32
    scf.if %cond3A_39 {
      %mul3A_151 = arith.constant 128 : i32
      %mul3A_152 = arith.muli %add3A_34, %mul3A_151 : i32
      "tpu.region"() ({
        %run_scoped3A = tpu.sem_alloc : memref<!tpu.dma_semaphore, #tpu.memory_space<semaphore_mem>>
        %dma_start3A = arith.constant 0 : i32
        %dma_start3A_153 = tpu.memref_slice %arg11[%mul3A_152, %dma_start3A] : memref<10000x128xf32, #tpu.memory_space<vmem_shared>> -> memref<128x128xf32, #tpu.memory_space<vmem_shared>>
        %dma_start3A_154 = arith.constant 0 : i32
        %dma_start3A_155 = tpu.memref_slice %arg11[%mul3A_152, %dma_start3A_154] : memref<10000x128xf32, #tpu.memory_space<vmem_shared>> -> memref<128x128xf32, #tpu.memory_space<vmem_shared>>
        tpu.enqueue_dma source(%arg10 : memref<128x128xf32, #tpu.memory_space<vmem>>) target(%dma_start3A_155 : memref<128x128xf32, #tpu.memory_space<vmem_shared>>) target_semaphore(%run_scoped3A : memref<!tpu.dma_semaphore, #tpu.memory_space<semaphore_mem>>)
        %dma_wait3A = arith.constant 0 : i32
        %dma_wait3A_156 = tpu.memref_slice %arg11[%mul3A_152, %dma_wait3A] : memref<10000x128xf32, #tpu.memory_space<vmem_shared>> -> memref<128x128xf32, #tpu.memory_space<vmem_shared>>
        %dma_wait3A_157 = arith.constant 0 : i32
        %dma_wait3A_158 = tpu.memref_slice %arg11[%mul3A_152, %dma_wait3A_157] : memref<10000x128xf32, #tpu.memory_space<vmem_shared>> -> memref<128x128xf32, #tpu.memory_space<vmem_shared>>
        tpu.wait_dma2 semaphore(%run_scoped3A : memref<!tpu.dma_semaphore, #tpu.memory_space<semaphore_mem>>) src(%arg10 : memref<128x128xf32, #tpu.memory_space<vmem>>) dst(%dma_wait3A_158 : memref<128x128xf32, #tpu.memory_space<vmem_shared>>)
        tpu.yield
      }) : () -> ()
    } else {
    }
    %eq3A_40 = arith.constant 78 : i32
    %eq3A_41 = arith.cmpi eq, %add3A_34, %eq3A_40 : i32
    %convert_element_type3A_42 = arith.extui %eq3A_41 : i1 to i32
    %cond3A_43 = arith.constant 0 : i32
    %cond3A_44 = arith.cmpi ne, %convert_element_type3A_42, %cond3A_43 : i32
    scf.if %cond3A_44 {
      "tpu.region"() ({
        %run_scoped3A = tpu.sem_alloc : memref<!tpu.dma_semaphore, #tpu.memory_space<semaphore_mem>>
        %dma_start3A = arith.constant 0 : i32
        %dma_start3A_151 = arith.constant 0 : i32
        %dma_start3A_152 = tpu.memref_slice %arg10[%dma_start3A, %dma_start3A_151] : memref<128x128xf32, #tpu.memory_space<vmem>> -> memref<16x128xf32, #tpu.memory_space<vmem>>
        %dma_start3A_153 = arith.constant 9984 : i32
        %dma_start3A_154 = arith.constant 0 : i32
        %dma_start3A_155 = tpu.memref_slice %arg11[%dma_start3A_153, %dma_start3A_154] : memref<10000x128xf32, #tpu.memory_space<vmem_shared>> -> memref<16x128xf32, #tpu.memory_space<vmem_shared>>
        %dma_start3A_156 = arith.constant 9984 : i32
        %dma_start3A_157 = arith.constant 0 : i32
        %dma_start3A_158 = tpu.memref_slice %arg11[%dma_start3A_156, %dma_start3A_157] : memref<10000x128xf32, #tpu.memory_space<vmem_shared>> -> memref<16x128xf32, #tpu.memory_space<vmem_shared>>
        %dma_start3A_159 = arith.constant 0 : i32
        %dma_start3A_160 = arith.constant 0 : i32
        %dma_start3A_161 = tpu.memref_slice %arg10[%dma_start3A_159, %dma_start3A_160] : memref<128x128xf32, #tpu.memory_space<vmem>> -> memref<16x128xf32, #tpu.memory_space<vmem>>
        tpu.enqueue_dma source(%dma_start3A_161 : memref<16x128xf32, #tpu.memory_space<vmem>>) target(%dma_start3A_158 : memref<16x128xf32, #tpu.memory_space<vmem_shared>>) target_semaphore(%run_scoped3A : memref<!tpu.dma_semaphore, #tpu.memory_space<semaphore_mem>>)
        %dma_wait3A = arith.constant 0 : i32
        %dma_wait3A_162 = arith.constant 0 : i32
        %dma_wait3A_163 = tpu.memref_slice %arg10[%dma_wait3A, %dma_wait3A_162] : memref<128x128xf32, #tpu.memory_space<vmem>> -> memref<16x128xf32, #tpu.memory_space<vmem>>
        %dma_wait3A_164 = arith.constant 9984 : i32
        %dma_wait3A_165 = arith.constant 0 : i32
        %dma_wait3A_166 = tpu.memref_slice %arg11[%dma_wait3A_164, %dma_wait3A_165] : memref<10000x128xf32, #tpu.memory_space<vmem_shared>> -> memref<16x128xf32, #tpu.memory_space<vmem_shared>>
        %dma_wait3A_167 = arith.constant 9984 : i32
        %dma_wait3A_168 = arith.constant 0 : i32
        %dma_wait3A_169 = tpu.memref_slice %arg11[%dma_wait3A_167, %dma_wait3A_168] : memref<10000x128xf32, #tpu.memory_space<vmem_shared>> -> memref<16x128xf32, #tpu.memory_space<vmem_shared>>
        %dma_wait3A_170 = arith.constant 0 : i32
        %dma_wait3A_171 = arith.constant 0 : i32
        %dma_wait3A_172 = tpu.memref_slice %arg10[%dma_wait3A_170, %dma_wait3A_171] : memref<128x128xf32, #tpu.memory_space<vmem>> -> memref<16x128xf32, #tpu.memory_space<vmem>>
        tpu.wait_dma2 semaphore(%run_scoped3A : memref<!tpu.dma_semaphore, #tpu.memory_space<semaphore_mem>>) src(%dma_wait3A_172 : memref<16x128xf32, #tpu.memory_space<vmem>>) dst(%dma_wait3A_169 : memref<16x128xf32, #tpu.memory_space<vmem_shared>>)
        tpu.yield
      }) : () -> ()
    } else {
    }
    %mul3A_45 = arith.constant 5 : i32
    %mul3A_46 = arith.muli %arg1, %mul3A_45 : i32
    %add3A_47 = arith.constant 3 : i32
    %add3A_48 = arith.addi %mul3A_46, %add3A_47 : i32
    %lt3A_49 = arith.constant 78 : i32
    %lt3A_50 = arith.cmpi slt, %add3A_48, %lt3A_49 : i32
    %convert_element_type3A_51 = arith.extui %lt3A_50 : i1 to i32
    %cond3A_52 = arith.constant 0 : i32
    %cond3A_53 = arith.cmpi ne, %convert_element_type3A_51, %cond3A_52 : i32
    scf.if %cond3A_53 {
      %mul3A_151 = arith.constant 128 : i32
      %mul3A_152 = arith.muli %add3A_48, %mul3A_151 : i32
      "tpu.region"() ({
        %run_scoped3A = tpu.sem_alloc : memref<!tpu.dma_semaphore, #tpu.memory_space<semaphore_mem>>
        %dma_start3A = arith.constant 0 : i32
        %dma_start3A_153 = tpu.memref_slice %arg11[%mul3A_152, %dma_start3A] : memref<10000x128xf32, #tpu.memory_space<vmem_shared>> -> memref<128x128xf32, #tpu.memory_space<vmem_shared>>
        %dma_start3A_154 = arith.constant 0 : i32
        %dma_start3A_155 = tpu.memref_slice %arg11[%mul3A_152, %dma_start3A_154] : memref<10000x128xf32, #tpu.memory_space<vmem_shared>> -> memref<128x128xf32, #tpu.memory_space<vmem_shared>>
        tpu.enqueue_dma source(%arg10 : memref<128x128xf32, #tpu.memory_space<vmem>>) target(%dma_start3A_155 : memref<128x128xf32, #tpu.memory_space<vmem_shared>>) target_semaphore(%run_scoped3A : memref<!tpu.dma_semaphore, #tpu.memory_space<semaphore_mem>>)
        %dma_wait3A = arith.constant 0 : i32
        %dma_wait3A_156 = tpu.memref_slice %arg11[%mul3A_152, %dma_wait3A] : memref<10000x128xf32, #tpu.memory_space<vmem_shared>> -> memref<128x128xf32, #tpu.memory_space<vmem_shared>>
        %dma_wait3A_157 = arith.constant 0 : i32
        %dma_wait3A_158 = tpu.memref_slice %arg11[%mul3A_152, %dma_wait3A_157] : memref<10000x128xf32, #tpu.memory_space<vmem_shared>> -> memref<128x128xf32, #tpu.memory_space<vmem_shared>>
        tpu.wait_dma2 semaphore(%run_scoped3A : memref<!tpu.dma_semaphore, #tpu.memory_space<semaphore_mem>>) src(%arg10 : memref<128x128xf32, #tpu.memory_space<vmem>>) dst(%dma_wait3A_158 : memref<128x128xf32, #tpu.memory_space<vmem_shared>>)
        tpu.yield
      }) : () -> ()
    } else {
    }
    %eq3A_54 = arith.constant 78 : i32
    %eq3A_55 = arith.cmpi eq, %add3A_48, %eq3A_54 : i32
    %convert_element_type3A_56 = arith.extui %eq3A_55 : i1 to i32
    %cond3A_57 = arith.constant 0 : i32
    %cond3A_58 = arith.cmpi ne, %convert_element_type3A_56, %cond3A_57 : i32
    scf.if %cond3A_58 {
      "tpu.region"() ({
        %run_scoped3A = tpu.sem_alloc : memref<!tpu.dma_semaphore, #tpu.memory_space<semaphore_mem>>
        %dma_start3A = arith.constant 0 : i32
        %dma_start3A_151 = arith.constant 0 : i32
        %dma_start3A_152 = tpu.memref_slice %arg10[%dma_start3A, %dma_start3A_151] : memref<128x128xf32, #tpu.memory_space<vmem>> -> memref<16x128xf32, #tpu.memory_space<vmem>>
        %dma_start3A_153 = arith.constant 9984 : i32
        %dma_start3A_154 = arith.constant 0 : i32
        %dma_start3A_155 = tpu.memref_slice %arg11[%dma_start3A_153, %dma_start3A_154] : memref<10000x128xf32, #tpu.memory_space<vmem_shared>> -> memref<16x128xf32, #tpu.memory_space<vmem_shared>>
        %dma_start3A_156 = arith.constant 9984 : i32
        %dma_start3A_157 = arith.constant 0 : i32
        %dma_start3A_158 = tpu.memref_slice %arg11[%dma_start3A_156, %dma_start3A_157] : memref<10000x128xf32, #tpu.memory_space<vmem_shared>> -> memref<16x128xf32, #tpu.memory_space<vmem_shared>>
        %dma_start3A_159 = arith.constant 0 : i32
        %dma_start3A_160 = arith.constant 0 : i32
        %dma_start3A_161 = tpu.memref_slice %arg10[%dma_start3A_159, %dma_start3A_160] : memref<128x128xf32, #tpu.memory_space<vmem>> -> memref<16x128xf32, #tpu.memory_space<vmem>>
        tpu.enqueue_dma source(%dma_start3A_161 : memref<16x128xf32, #tpu.memory_space<vmem>>) target(%dma_start3A_158 : memref<16x128xf32, #tpu.memory_space<vmem_shared>>) target_semaphore(%run_scoped3A : memref<!tpu.dma_semaphore, #tpu.memory_space<semaphore_mem>>)
        %dma_wait3A = arith.constant 0 : i32
        %dma_wait3A_162 = arith.constant 0 : i32
        %dma_wait3A_163 = tpu.memref_slice %arg10[%dma_wait3A, %dma_wait3A_162] : memref<128x128xf32, #tpu.memory_space<vmem>> -> memref<16x128xf32, #tpu.memory_space<vmem>>
        %dma_wait3A_164 = arith.constant 9984 : i32
        %dma_wait3A_165 = arith.constant 0 : i32
        %dma_wait3A_166 = tpu.memref_slice %arg11[%dma_wait3A_164, %dma_wait3A_165] : memref<10000x128xf32, #tpu.memory_space<vmem_shared>> -> memref<16x128xf32, #tpu.memory_space<vmem_shared>>
        %dma_wait3A_167 = arith.constant 9984 : i32
        %dma_wait3A_168 = arith.constant 0 : i32
        %dma_wait3A_169 = tpu.memref_slice %arg11[%dma_wait3A_167, %dma_wait3A_168] : memref<10000x128xf32, #tpu.memory_space<vmem_shared>> -> memref<16x128xf32, #tpu.memory_space<vmem_shared>>
        %dma_wait3A_170 = arith.constant 0 : i32
        %dma_wait3A_171 = arith.constant 0 : i32
        %dma_wait3A_172 = tpu.memref_slice %arg10[%dma_wait3A_170, %dma_wait3A_171] : memref<128x128xf32, #tpu.memory_space<vmem>> -> memref<16x128xf32, #tpu.memory_space<vmem>>
        tpu.wait_dma2 semaphore(%run_scoped3A : memref<!tpu.dma_semaphore, #tpu.memory_space<semaphore_mem>>) src(%dma_wait3A_172 : memref<16x128xf32, #tpu.memory_space<vmem>>) dst(%dma_wait3A_169 : memref<16x128xf32, #tpu.memory_space<vmem_shared>>)
        tpu.yield
      }) : () -> ()
    } else {
    }
    %mul3A_59 = arith.constant 5 : i32
    %mul3A_60 = arith.muli %arg1, %mul3A_59 : i32
    %add3A_61 = arith.constant 4 : i32
    %add3A_62 = arith.addi %mul3A_60, %add3A_61 : i32
    %lt3A_63 = arith.constant 78 : i32
    %lt3A_64 = arith.cmpi slt, %add3A_62, %lt3A_63 : i32
    %convert_element_type3A_65 = arith.extui %lt3A_64 : i1 to i32
    %cond3A_66 = arith.constant 0 : i32
    %cond3A_67 = arith.cmpi ne, %convert_element_type3A_65, %cond3A_66 : i32
    scf.if %cond3A_67 {
      %mul3A_151 = arith.constant 128 : i32
      %mul3A_152 = arith.muli %add3A_62, %mul3A_151 : i32
      "tpu.region"() ({
        %run_scoped3A = tpu.sem_alloc : memref<!tpu.dma_semaphore, #tpu.memory_space<semaphore_mem>>
        %dma_start3A = arith.constant 0 : i32
        %dma_start3A_153 = tpu.memref_slice %arg11[%mul3A_152, %dma_start3A] : memref<10000x128xf32, #tpu.memory_space<vmem_shared>> -> memref<128x128xf32, #tpu.memory_space<vmem_shared>>
        %dma_start3A_154 = arith.constant 0 : i32
        %dma_start3A_155 = tpu.memref_slice %arg11[%mul3A_152, %dma_start3A_154] : memref<10000x128xf32, #tpu.memory_space<vmem_shared>> -> memref<128x128xf32, #tpu.memory_space<vmem_shared>>
        tpu.enqueue_dma source(%arg10 : memref<128x128xf32, #tpu.memory_space<vmem>>) target(%dma_start3A_155 : memref<128x128xf32, #tpu.memory_space<vmem_shared>>) target_semaphore(%run_scoped3A : memref<!tpu.dma_semaphore, #tpu.memory_space<semaphore_mem>>)
        %dma_wait3A = arith.constant 0 : i32
        %dma_wait3A_156 = tpu.memref_slice %arg11[%mul3A_152, %dma_wait3A] : memref<10000x128xf32, #tpu.memory_space<vmem_shared>> -> memref<128x128xf32, #tpu.memory_space<vmem_shared>>
        %dma_wait3A_157 = arith.constant 0 : i32
        %dma_wait3A_158 = tpu.memref_slice %arg11[%mul3A_152, %dma_wait3A_157] : memref<10000x128xf32, #tpu.memory_space<vmem_shared>> -> memref<128x128xf32, #tpu.memory_space<vmem_shared>>
        tpu.wait_dma2 semaphore(%run_scoped3A : memref<!tpu.dma_semaphore, #tpu.memory_space<semaphore_mem>>) src(%arg10 : memref<128x128xf32, #tpu.memory_space<vmem>>) dst(%dma_wait3A_158 : memref<128x128xf32, #tpu.memory_space<vmem_shared>>)
        tpu.yield
      }) : () -> ()
    } else {
    }
    %eq3A_68 = arith.constant 78 : i32
    %eq3A_69 = arith.cmpi eq, %add3A_62, %eq3A_68 : i32
    %convert_element_type3A_70 = arith.extui %eq3A_69 : i1 to i32
    %cond3A_71 = arith.constant 0 : i32
    %cond3A_72 = arith.cmpi ne, %convert_element_type3A_70, %cond3A_71 : i32
    scf.if %cond3A_72 {
      "tpu.region"() ({
        %run_scoped3A = tpu.sem_alloc : memref<!tpu.dma_semaphore, #tpu.memory_space<semaphore_mem>>
        %dma_start3A = arith.constant 0 : i32
        %dma_start3A_151 = arith.constant 0 : i32
        %dma_start3A_152 = tpu.memref_slice %arg10[%dma_start3A, %dma_start3A_151] : memref<128x128xf32, #tpu.memory_space<vmem>> -> memref<16x128xf32, #tpu.memory_space<vmem>>
        %dma_start3A_153 = arith.constant 9984 : i32
        %dma_start3A_154 = arith.constant 0 : i32
        %dma_start3A_155 = tpu.memref_slice %arg11[%dma_start3A_153, %dma_start3A_154] : memref<10000x128xf32, #tpu.memory_space<vmem_shared>> -> memref<16x128xf32, #tpu.memory_space<vmem_shared>>
        %dma_start3A_156 = arith.constant 9984 : i32
        %dma_start3A_157 = arith.constant 0 : i32
        %dma_start3A_158 = tpu.memref_slice %arg11[%dma_start3A_156, %dma_start3A_157] : memref<10000x128xf32, #tpu.memory_space<vmem_shared>> -> memref<16x128xf32, #tpu.memory_space<vmem_shared>>
        %dma_start3A_159 = arith.constant 0 : i32
        %dma_start3A_160 = arith.constant 0 : i32
        %dma_start3A_161 = tpu.memref_slice %arg10[%dma_start3A_159, %dma_start3A_160] : memref<128x128xf32, #tpu.memory_space<vmem>> -> memref<16x128xf32, #tpu.memory_space<vmem>>
        tpu.enqueue_dma source(%dma_start3A_161 : memref<16x128xf32, #tpu.memory_space<vmem>>) target(%dma_start3A_158 : memref<16x128xf32, #tpu.memory_space<vmem_shared>>) target_semaphore(%run_scoped3A : memref<!tpu.dma_semaphore, #tpu.memory_space<semaphore_mem>>)
        %dma_wait3A = arith.constant 0 : i32
        %dma_wait3A_162 = arith.constant 0 : i32
        %dma_wait3A_163 = tpu.memref_slice %arg10[%dma_wait3A, %dma_wait3A_162] : memref<128x128xf32, #tpu.memory_space<vmem>> -> memref<16x128xf32, #tpu.memory_space<vmem>>
        %dma_wait3A_164 = arith.constant 9984 : i32
        %dma_wait3A_165 = arith.constant 0 : i32
        %dma_wait3A_166 = tpu.memref_slice %arg11[%dma_wait3A_164, %dma_wait3A_165] : memref<10000x128xf32, #tpu.memory_space<vmem_shared>> -> memref<16x128xf32, #tpu.memory_space<vmem_shared>>
        %dma_wait3A_167 = arith.constant 9984 : i32
        %dma_wait3A_168 = arith.constant 0 : i32
        %dma_wait3A_169 = tpu.memref_slice %arg11[%dma_wait3A_167, %dma_wait3A_168] : memref<10000x128xf32, #tpu.memory_space<vmem_shared>> -> memref<16x128xf32, #tpu.memory_space<vmem_shared>>
        %dma_wait3A_170 = arith.constant 0 : i32
        %dma_wait3A_171 = arith.constant 0 : i32
        %dma_wait3A_172 = tpu.memref_slice %arg10[%dma_wait3A_170, %dma_wait3A_171] : memref<128x128xf32, #tpu.memory_space<vmem>> -> memref<16x128xf32, #tpu.memory_space<vmem>>
        tpu.wait_dma2 semaphore(%run_scoped3A : memref<!tpu.dma_semaphore, #tpu.memory_space<semaphore_mem>>) src(%dma_wait3A_172 : memref<16x128xf32, #tpu.memory_space<vmem>>) dst(%dma_wait3A_169 : memref<16x128xf32, #tpu.memory_space<vmem_shared>>)
        tpu.yield
      }) : () -> ()
    } else {
    }
    "tpu.region"() ({
      %run_scoped3A = tpu.sem_alloc : memref<!tpu.dma_semaphore, #tpu.memory_space<semaphore_mem>>
      %dma_start3A = arith.constant 0 : i32
      %dma_start3A_151 = arith.constant 0 : i32
      %dma_start3A_152 = tpu.memref_slice %arg3[%add3A, %dma_start3A, %dma_start3A_151] : memref<32x79x128xi32, #tpu.memory_space<hbm>> -> memref<1x79x128xi32, #tpu.memory_space<hbm>>
      %dma_start3A_153 = tpu.memref_squeeze %dma_start3A_152 : memref<1x79x128xi32, #tpu.memory_space<hbm>> -> memref<79x128xi32, #tpu.memory_space<hbm>>
      %dma_start3A_154 = arith.constant 0 : i32
      %dma_start3A_155 = arith.constant 0 : i32
      %dma_start3A_156 = tpu.memref_slice %arg3[%add3A, %dma_start3A_154, %dma_start3A_155] : memref<32x79x128xi32, #tpu.memory_space<hbm>> -> memref<1x79x128xi32, #tpu.memory_space<hbm>>
      %dma_start3A_157 = tpu.memref_squeeze %dma_start3A_156 : memref<1x79x128xi32, #tpu.memory_space<hbm>> -> memref<79x128xi32, #tpu.memory_space<hbm>>
      tpu.enqueue_dma source(%dma_start3A_157 : memref<79x128xi32, #tpu.memory_space<hbm>>) target(%arg7 : memref<79x128xi32, #tpu.memory_space<vmem>>) target_semaphore(%run_scoped3A : memref<!tpu.dma_semaphore, #tpu.memory_space<semaphore_mem>>)
      %dma_wait3A = arith.constant 0 : i32
      %dma_wait3A_158 = arith.constant 0 : i32
      %dma_wait3A_159 = tpu.memref_slice %arg3[%add3A, %dma_wait3A, %dma_wait3A_158] : memref<32x79x128xi32, #tpu.memory_space<hbm>> -> memref<1x79x128xi32, #tpu.memory_space<hbm>>
      %dma_wait3A_160 = tpu.memref_squeeze %dma_wait3A_159 : memref<1x79x128xi32, #tpu.memory_space<hbm>> -> memref<79x128xi32, #tpu.memory_space<hbm>>
      %dma_wait3A_161 = arith.constant 0 : i32
      %dma_wait3A_162 = arith.constant 0 : i32
      %dma_wait3A_163 = tpu.memref_slice %arg3[%add3A, %dma_wait3A_161, %dma_wait3A_162] : memref<32x79x128xi32, #tpu.memory_space<hbm>> -> memref<1x79x128xi32, #tpu.memory_space<hbm>>
      %dma_wait3A_164 = tpu.memref_squeeze %dma_wait3A_163 : memref<1x79x128xi32, #tpu.memory_space<hbm>> -> memref<79x128xi32, #tpu.memory_space<hbm>>
      tpu.wait_dma2 semaphore(%run_scoped3A : memref<!tpu.dma_semaphore, #tpu.memory_space<semaphore_mem>>) src(%dma_wait3A_164 : memref<79x128xi32, #tpu.memory_space<hbm>>) dst(%arg7 : memref<79x128xi32, #tpu.memory_space<vmem>>)
      tpu.yield
    }) : () -> ()
    "tpu.region"() ({
      %run_scoped3A = tpu.sem_alloc : memref<!tpu.dma_semaphore, #tpu.memory_space<semaphore_mem>>
      %dma_start3A = arith.constant 0 : i32
      %dma_start3A_151 = arith.constant 0 : i32
      %dma_start3A_152 = tpu.memref_slice %arg4[%add3A, %dma_start3A, %dma_start3A_151] : memref<32x79x128xi32, #tpu.memory_space<hbm>> -> memref<1x79x128xi32, #tpu.memory_space<hbm>>
      %dma_start3A_153 = tpu.memref_squeeze %dma_start3A_152 : memref<1x79x128xi32, #tpu.memory_space<hbm>> -> memref<79x128xi32, #tpu.memory_space<hbm>>
      %dma_start3A_154 = arith.constant 0 : i32
      %dma_start3A_155 = arith.constant 0 : i32
      %dma_start3A_156 = tpu.memref_slice %arg4[%add3A, %dma_start3A_154, %dma_start3A_155] : memref<32x79x128xi32, #tpu.memory_space<hbm>> -> memref<1x79x128xi32, #tpu.memory_space<hbm>>
      %dma_start3A_157 = tpu.memref_squeeze %dma_start3A_156 : memref<1x79x128xi32, #tpu.memory_space<hbm>> -> memref<79x128xi32, #tpu.memory_space<hbm>>
      tpu.enqueue_dma source(%dma_start3A_157 : memref<79x128xi32, #tpu.memory_space<hbm>>) target(%arg8 : memref<79x128xi32, #tpu.memory_space<vmem>>) target_semaphore(%run_scoped3A : memref<!tpu.dma_semaphore, #tpu.memory_space<semaphore_mem>>)
      %dma_wait3A = arith.constant 0 : i32
      %dma_wait3A_158 = arith.constant 0 : i32
      %dma_wait3A_159 = tpu.memref_slice %arg4[%add3A, %dma_wait3A, %dma_wait3A_158] : memref<32x79x128xi32, #tpu.memory_space<hbm>> -> memref<1x79x128xi32, #tpu.memory_space<hbm>>
      %dma_wait3A_160 = tpu.memref_squeeze %dma_wait3A_159 : memref<1x79x128xi32, #tpu.memory_space<hbm>> -> memref<79x128xi32, #tpu.memory_space<hbm>>
      %dma_wait3A_161 = arith.constant 0 : i32
      %dma_wait3A_162 = arith.constant 0 : i32
      %dma_wait3A_163 = tpu.memref_slice %arg4[%add3A, %dma_wait3A_161, %dma_wait3A_162] : memref<32x79x128xi32, #tpu.memory_space<hbm>> -> memref<1x79x128xi32, #tpu.memory_space<hbm>>
      %dma_wait3A_164 = tpu.memref_squeeze %dma_wait3A_163 : memref<1x79x128xi32, #tpu.memory_space<hbm>> -> memref<79x128xi32, #tpu.memory_space<hbm>>
      tpu.wait_dma2 semaphore(%run_scoped3A : memref<!tpu.dma_semaphore, #tpu.memory_space<semaphore_mem>>) src(%dma_wait3A_164 : memref<79x128xi32, #tpu.memory_space<hbm>>) dst(%arg8 : memref<79x128xi32, #tpu.memory_space<vmem>>)
      tpu.yield
    }) : () -> ()
    "tpu.region"() ({
      %run_scoped3A = tpu.sem_alloc : memref<!tpu.dma_semaphore, #tpu.memory_space<semaphore_mem>>
      %dma_start3A = arith.constant 0 : i32
      %dma_start3A_151 = tpu.memref_slice %arg5[%add3A, %dma_start3A] : memref<32x10112xf32, #tpu.memory_space<hbm>> -> memref<1x10112xf32, #tpu.memory_space<hbm>>
      %dma_start3A_152 = tpu.memref_squeeze %dma_start3A_151 : memref<1x10112xf32, #tpu.memory_space<hbm>> -> memref<10112xf32, #tpu.memory_space<hbm>>
      %dma_start3A_153 = arith.constant 0 : i32
      %dma_start3A_154 = tpu.memref_slice %arg5[%add3A, %dma_start3A_153] : memref<32x10112xf32, #tpu.memory_space<hbm>> -> memref<1x10112xf32, #tpu.memory_space<hbm>>
      %dma_start3A_155 = tpu.memref_squeeze %dma_start3A_154 : memref<1x10112xf32, #tpu.memory_space<hbm>> -> memref<10112xf32, #tpu.memory_space<hbm>>
      tpu.enqueue_dma source(%dma_start3A_155 : memref<10112xf32, #tpu.memory_space<hbm>>) target(%arg9 : memref<10112xf32, #tpu.memory_space<vmem>>) target_semaphore(%run_scoped3A : memref<!tpu.dma_semaphore, #tpu.memory_space<semaphore_mem>>)
      %dma_wait3A = arith.constant 0 : i32
      %dma_wait3A_156 = tpu.memref_slice %arg5[%add3A, %dma_wait3A] : memref<32x10112xf32, #tpu.memory_space<hbm>> -> memref<1x10112xf32, #tpu.memory_space<hbm>>
      %dma_wait3A_157 = tpu.memref_squeeze %dma_wait3A_156 : memref<1x10112xf32, #tpu.memory_space<hbm>> -> memref<10112xf32, #tpu.memory_space<hbm>>
      %dma_wait3A_158 = arith.constant 0 : i32
      %dma_wait3A_159 = tpu.memref_slice %arg5[%add3A, %dma_wait3A_158] : memref<32x10112xf32, #tpu.memory_space<hbm>> -> memref<1x10112xf32, #tpu.memory_space<hbm>>
      %dma_wait3A_160 = tpu.memref_squeeze %dma_wait3A_159 : memref<1x10112xf32, #tpu.memory_space<hbm>> -> memref<10112xf32, #tpu.memory_space<hbm>>
      tpu.wait_dma2 semaphore(%run_scoped3A : memref<!tpu.dma_semaphore, #tpu.memory_space<semaphore_mem>>) src(%dma_wait3A_160 : memref<10112xf32, #tpu.memory_space<hbm>>) dst(%arg9 : memref<10112xf32, #tpu.memory_space<vmem>>)
      tpu.yield
    }) : () -> ()
    %barrier3A = arith.constant 0 : index
    tpu.barrier barrier_id(%barrier3A)
    %scan3A_73 = arith.constant 0 : i32
    %scan3A_74 = arith.constant 0 : i32
    %scan3A_75 = arith.constant 79 : i32
    %scan3A_76 = arith.addi %scan3A_74, %scan3A_75 : i32
    %scan3A_77 = arith.constant 1 : i32
    %scan3A_78 = scf.for %scan3A_151 = %scan3A_74 to %scan3A_76 step %scan3A_77 iter_args(%scan3A_152 = %scan3A_73) -> (i32)  : i32 {
      %dma_start3A = arith.constant 0 : i32
      %dma_start3A_153 = tpu.memref_slice %arg7[%scan3A_151, %dma_start3A] : memref<79x128xi32, #tpu.memory_space<vmem>> -> memref<1x128xi32, #tpu.memory_space<vmem>>
      %dma_start3A_154 = tpu.memref_squeeze %dma_start3A_153 : memref<1x128xi32, #tpu.memory_space<vmem>> -> memref<128xi32, #tpu.memory_space<vmem>>
      %dma_start3A_155 = arith.constant 0 : i32
      %dma_start3A_156 = arith.constant 0 : i32
      %dma_start3A_157 = tpu.memref_slice %arg2[%dma_start3A_155, %dma_start3A_156] : memref<10000x128xf32, #tpu.memory_space<hbm>> -> memref<10000x128xf32, #tpu.memory_space<hbm>>
      tpu.enqueue_indirect_dma source(%dma_start3A_157 : memref<10000x128xf32, #tpu.memory_space<hbm>>) target(%arg10 : memref<128x128xf32, #tpu.memory_space<vmem>>) offsets(%dma_start3A_154 : memref<128xi32, #tpu.memory_space<vmem>>) semaphore(%arg12 : memref<!tpu.dma_semaphore, #tpu.memory_space<semaphore_mem>>)
      %dma_wait3A = arith.constant 0 : i32
      %dma_wait3A_158 = tpu.memref_slice %arg7[%scan3A_151, %dma_wait3A] : memref<79x128xi32, #tpu.memory_space<vmem>> -> memref<1x128xi32, #tpu.memory_space<vmem>>
      %dma_wait3A_159 = tpu.memref_squeeze %dma_wait3A_158 : memref<1x128xi32, #tpu.memory_space<vmem>> -> memref<128xi32, #tpu.memory_space<vmem>>
      %dma_wait3A_160 = arith.constant 0 : i32
      %dma_wait3A_161 = arith.constant 0 : i32
      %dma_wait3A_162 = tpu.memref_slice %arg2[%dma_wait3A_160, %dma_wait3A_161] : memref<10000x128xf32, #tpu.memory_space<hbm>> -> memref<10000x128xf32, #tpu.memory_space<hbm>>
      tpu.wait_indirect_dma semaphore(%arg12 : memref<!tpu.dma_semaphore, #tpu.memory_space<semaphore_mem>>) src(%dma_wait3A_162 : memref<10000x128xf32, #tpu.memory_space<hbm>>) dst(%arg10 : memref<128x128xf32, #tpu.memory_space<vmem>>)
      %scan3A_163 = arith.constant 0 : i32
      %scan3A_164 = arith.constant 0 : i32
      %scan3A_165 = arith.constant 8 : i32
      %scan3A_166 = arith.addi %scan3A_164, %scan3A_165 : i32
      %scan3A_167 = arith.constant 1 : i32
      %scan3A_168 = scf.for %scan3A_171 = %scan3A_164 to %scan3A_166 step %scan3A_167 iter_args(%scan3A_172 = %scan3A_163) -> (i32)  : i32 {
        %mul3A_173 = arith.constant 128 : i32
        %mul3A_174 = arith.muli %scan3A_151, %mul3A_173 : i32
        %mul3A_175 = arith.constant 16 : i32
        %mul3A_176 = arith.muli %scan3A_171, %mul3A_175 : i32
        %add3A_177 = arith.addi %mul3A_174, %mul3A_176 : i32
        %get3A = arith.index_cast %add3A_177 : i32 to index
        %get3A_178 = tpu.vector_load %arg9[%get3A] {strides = array<i32>} : memref<10112xf32, #tpu.memory_space<vmem>>, vector<16xf32>,
        %slice3A = vector.extract_strided_slice %get3A_178 {offsets = [0], sizes = [1], strides = [1]} : vector<16xf32> to vector<1xf32>
        %squeeze3A = vector.extract %slice3A[0] : f32 from vector<1xf32>
        %mul3A_179 = arith.constant 16 : i32
        %mul3A_180 = arith.muli %scan3A_171, %mul3A_179 : i32
        %add3A_181 = arith.constant 0 : i32
        %add3A_182 = arith.addi %mul3A_180, %add3A_181 : i32
        %get3A_183 = arith.index_cast %add3A_182 : i32 to index
        %get3A_184 = arith.constant 0 : index
        %get3A_185 = tpu.vector_load %arg10[%get3A_183, %get3A_184] {strides = array<i32>} : memref<128x128xf32, #tpu.memory_space<vmem>>, vector<16xf32>,
        %mul3A_186 = vector.broadcast %squeeze3A : f32 to vector<16xf32>
        %mul3A_187 = arith.mulf %get3A_185, %mul3A_186 : vector<16xf32>
        %mul3A_188 = arith.constant 16 : i32
        %mul3A_189 = arith.muli %scan3A_171, %mul3A_188 : i32
        %add3A_190 = arith.constant 0 : i32
        %add3A_191 = arith.addi %mul3A_189, %add3A_190 : i32
        %swap3A = arith.index_cast %add3A_191 : i32 to index
        %swap3A_192 = arith.constant 0 : index
        %swap3A_193 = tpu.vector_load %arg10[%swap3A, %swap3A_192] {strides = array<i32>} : memref<128x128xf32, #tpu.memory_space<vmem>>, vector<16xf32>,
        tpu.vector_store %arg10[%swap3A, %swap3A_192], %mul3A_187 {strides = array<i32>} : memref<128x128xf32, #tpu.memory_space<vmem>>, vector<16xf32>,
        %mul3A_194 = arith.constant 16 : i32
        %mul3A_195 = arith.muli %scan3A_171, %mul3A_194 : i32
        %add3A_196 = arith.constant 0 : i32
        %add3A_197 = arith.addi %mul3A_195, %add3A_196 : i32
        %get3A_198 = arith.index_cast %add3A_197 : i32 to index
        %get3A_199 = arith.constant 16 : index
        %get3A_200 = tpu.vector_load %arg10[%get3A_198, %get3A_199] {strides = array<i32>} : memref<128x128xf32, #tpu.memory_space<vmem>>, vector<16xf32>,
        %mul3A_201 = vector.broadcast %squeeze3A : f32 to vector<16xf32>
        %mul3A_202 = arith.mulf %get3A_200, %mul3A_201 : vector<16xf32>
        %mul3A_203 = arith.constant 16 : i32
        %mul3A_204 = arith.muli %scan3A_171, %mul3A_203 : i32
        %add3A_205 = arith.constant 0 : i32
        %add3A_206 = arith.addi %mul3A_204, %add3A_205 : i32
        %swap3A_207 = arith.index_cast %add3A_206 : i32 to index
        %swap3A_208 = arith.constant 16 : index
        %swap3A_209 = tpu.vector_load %arg10[%swap3A_207, %swap3A_208] {strides = array<i32>} : memref<128x128xf32, #tpu.memory_space<vmem>>, vector<16xf32>,
        tpu.vector_store %arg10[%swap3A_207, %swap3A_208], %mul3A_202 {strides = array<i32>} : memref<128x128xf32, #tpu.memory_space<vmem>>, vector<16xf32>,
        %mul3A_210 = arith.constant 16 : i32
        %mul3A_211 = arith.muli %scan3A_171, %mul3A_210 : i32
        %add3A_212 = arith.constant 0 : i32
        %add3A_213 = arith.addi %mul3A_211, %add3A_212 : i32
        %get3A_214 = arith.index_cast %add3A_213 : i32 to index
        %get3A_215 = arith.constant 32 : index
        %get3A_216 = tpu.vector_load %arg10[%get3A_214, %get3A_215] {strides = array<i32>} : memref<128x128xf32, #tpu.memory_space<vmem>>, vector<16xf32>,
        %mul3A_217 = vector.broadcast %squeeze3A : f32 to vector<16xf32>
        %mul3A_218 = arith.mulf %get3A_216, %mul3A_217 : vector<16xf32>
        %mul3A_219 = arith.constant 16 : i32
        %mul3A_220 = arith.muli %scan3A_171, %mul3A_219 : i32
        %add3A_221 = arith.constant 0 : i32
        %add3A_222 = arith.addi %mul3A_220, %add3A_221 : i32
        %swap3A_223 = arith.index_cast %add3A_222 : i32 to index
        %swap3A_224 = arith.constant 32 : index
        %swap3A_225 = tpu.vector_load %arg10[%swap3A_223, %swap3A_224] {strides = array<i32>} : memref<128x128xf32, #tpu.memory_space<vmem>>, vector<16xf32>,
        tpu.vector_store %arg10[%swap3A_223, %swap3A_224], %mul3A_218 {strides = array<i32>} : memref<128x128xf32, #tpu.memory_space<vmem>>, vector<16xf32>,
        %mul3A_226 = arith.constant 16 : i32
        %mul3A_227 = arith.muli %scan3A_171, %mul3A_226 : i32
        %add3A_228 = arith.constant 0 : i32
        %add3A_229 = arith.addi %mul3A_227, %add3A_228 : i32
        %get3A_230 = arith.index_cast %add3A_229 : i32 to index
        %get3A_231 = arith.constant 48 : index
        %get3A_232 = tpu.vector_load %arg10[%get3A_230, %get3A_231] {strides = array<i32>} : memref<128x128xf32, #tpu.memory_space<vmem>>, vector<16xf32>,
        %mul3A_233 = vector.broadcast %squeeze3A : f32 to vector<16xf32>
        %mul3A_234 = arith.mulf %get3A_232, %mul3A_233 : vector<16xf32>
        %mul3A_235 = arith.constant 16 : i32
        %mul3A_236 = arith.muli %scan3A_171, %mul3A_235 : i32
        %add3A_237 = arith.constant 0 : i32
        %add3A_238 = arith.addi %mul3A_236, %add3A_237 : i32
        %swap3A_239 = arith.index_cast %add3A_238 : i32 to index
        %swap3A_240 = arith.constant 48 : index
        %swap3A_241 = tpu.vector_load %arg10[%swap3A_239, %swap3A_240] {strides = array<i32>} : memref<128x128xf32, #tpu.memory_space<vmem>>, vector<16xf32>,
        tpu.vector_store %arg10[%swap3A_239, %swap3A_240], %mul3A_234 {strides = array<i32>} : memref<128x128xf32, #tpu.memory_space<vmem>>, vector<16xf32>,
        %mul3A_242 = arith.constant 16 : i32
        %mul3A_243 = arith.muli %scan3A_171, %mul3A_242 : i32
        %add3A_244 = arith.constant 0 : i32
        %add3A_245 = arith.addi %mul3A_243, %add3A_244 : i32
        %get3A_246 = arith.index_cast %add3A_245 : i32 to index
        %get3A_247 = arith.constant 64 : index
        %get3A_248 = tpu.vector_load %arg10[%get3A_246, %get3A_247] {strides = array<i32>} : memref<128x128xf32, #tpu.memory_space<vmem>>, vector<16xf32>,
        %mul3A_249 = vector.broadcast %squeeze3A : f32 to vector<16xf32>
        %mul3A_250 = arith.mulf %get3A_248, %mul3A_249 : vector<16xf32>
        %mul3A_251 = arith.constant 16 : i32
        %mul3A_252 = arith.muli %scan3A_171, %mul3A_251 : i32
        %add3A_253 = arith.constant 0 : i32
        %add3A_254 = arith.addi %mul3A_252, %add3A_253 : i32
        %swap3A_255 = arith.index_cast %add3A_254 : i32 to index
        %swap3A_256 = arith.constant 64 : index
        %swap3A_257 = tpu.vector_load %arg10[%swap3A_255, %swap3A_256] {strides = array<i32>} : memref<128x128xf32, #tpu.memory_space<vmem>>, vector<16xf32>,
        tpu.vector_store %arg10[%swap3A_255, %swap3A_256], %mul3A_250 {strides = array<i32>} : memref<128x128xf32, #tpu.memory_space<vmem>>, vector<16xf32>,
        %mul3A_258 = arith.constant 16 : i32
        %mul3A_259 = arith.muli %scan3A_171, %mul3A_258 : i32
        %add3A_260 = arith.constant 0 : i32
        %add3A_261 = arith.addi %mul3A_259, %add3A_260 : i32
        %get3A_262 = arith.index_cast %add3A_261 : i32 to index
        %get3A_263 = arith.constant 80 : index
        %get3A_264 = tpu.vector_load %arg10[%get3A_262, %get3A_263] {strides = array<i32>} : memref<128x128xf32, #tpu.memory_space<vmem>>, vector<16xf32>,
        %mul3A_265 = vector.broadcast %squeeze3A : f32 to vector<16xf32>
        %mul3A_266 = arith.mulf %get3A_264, %mul3A_265 : vector<16xf32>
        %mul3A_267 = arith.constant 16 : i32
        %mul3A_268 = arith.muli %scan3A_171, %mul3A_267 : i32
        %add3A_269 = arith.constant 0 : i32
        %add3A_270 = arith.addi %mul3A_268, %add3A_269 : i32
        %swap3A_271 = arith.index_cast %add3A_270 : i32 to index
        %swap3A_272 = arith.constant 80 : index
        %swap3A_273 = tpu.vector_load %arg10[%swap3A_271, %swap3A_272] {strides = array<i32>} : memref<128x128xf32, #tpu.memory_space<vmem>>, vector<16xf32>,
        tpu.vector_store %arg10[%swap3A_271, %swap3A_272], %mul3A_266 {strides = array<i32>} : memref<128x128xf32, #tpu.memory_space<vmem>>, vector<16xf32>,
        %mul3A_274 = arith.constant 16 : i32
        %mul3A_275 = arith.muli %scan3A_171, %mul3A_274 : i32
        %add3A_276 = arith.constant 0 : i32
        %add3A_277 = arith.addi %mul3A_275, %add3A_276 : i32
        %get3A_278 = arith.index_cast %add3A_277 : i32 to index
        %get3A_279 = arith.constant 96 : index
        %get3A_280 = tpu.vector_load %arg10[%get3A_278, %get3A_279] {strides = array<i32>} : memref<128x128xf32, #tpu.memory_space<vmem>>, vector<16xf32>,
        %mul3A_281 = vector.broadcast %squeeze3A : f32 to vector<16xf32>
        %mul3A_282 = arith.mulf %get3A_280, %mul3A_281 : vector<16xf32>
        %mul3A_283 = arith.constant 16 : i32
        %mul3A_284 = arith.muli %scan3A_171, %mul3A_283 : i32
        %add3A_285 = arith.constant 0 : i32
        %add3A_286 = arith.addi %mul3A_284, %add3A_285 : i32
        %swap3A_287 = arith.index_cast %add3A_286 : i32 to index
        %swap3A_288 = arith.constant 96 : index
        %swap3A_289 = tpu.vector_load %arg10[%swap3A_287, %swap3A_288] {strides = array<i32>} : memref<128x128xf32, #tpu.memory_space<vmem>>, vector<16xf32>,
        tpu.vector_store %arg10[%swap3A_287, %swap3A_288], %mul3A_282 {strides = array<i32>} : memref<128x128xf32, #tpu.memory_space<vmem>>, vector<16xf32>,
        %mul3A_290 = arith.constant 16 : i32
        %mul3A_291 = arith.muli %scan3A_171, %mul3A_290 : i32
        %add3A_292 = arith.constant 0 : i32
        %add3A_293 = arith.addi %mul3A_291, %add3A_292 : i32
        %get3A_294 = arith.index_cast %add3A_293 : i32 to index
        %get3A_295 = arith.constant 112 : index
        %get3A_296 = tpu.vector_load %arg10[%get3A_294, %get3A_295] {strides = array<i32>} : memref<128x128xf32, #tpu.memory_space<vmem>>, vector<16xf32>,
        %mul3A_297 = vector.broadcast %squeeze3A : f32 to vector<16xf32>
        %mul3A_298 = arith.mulf %get3A_296, %mul3A_297 : vector<16xf32>
        %mul3A_299 = arith.constant 16 : i32
        %mul3A_300 = arith.muli %scan3A_171, %mul3A_299 : i32
        %add3A_301 = arith.constant 0 : i32
        %add3A_302 = arith.addi %mul3A_300, %add3A_301 : i32
        %swap3A_303 = arith.index_cast %add3A_302 : i32 to index
        %swap3A_304 = arith.constant 112 : index
        %swap3A_305 = tpu.vector_load %arg10[%swap3A_303, %swap3A_304] {strides = array<i32>} : memref<128x128xf32, #tpu.memory_space<vmem>>, vector<16xf32>,
        tpu.vector_store %arg10[%swap3A_303, %swap3A_304], %mul3A_298 {strides = array<i32>} : memref<128x128xf32, #tpu.memory_space<vmem>>, vector<16xf32>,
        %slice3A_306 = vector.extract_strided_slice %get3A_178 {offsets = [1], sizes = [1], strides = [1]} : vector<16xf32> to vector<1xf32>
        %squeeze3A_307 = vector.extract %slice3A_306[0] : f32 from vector<1xf32>
        %mul3A_308 = arith.constant 16 : i32
        %mul3A_309 = arith.muli %scan3A_171, %mul3A_308 : i32
        %add3A_310 = arith.constant 1 : i32
        %add3A_311 = arith.addi %mul3A_309, %add3A_310 : i32
        %get3A_312 = arith.index_cast %add3A_311 : i32 to index
        %get3A_313 = arith.constant 0 : index
        %get3A_314 = tpu.vector_load %arg10[%get3A_312, %get3A_313] {strides = array<i32>} : memref<128x128xf32, #tpu.memory_space<vmem>>, vector<16xf32>,
        %mul3A_315 = vector.broadcast %squeeze3A_307 : f32 to vector<16xf32>
        %mul3A_316 = arith.mulf %get3A_314, %mul3A_315 : vector<16xf32>
        %mul3A_317 = arith.constant 16 : i32
        %mul3A_318 = arith.muli %scan3A_171, %mul3A_317 : i32
        %add3A_319 = arith.constant 1 : i32
        %add3A_320 = arith.addi %mul3A_318, %add3A_319 : i32
        %swap3A_321 = arith.index_cast %add3A_320 : i32 to index
        %swap3A_322 = arith.constant 0 : index
        %swap3A_323 = tpu.vector_load %arg10[%swap3A_321, %swap3A_322] {strides = array<i32>} : memref<128x128xf32, #tpu.memory_space<vmem>>, vector<16xf32>,
        tpu.vector_store %arg10[%swap3A_321, %swap3A_322], %mul3A_316 {strides = array<i32>} : memref<128x128xf32, #tpu.memory_space<vmem>>, vector<16xf32>,
        %mul3A_324 = arith.constant 16 : i32
        %mul3A_325 = arith.muli %scan3A_171, %mul3A_324 : i32
        %add3A_326 = arith.constant 1 : i32
        %add3A_327 = arith.addi %mul3A_325, %add3A_326 : i32
        %get3A_328 = arith.index_cast %add3A_327 : i32 to index
        %get3A_329 = arith.constant 16 : index
        %get3A_330 = tpu.vector_load %arg10[%get3A_328, %get3A_329] {strides = array<i32>} : memref<128x128xf32, #tpu.memory_space<vmem>>, vector<16xf32>,
        %mul3A_331 = vector.broadcast %squeeze3A_307 : f32 to vector<16xf32>
        %mul3A_332 = arith.mulf %get3A_330, %mul3A_331 : vector<16xf32>
        %mul3A_333 = arith.constant 16 : i32
        %mul3A_334 = arith.muli %scan3A_171, %mul3A_333 : i32
        %add3A_335 = arith.constant 1 : i32
        %add3A_336 = arith.addi %mul3A_334, %add3A_335 : i32
        %swap3A_337 = arith.index_cast %add3A_336 : i32 to index
        %swap3A_338 = arith.constant 16 : index
        %swap3A_339 = tpu.vector_load %arg10[%swap3A_337, %swap3A_338] {strides = array<i32>} : memref<128x128xf32, #tpu.memory_space<vmem>>, vector<16xf32>,
        tpu.vector_store %arg10[%swap3A_337, %swap3A_338], %mul3A_332 {strides = array<i32>} : memref<128x128xf32, #tpu.memory_space<vmem>>, vector<16xf32>,
        %mul3A_340 = arith.constant 16 : i32
        %mul3A_341 = arith.muli %scan3A_171, %mul3A_340 : i32
        %add3A_342 = arith.constant 1 : i32
        %add3A_343 = arith.addi %mul3A_341, %add3A_342 : i32
        %get3A_344 = arith.index_cast %add3A_343 : i32 to index
        %get3A_345 = arith.constant 32 : index
        %get3A_346 = tpu.vector_load %arg10[%get3A_344, %get3A_345] {strides = array<i32>} : memref<128x128xf32, #tpu.memory_space<vmem>>, vector<16xf32>,
        %mul3A_347 = vector.broadcast %squeeze3A_307 : f32 to vector<16xf32>
        %mul3A_348 = arith.mulf %get3A_346, %mul3A_347 : vector<16xf32>
        %mul3A_349 = arith.constant 16 : i32
        %mul3A_350 = arith.muli %scan3A_171, %mul3A_349 : i32
        %add3A_351 = arith.constant 1 : i32
        %add3A_352 = arith.addi %mul3A_350, %add3A_351 : i32
        %swap3A_353 = arith.index_cast %add3A_352 : i32 to index
        %swap3A_354 = arith.constant 32 : index
        %swap3A_355 = tpu.vector_load %arg10[%swap3A_353, %swap3A_354] {strides = array<i32>} : memref<128x128xf32, #tpu.memory_space<vmem>>, vector<16xf32>,
        tpu.vector_store %arg10[%swap3A_353, %swap3A_354], %mul3A_348 {strides = array<i32>} : memref<128x128xf32, #tpu.memory_space<vmem>>, vector<16xf32>,
        %mul3A_356 = arith.constant 16 : i32
        %mul3A_357 = arith.muli %scan3A_171, %mul3A_356 : i32
        %add3A_358 = arith.constant 1 : i32
        %add3A_359 = arith.addi %mul3A_357, %add3A_358 : i32
        %get3A_360 = arith.index_cast %add3A_359 : i32 to index
        %get3A_361 = arith.constant 48 : index
        %get3A_362 = tpu.vector_load %arg10[%get3A_360, %get3A_361] {strides = array<i32>} : memref<128x128xf32, #tpu.memory_space<vmem>>, vector<16xf32>,
        %mul3A_363 = vector.broadcast %squeeze3A_307 : f32 to vector<16xf32>
        %mul3A_364 = arith.mulf %get3A_362, %mul3A_363 : vector<16xf32>
        %mul3A_365 = arith.constant 16 : i32
        %mul3A_366 = arith.muli %scan3A_171, %mul3A_365 : i32
        %add3A_367 = arith.constant 1 : i32
        %add3A_368 = arith.addi %mul3A_366, %add3A_367 : i32
        %swap3A_369 = arith.index_cast %add3A_368 : i32 to index
        %swap3A_370 = arith.constant 48 : index
        %swap3A_371 = tpu.vector_load %arg10[%swap3A_369, %swap3A_370] {strides = array<i32>} : memref<128x128xf32, #tpu.memory_space<vmem>>, vector<16xf32>,
        tpu.vector_store %arg10[%swap3A_369, %swap3A_370], %mul3A_364 {strides = array<i32>} : memref<128x128xf32, #tpu.memory_space<vmem>>, vector<16xf32>,
        %mul3A_372 = arith.constant 16 : i32
        %mul3A_373 = arith.muli %scan3A_171, %mul3A_372 : i32
        %add3A_374 = arith.constant 1 : i32
        %add3A_375 = arith.addi %mul3A_373, %add3A_374 : i32
        %get3A_376 = arith.index_cast %add3A_375 : i32 to index
        %get3A_377 = arith.constant 64 : index
        %get3A_378 = tpu.vector_load %arg10[%get3A_376, %get3A_377] {strides = array<i32>} : memref<128x128xf32, #tpu.memory_space<vmem>>, vector<16xf32>,
        %mul3A_379 = vector.broadcast %squeeze3A_307 : f32 to vector<16xf32>
        %mul3A_380 = arith.mulf %get3A_378, %mul3A_379 : vector<16xf32>
        %mul3A_381 = arith.constant 16 : i32
        %mul3A_382 = arith.muli %scan3A_171, %mul3A_381 : i32
        %add3A_383 = arith.constant 1 : i32
        %add3A_384 = arith.addi %mul3A_382, %add3A_383 : i32
        %swap3A_385 = arith.index_cast %add3A_384 : i32 to index
        %swap3A_386 = arith.constant 64 : index
        %swap3A_387 = tpu.vector_load %arg10[%swap3A_385, %swap3A_386] {strides = array<i32>} : memref<128x128xf32, #tpu.memory_space<vmem>>, vector<16xf32>,
        tpu.vector_store %arg10[%swap3A_385, %swap3A_386], %mul3A_380 {strides = array<i32>} : memref<128x128xf32, #tpu.memory_space<vmem>>, vector<16xf32>,
        %mul3A_388 = arith.constant 16 : i32
        %mul3A_389 = arith.muli %scan3A_171, %mul3A_388 : i32
        %add3A_390 = arith.constant 1 : i32
        %add3A_391 = arith.addi %mul3A_389, %add3A_390 : i32
        %get3A_392 = arith.index_cast %add3A_391 : i32 to index
        %get3A_393 = arith.constant 80 : index
        %get3A_394 = tpu.vector_load %arg10[%get3A_392, %get3A_393] {strides = array<i32>} : memref<128x128xf32, #tpu.memory_space<vmem>>, vector<16xf32>,
        %mul3A_395 = vector.broadcast %squeeze3A_307 : f32 to vector<16xf32>
        %mul3A_396 = arith.mulf %get3A_394, %mul3A_395 : vector<16xf32>
        %mul3A_397 = arith.constant 16 : i32
        %mul3A_398 = arith.muli %scan3A_171, %mul3A_397 : i32
        %add3A_399 = arith.constant 1 : i32
        %add3A_400 = arith.addi %mul3A_398, %add3A_399 : i32
        %swap3A_401 = arith.index_cast %add3A_400 : i32 to index
        %swap3A_402 = arith.constant 80 : index
        %swap3A_403 = tpu.vector_load %arg10[%swap3A_401, %swap3A_402] {strides = array<i32>} : memref<128x128xf32, #tpu.memory_space<vmem>>, vector<16xf32>,
        tpu.vector_store %arg10[%swap3A_401, %swap3A_402], %mul3A_396 {strides = array<i32>} : memref<128x128xf32, #tpu.memory_space<vmem>>, vector<16xf32>,
        %mul3A_404 = arith.constant 16 : i32
        %mul3A_405 = arith.muli %scan3A_171, %mul3A_404 : i32
        %add3A_406 = arith.constant 1 : i32
        %add3A_407 = arith.addi %mul3A_405, %add3A_406 : i32
        %get3A_408 = arith.index_cast %add3A_407 : i32 to index
        %get3A_409 = arith.constant 96 : index
        %get3A_410 = tpu.vector_load %arg10[%get3A_408, %get3A_409] {strides = array<i32>} : memref<128x128xf32, #tpu.memory_space<vmem>>, vector<16xf32>,
        %mul3A_411 = vector.broadcast %squeeze3A_307 : f32 to vector<16xf32>
        %mul3A_412 = arith.mulf %get3A_410, %mul3A_411 : vector<16xf32>
        %mul3A_413 = arith.constant 16 : i32
        %mul3A_414 = arith.muli %scan3A_171, %mul3A_413 : i32
        %add3A_415 = arith.constant 1 : i32
        %add3A_416 = arith.addi %mul3A_414, %add3A_415 : i32
        %swap3A_417 = arith.index_cast %add3A_416 : i32 to index
        %swap3A_418 = arith.constant 96 : index
        %swap3A_419 = tpu.vector_load %arg10[%swap3A_417, %swap3A_418] {strides = array<i32>} : memref<128x128xf32, #tpu.memory_space<vmem>>, vector<16xf32>,
        tpu.vector_store %arg10[%swap3A_417, %swap3A_418], %mul3A_412 {strides = array<i32>} : memref<128x128xf32, #tpu.memory_space<vmem>>, vector<16xf32>,
        %mul3A_420 = arith.constant 16 : i32
        %mul3A_421 = arith.muli %scan3A_171, %mul3A_420 : i32
        %add3A_422 = arith.constant 1 : i32
        %add3A_423 = arith.addi %mul3A_421, %add3A_422 : i32
        %get3A_424 = arith.index_cast %add3A_423 : i32 to index
        %get3A_425 = arith.constant 112 : index
        %get3A_426 = tpu.vector_load %arg10[%get3A_424, %get3A_425] {strides = array<i32>} : memref<128x128xf32, #tpu.memory_space<vmem>>, vector<16xf32>,
        %mul3A_427 = vector.broadcast %squeeze3A_307 : f32 to vector<16xf32>
        %mul3A_428 = arith.mulf %get3A_426, %mul3A_427 : vector<16xf32>
        %mul3A_429 = arith.constant 16 : i32
        %mul3A_430 = arith.muli %scan3A_171, %mul3A_429 : i32
        %add3A_431 = arith.constant 1 : i32
        %add3A_432 = arith.addi %mul3A_430, %add3A_431 : i32
        %swap3A_433 = arith.index_cast %add3A_432 : i32 to index
        %swap3A_434 = arith.constant 112 : index
        %swap3A_435 = tpu.vector_load %arg10[%swap3A_433, %swap3A_434] {strides = array<i32>} : memref<128x128xf32, #tpu.memory_space<vmem>>, vector<16xf32>,
        tpu.vector_store %arg10[%swap3A_433, %swap3A_434], %mul3A_428 {strides = array<i32>} : memref<128x128xf32, #tpu.memory_space<vmem>>, vector<16xf32>,
        %slice3A_436 = vector.extract_strided_slice %get3A_178 {offsets = [2], sizes = [1], strides = [1]} : vector<16xf32> to vector<1xf32>
        %squeeze3A_437 = vector.extract %slice3A_436[0] : f32 from vector<1xf32>
        %mul3A_438 = arith.constant 16 : i32
        %mul3A_439 = arith.muli %scan3A_171, %mul3A_438 : i32
        %add3A_440 = arith.constant 2 : i32
        %add3A_441 = arith.addi %mul3A_439, %add3A_440 : i32
        %get3A_442 = arith.index_cast %add3A_441 : i32 to index
        %get3A_443 = arith.constant 0 : index
        %get3A_444 = tpu.vector_load %arg10[%get3A_442, %get3A_443] {strides = array<i32>} : memref<128x128xf32, #tpu.memory_space<vmem>>, vector<16xf32>,
        %mul3A_445 = vector.broadcast %squeeze3A_437 : f32 to vector<16xf32>
        %mul3A_446 = arith.mulf %get3A_444, %mul3A_445 : vector<16xf32>
        %mul3A_447 = arith.constant 16 : i32
        %mul3A_448 = arith.muli %scan3A_171, %mul3A_447 : i32
        %add3A_449 = arith.constant 2 : i32
        %add3A_450 = arith.addi %mul3A_448, %add3A_449 : i32
        %swap3A_451 = arith.index_cast %add3A_450 : i32 to index
        %swap3A_452 = arith.constant 0 : index
        %swap3A_453 = tpu.vector_load %arg10[%swap3A_451, %swap3A_452] {strides = array<i32>} : memref<128x128xf32, #tpu.memory_space<vmem>>, vector<16xf32>,
        tpu.vector_store %arg10[%swap3A_451, %swap3A_452], %mul3A_446 {strides = array<i32>} : memref<128x128xf32, #tpu.memory_space<vmem>>, vector<16xf32>,
        %mul3A_454 = arith.constant 16 : i32
        %mul3A_455 = arith.muli %scan3A_171, %mul3A_454 : i32
        %add3A_456 = arith.constant 2 : i32
        %add3A_457 = arith.addi %mul3A_455, %add3A_456 : i32
        %get3A_458 = arith.index_cast %add3A_457 : i32 to index
        %get3A_459 = arith.constant 16 : index
        %get3A_460 = tpu.vector_load %arg10[%get3A_458, %get3A_459] {strides = array<i32>} : memref<128x128xf32, #tpu.memory_space<vmem>>, vector<16xf32>,
        %mul3A_461 = vector.broadcast %squeeze3A_437 : f32 to vector<16xf32>
        %mul3A_462 = arith.mulf %get3A_460, %mul3A_461 : vector<16xf32>
        %mul3A_463 = arith.constant 16 : i32
        %mul3A_464 = arith.muli %scan3A_171, %mul3A_463 : i32
        %add3A_465 = arith.constant 2 : i32
        %add3A_466 = arith.addi %mul3A_464, %add3A_465 : i32
        %swap3A_467 = arith.index_cast %add3A_466 : i32 to index
        %swap3A_468 = arith.constant 16 : index
        %swap3A_469 = tpu.vector_load %arg10[%swap3A_467, %swap3A_468] {strides = array<i32>} : memref<128x128xf32, #tpu.memory_space<vmem>>, vector<16xf32>,
        tpu.vector_store %arg10[%swap3A_467, %swap3A_468], %mul3A_462 {strides = array<i32>} : memref<128x128xf32, #tpu.memory_space<vmem>>, vector<16xf32>,
        %mul3A_470 = arith.constant 16 : i32
        %mul3A_471 = arith.muli %scan3A_171, %mul3A_470 : i32
        %add3A_472 = arith.constant 2 : i32
        %add3A_473 = arith.addi %mul3A_471, %add3A_472 : i32
        %get3A_474 = arith.index_cast %add3A_473 : i32 to index
        %get3A_475 = arith.constant 32 : index
        %get3A_476 = tpu.vector_load %arg10[%get3A_474, %get3A_475] {strides = array<i32>} : memref<128x128xf32, #tpu.memory_space<vmem>>, vector<16xf32>,
        %mul3A_477 = vector.broadcast %squeeze3A_437 : f32 to vector<16xf32>
        %mul3A_478 = arith.mulf %get3A_476, %mul3A_477 : vector<16xf32>
        %mul3A_479 = arith.constant 16 : i32
        %mul3A_480 = arith.muli %scan3A_171, %mul3A_479 : i32
        %add3A_481 = arith.constant 2 : i32
        %add3A_482 = arith.addi %mul3A_480, %add3A_481 : i32
        %swap3A_483 = arith.index_cast %add3A_482 : i32 to index
        %swap3A_484 = arith.constant 32 : index
        %swap3A_485 = tpu.vector_load %arg10[%swap3A_483, %swap3A_484] {strides = array<i32>} : memref<128x128xf32, #tpu.memory_space<vmem>>, vector<16xf32>,
        tpu.vector_store %arg10[%swap3A_483, %swap3A_484], %mul3A_478 {strides = array<i32>} : memref<128x128xf32, #tpu.memory_space<vmem>>, vector<16xf32>,
        %mul3A_486 = arith.constant 16 : i32
        %mul3A_487 = arith.muli %scan3A_171, %mul3A_486 : i32
        %add3A_488 = arith.constant 2 : i32
        %add3A_489 = arith.addi %mul3A_487, %add3A_488 : i32
        %get3A_490 = arith.index_cast %add3A_489 : i32 to index
        %get3A_491 = arith.constant 48 : index
        %get3A_492 = tpu.vector_load %arg10[%get3A_490, %get3A_491] {strides = array<i32>} : memref<128x128xf32, #tpu.memory_space<vmem>>, vector<16xf32>,
        %mul3A_493 = vector.broadcast %squeeze3A_437 : f32 to vector<16xf32>
        %mul3A_494 = arith.mulf %get3A_492, %mul3A_493 : vector<16xf32>
        %mul3A_495 = arith.constant 16 : i32
        %mul3A_496 = arith.muli %scan3A_171, %mul3A_495 : i32
        %add3A_497 = arith.constant 2 : i32
        %add3A_498 = arith.addi %mul3A_496, %add3A_497 : i32
        %swap3A_499 = arith.index_cast %add3A_498 : i32 to index
        %swap3A_500 = arith.constant 48 : index
        %swap3A_501 = tpu.vector_load %arg10[%swap3A_499, %swap3A_500] {strides = array<i32>} : memref<128x128xf32, #tpu.memory_space<vmem>>, vector<16xf32>,
        tpu.vector_store %arg10[%swap3A_499, %swap3A_500], %mul3A_494 {strides = array<i32>} : memref<128x128xf32, #tpu.memory_space<vmem>>, vector<16xf32>,
        %mul3A_502 = arith.constant 16 : i32
        %mul3A_503 = arith.muli %scan3A_171, %mul3A_502 : i32
        %add3A_504 = arith.constant 2 : i32
        %add3A_505 = arith.addi %mul3A_503, %add3A_504 : i32
        %get3A_506 = arith.index_cast %add3A_505 : i32 to index
        %get3A_507 = arith.constant 64 : index
        %get3A_508 = tpu.vector_load %arg10[%get3A_506, %get3A_507] {strides = array<i32>} : memref<128x128xf32, #tpu.memory_space<vmem>>, vector<16xf32>,
        %mul3A_509 = vector.broadcast %squeeze3A_437 : f32 to vector<16xf32>
        %mul3A_510 = arith.mulf %get3A_508, %mul3A_509 : vector<16xf32>
        %mul3A_511 = arith.constant 16 : i32
        %mul3A_512 = arith.muli %scan3A_171, %mul3A_511 : i32
        %add3A_513 = arith.constant 2 : i32
        %add3A_514 = arith.addi %mul3A_512, %add3A_513 : i32
        %swap3A_515 = arith.index_cast %add3A_514 : i32 to index
        %swap3A_516 = arith.constant 64 : index
        %swap3A_517 = tpu.vector_load %arg10[%swap3A_515, %swap3A_516] {strides = array<i32>} : memref<128x128xf32, #tpu.memory_space<vmem>>, vector<16xf32>,
        tpu.vector_store %arg10[%swap3A_515, %swap3A_516], %mul3A_510 {strides = array<i32>} : memref<128x128xf32, #tpu.memory_space<vmem>>, vector<16xf32>,
        %mul3A_518 = arith.constant 16 : i32
        %mul3A_519 = arith.muli %scan3A_171, %mul3A_518 : i32
        %add3A_520 = arith.constant 2 : i32
        %add3A_521 = arith.addi %mul3A_519, %add3A_520 : i32
        %get3A_522 = arith.index_cast %add3A_521 : i32 to index
        %get3A_523 = arith.constant 80 : index
        %get3A_524 = tpu.vector_load %arg10[%get3A_522, %get3A_523] {strides = array<i32>} : memref<128x128xf32, #tpu.memory_space<vmem>>, vector<16xf32>,
        %mul3A_525 = vector.broadcast %squeeze3A_437 : f32 to vector<16xf32>
        %mul3A_526 = arith.mulf %get3A_524, %mul3A_525 : vector<16xf32>
        %mul3A_527 = arith.constant 16 : i32
        %mul3A_528 = arith.muli %scan3A_171, %mul3A_527 : i32
        %add3A_529 = arith.constant 2 : i32
        %add3A_530 = arith.addi %mul3A_528, %add3A_529 : i32
        %swap3A_531 = arith.index_cast %add3A_530 : i32 to index
        %swap3A_532 = arith.constant 80 : index
        %swap3A_533 = tpu.vector_load %arg10[%swap3A_531, %swap3A_532] {strides = array<i32>} : memref<128x128xf32, #tpu.memory_space<vmem>>, vector<16xf32>,
        tpu.vector_store %arg10[%swap3A_531, %swap3A_532], %mul3A_526 {strides = array<i32>} : memref<128x128xf32, #tpu.memory_space<vmem>>, vector<16xf32>,
        %mul3A_534 = arith.constant 16 : i32
        %mul3A_535 = arith.muli %scan3A_171, %mul3A_534 : i32
        %add3A_536 = arith.constant 2 : i32
        %add3A_537 = arith.addi %mul3A_535, %add3A_536 : i32
        %get3A_538 = arith.index_cast %add3A_537 : i32 to index
        %get3A_539 = arith.constant 96 : index
        %get3A_540 = tpu.vector_load %arg10[%get3A_538, %get3A_539] {strides = array<i32>} : memref<128x128xf32, #tpu.memory_space<vmem>>, vector<16xf32>,
        %mul3A_541 = vector.broadcast %squeeze3A_437 : f32 to vector<16xf32>
        %mul3A_542 = arith.mulf %get3A_540, %mul3A_541 : vector<16xf32>
        %mul3A_543 = arith.constant 16 : i32
        %mul3A_544 = arith.muli %scan3A_171, %mul3A_543 : i32
        %add3A_545 = arith.constant 2 : i32
        %add3A_546 = arith.addi %mul3A_544, %add3A_545 : i32
        %swap3A_547 = arith.index_cast %add3A_546 : i32 to index
        %swap3A_548 = arith.constant 96 : index
        %swap3A_549 = tpu.vector_load %arg10[%swap3A_547, %swap3A_548] {strides = array<i32>} : memref<128x128xf32, #tpu.memory_space<vmem>>, vector<16xf32>,
        tpu.vector_store %arg10[%swap3A_547, %swap3A_548], %mul3A_542 {strides = array<i32>} : memref<128x128xf32, #tpu.memory_space<vmem>>, vector<16xf32>,
        %mul3A_550 = arith.constant 16 : i32
        %mul3A_551 = arith.muli %scan3A_171, %mul3A_550 : i32
        %add3A_552 = arith.constant 2 : i32
        %add3A_553 = arith.addi %mul3A_551, %add3A_552 : i32
        %get3A_554 = arith.index_cast %add3A_553 : i32 to index
        %get3A_555 = arith.constant 112 : index
        %get3A_556 = tpu.vector_load %arg10[%get3A_554, %get3A_555] {strides = array<i32>} : memref<128x128xf32, #tpu.memory_space<vmem>>, vector<16xf32>,
        %mul3A_557 = vector.broadcast %squeeze3A_437 : f32 to vector<16xf32>
        %mul3A_558 = arith.mulf %get3A_556, %mul3A_557 : vector<16xf32>
        %mul3A_559 = arith.constant 16 : i32
        %mul3A_560 = arith.muli %scan3A_171, %mul3A_559 : i32
        %add3A_561 = arith.constant 2 : i32
        %add3A_562 = arith.addi %mul3A_560, %add3A_561 : i32
        %swap3A_563 = arith.index_cast %add3A_562 : i32 to index
        %swap3A_564 = arith.constant 112 : index
        %swap3A_565 = tpu.vector_load %arg10[%swap3A_563, %swap3A_564] {strides = array<i32>} : memref<128x128xf32, #tpu.memory_space<vmem>>, vector<16xf32>,
        tpu.vector_store %arg10[%swap3A_563, %swap3A_564], %mul3A_558 {strides = array<i32>} : memref<128x128xf32, #tpu.memory_space<vmem>>, vector<16xf32>,
        %slice3A_566 = vector.extract_strided_slice %get3A_178 {offsets = [3], sizes = [1], strides = [1]} : vector<16xf32> to vector<1xf32>
        %squeeze3A_567 = vector.extract %slice3A_566[0] : f32 from vector<1xf32>
        %mul3A_568 = arith.constant 16 : i32
        %mul3A_569 = arith.muli %scan3A_171, %mul3A_568 : i32
        %add3A_570 = arith.constant 3 : i32
        %add3A_571 = arith.addi %mul3A_569, %add3A_570 : i32
        %get3A_572 = arith.index_cast %add3A_571 : i32 to index
        %get3A_573 = arith.constant 0 : index
        %get3A_574 = tpu.vector_load %arg10[%get3A_572, %get3A_573] {strides = array<i32>} : memref<128x128xf32, #tpu.memory_space<vmem>>, vector<16xf32>,
        %mul3A_575 = vector.broadcast %squeeze3A_567 : f32 to vector<16xf32>
        %mul3A_576 = arith.mulf %get3A_574, %mul3A_575 : vector<16xf32>
        %mul3A_577 = arith.constant 16 : i32
        %mul3A_578 = arith.muli %scan3A_171, %mul3A_577 : i32
        %add3A_579 = arith.constant 3 : i32
        %add3A_580 = arith.addi %mul3A_578, %add3A_579 : i32
        %swap3A_581 = arith.index_cast %add3A_580 : i32 to index
        %swap3A_582 = arith.constant 0 : index
        %swap3A_583 = tpu.vector_load %arg10[%swap3A_581, %swap3A_582] {strides = array<i32>} : memref<128x128xf32, #tpu.memory_space<vmem>>, vector<16xf32>,
        tpu.vector_store %arg10[%swap3A_581, %swap3A_582], %mul3A_576 {strides = array<i32>} : memref<128x128xf32, #tpu.memory_space<vmem>>, vector<16xf32>,
        %mul3A_584 = arith.constant 16 : i32
        %mul3A_585 = arith.muli %scan3A_171, %mul3A_584 : i32
        %add3A_586 = arith.constant 3 : i32
        %add3A_587 = arith.addi %mul3A_585, %add3A_586 : i32
        %get3A_588 = arith.index_cast %add3A_587 : i32 to index
        %get3A_589 = arith.constant 16 : index
        %get3A_590 = tpu.vector_load %arg10[%get3A_588, %get3A_589] {strides = array<i32>} : memref<128x128xf32, #tpu.memory_space<vmem>>, vector<16xf32>,
        %mul3A_591 = vector.broadcast %squeeze3A_567 : f32 to vector<16xf32>
        %mul3A_592 = arith.mulf %get3A_590, %mul3A_591 : vector<16xf32>
        %mul3A_593 = arith.constant 16 : i32
        %mul3A_594 = arith.muli %scan3A_171, %mul3A_593 : i32
        %add3A_595 = arith.constant 3 : i32
        %add3A_596 = arith.addi %mul3A_594, %add3A_595 : i32
        %swap3A_597 = arith.index_cast %add3A_596 : i32 to index
        %swap3A_598 = arith.constant 16 : index
        %swap3A_599 = tpu.vector_load %arg10[%swap3A_597, %swap3A_598] {strides = array<i32>} : memref<128x128xf32, #tpu.memory_space<vmem>>, vector<16xf32>,
        tpu.vector_store %arg10[%swap3A_597, %swap3A_598], %mul3A_592 {strides = array<i32>} : memref<128x128xf32, #tpu.memory_space<vmem>>, vector<16xf32>,
        %mul3A_600 = arith.constant 16 : i32
        %mul3A_601 = arith.muli %scan3A_171, %mul3A_600 : i32
        %add3A_602 = arith.constant 3 : i32
        %add3A_603 = arith.addi %mul3A_601, %add3A_602 : i32
        %get3A_604 = arith.index_cast %add3A_603 : i32 to index
        %get3A_605 = arith.constant 32 : index
        %get3A_606 = tpu.vector_load %arg10[%get3A_604, %get3A_605] {strides = array<i32>} : memref<128x128xf32, #tpu.memory_space<vmem>>, vector<16xf32>,
        %mul3A_607 = vector.broadcast %squeeze3A_567 : f32 to vector<16xf32>
        %mul3A_608 = arith.mulf %get3A_606, %mul3A_607 : vector<16xf32>
        %mul3A_609 = arith.constant 16 : i32
        %mul3A_610 = arith.muli %scan3A_171, %mul3A_609 : i32
        %add3A_611 = arith.constant 3 : i32
        %add3A_612 = arith.addi %mul3A_610, %add3A_611 : i32
        %swap3A_613 = arith.index_cast %add3A_612 : i32 to index
        %swap3A_614 = arith.constant 32 : index
        %swap3A_615 = tpu.vector_load %arg10[%swap3A_613, %swap3A_614] {strides = array<i32>} : memref<128x128xf32, #tpu.memory_space<vmem>>, vector<16xf32>,
        tpu.vector_store %arg10[%swap3A_613, %swap3A_614], %mul3A_608 {strides = array<i32>} : memref<128x128xf32, #tpu.memory_space<vmem>>, vector<16xf32>,
        %mul3A_616 = arith.constant 16 : i32
        %mul3A_617 = arith.muli %scan3A_171, %mul3A_616 : i32
        %add3A_618 = arith.constant 3 : i32
        %add3A_619 = arith.addi %mul3A_617, %add3A_618 : i32
        %get3A_620 = arith.index_cast %add3A_619 : i32 to index
        %get3A_621 = arith.constant 48 : index
        %get3A_622 = tpu.vector_load %arg10[%get3A_620, %get3A_621] {strides = array<i32>} : memref<128x128xf32, #tpu.memory_space<vmem>>, vector<16xf32>,
        %mul3A_623 = vector.broadcast %squeeze3A_567 : f32 to vector<16xf32>
        %mul3A_624 = arith.mulf %get3A_622, %mul3A_623 : vector<16xf32>
        %mul3A_625 = arith.constant 16 : i32
        %mul3A_626 = arith.muli %scan3A_171, %mul3A_625 : i32
        %add3A_627 = arith.constant 3 : i32
        %add3A_628 = arith.addi %mul3A_626, %add3A_627 : i32
        %swap3A_629 = arith.index_cast %add3A_628 : i32 to index
        %swap3A_630 = arith.constant 48 : index
        %swap3A_631 = tpu.vector_load %arg10[%swap3A_629, %swap3A_630] {strides = array<i32>} : memref<128x128xf32, #tpu.memory_space<vmem>>, vector<16xf32>,
        tpu.vector_store %arg10[%swap3A_629, %swap3A_630], %mul3A_624 {strides = array<i32>} : memref<128x128xf32, #tpu.memory_space<vmem>>, vector<16xf32>,
        %mul3A_632 = arith.constant 16 : i32
        %mul3A_633 = arith.muli %scan3A_171, %mul3A_632 : i32
        %add3A_634 = arith.constant 3 : i32
        %add3A_635 = arith.addi %mul3A_633, %add3A_634 : i32
        %get3A_636 = arith.index_cast %add3A_635 : i32 to index
        %get3A_637 = arith.constant 64 : index
        %get3A_638 = tpu.vector_load %arg10[%get3A_636, %get3A_637] {strides = array<i32>} : memref<128x128xf32, #tpu.memory_space<vmem>>, vector<16xf32>,
        %mul3A_639 = vector.broadcast %squeeze3A_567 : f32 to vector<16xf32>
        %mul3A_640 = arith.mulf %get3A_638, %mul3A_639 : vector<16xf32>
        %mul3A_641 = arith.constant 16 : i32
        %mul3A_642 = arith.muli %scan3A_171, %mul3A_641 : i32
        %add3A_643 = arith.constant 3 : i32
        %add3A_644 = arith.addi %mul3A_642, %add3A_643 : i32
        %swap3A_645 = arith.index_cast %add3A_644 : i32 to index
        %swap3A_646 = arith.constant 64 : index
        %swap3A_647 = tpu.vector_load %arg10[%swap3A_645, %swap3A_646] {strides = array<i32>} : memref<128x128xf32, #tpu.memory_space<vmem>>, vector<16xf32>,
        tpu.vector_store %arg10[%swap3A_645, %swap3A_646], %mul3A_640 {strides = array<i32>} : memref<128x128xf32, #tpu.memory_space<vmem>>, vector<16xf32>,
        %mul3A_648 = arith.constant 16 : i32
        %mul3A_649 = arith.muli %scan3A_171, %mul3A_648 : i32
        %add3A_650 = arith.constant 3 : i32
        %add3A_651 = arith.addi %mul3A_649, %add3A_650 : i32
        %get3A_652 = arith.index_cast %add3A_651 : i32 to index
        %get3A_653 = arith.constant 80 : index
        %get3A_654 = tpu.vector_load %arg10[%get3A_652, %get3A_653] {strides = array<i32>} : memref<128x128xf32, #tpu.memory_space<vmem>>, vector<16xf32>,
        %mul3A_655 = vector.broadcast %squeeze3A_567 : f32 to vector<16xf32>
        %mul3A_656 = arith.mulf %get3A_654, %mul3A_655 : vector<16xf32>
        %mul3A_657 = arith.constant 16 : i32
        %mul3A_658 = arith.muli %scan3A_171, %mul3A_657 : i32
        %add3A_659 = arith.constant 3 : i32
        %add3A_660 = arith.addi %mul3A_658, %add3A_659 : i32
        %swap3A_661 = arith.index_cast %add3A_660 : i32 to index
        %swap3A_662 = arith.constant 80 : index
        %swap3A_663 = tpu.vector_load %arg10[%swap3A_661, %swap3A_662] {strides = array<i32>} : memref<128x128xf32, #tpu.memory_space<vmem>>, vector<16xf32>,
        tpu.vector_store %arg10[%swap3A_661, %swap3A_662], %mul3A_656 {strides = array<i32>} : memref<128x128xf32, #tpu.memory_space<vmem>>, vector<16xf32>,
        %mul3A_664 = arith.constant 16 : i32
        %mul3A_665 = arith.muli %scan3A_171, %mul3A_664 : i32
        %add3A_666 = arith.constant 3 : i32
        %add3A_667 = arith.addi %mul3A_665, %add3A_666 : i32
        %get3A_668 = arith.index_cast %add3A_667 : i32 to index
        %get3A_669 = arith.constant 96 : index
        %get3A_670 = tpu.vector_load %arg10[%get3A_668, %get3A_669] {strides = array<i32>} : memref<128x128xf32, #tpu.memory_space<vmem>>, vector<16xf32>,
        %mul3A_671 = vector.broadcast %squeeze3A_567 : f32 to vector<16xf32>
        %mul3A_672 = arith.mulf %get3A_670, %mul3A_671 : vector<16xf32>
        %mul3A_673 = arith.constant 16 : i32
        %mul3A_674 = arith.muli %scan3A_171, %mul3A_673 : i32
        %add3A_675 = arith.constant 3 : i32
        %add3A_676 = arith.addi %mul3A_674, %add3A_675 : i32
        %swap3A_677 = arith.index_cast %add3A_676 : i32 to index
        %swap3A_678 = arith.constant 96 : index
        %swap3A_679 = tpu.vector_load %arg10[%swap3A_677, %swap3A_678] {strides = array<i32>} : memref<128x128xf32, #tpu.memory_space<vmem>>, vector<16xf32>,
        tpu.vector_store %arg10[%swap3A_677, %swap3A_678], %mul3A_672 {strides = array<i32>} : memref<128x128xf32, #tpu.memory_space<vmem>>, vector<16xf32>,
        %mul3A_680 = arith.constant 16 : i32
        %mul3A_681 = arith.muli %scan3A_171, %mul3A_680 : i32
        %add3A_682 = arith.constant 3 : i32
        %add3A_683 = arith.addi %mul3A_681, %add3A_682 : i32
        %get3A_684 = arith.index_cast %add3A_683 : i32 to index
        %get3A_685 = arith.constant 112 : index
        %get3A_686 = tpu.vector_load %arg10[%get3A_684, %get3A_685] {strides = array<i32>} : memref<128x128xf32, #tpu.memory_space<vmem>>, vector<16xf32>,
        %mul3A_687 = vector.broadcast %squeeze3A_567 : f32 to vector<16xf32>
        %mul3A_688 = arith.mulf %get3A_686, %mul3A_687 : vector<16xf32>
        %mul3A_689 = arith.constant 16 : i32
        %mul3A_690 = arith.muli %scan3A_171, %mul3A_689 : i32
        %add3A_691 = arith.constant 3 : i32
        %add3A_692 = arith.addi %mul3A_690, %add3A_691 : i32
        %swap3A_693 = arith.index_cast %add3A_692 : i32 to index
        %swap3A_694 = arith.constant 112 : index
        %swap3A_695 = tpu.vector_load %arg10[%swap3A_693, %swap3A_694] {strides = array<i32>} : memref<128x128xf32, #tpu.memory_space<vmem>>, vector<16xf32>,
        tpu.vector_store %arg10[%swap3A_693, %swap3A_694], %mul3A_688 {strides = array<i32>} : memref<128x128xf32, #tpu.memory_space<vmem>>, vector<16xf32>,
        %slice3A_696 = vector.extract_strided_slice %get3A_178 {offsets = [4], sizes = [1], strides = [1]} : vector<16xf32> to vector<1xf32>
        %squeeze3A_697 = vector.extract %slice3A_696[0] : f32 from vector<1xf32>
        %mul3A_698 = arith.constant 16 : i32
        %mul3A_699 = arith.muli %scan3A_171, %mul3A_698 : i32
        %add3A_700 = arith.constant 4 : i32
        %add3A_701 = arith.addi %mul3A_699, %add3A_700 : i32
        %get3A_702 = arith.index_cast %add3A_701 : i32 to index
        %get3A_703 = arith.constant 0 : index
        %get3A_704 = tpu.vector_load %arg10[%get3A_702, %get3A_703] {strides = array<i32>} : memref<128x128xf32, #tpu.memory_space<vmem>>, vector<16xf32>,
        %mul3A_705 = vector.broadcast %squeeze3A_697 : f32 to vector<16xf32>
        %mul3A_706 = arith.mulf %get3A_704, %mul3A_705 : vector<16xf32>
        %mul3A_707 = arith.constant 16 : i32
        %mul3A_708 = arith.muli %scan3A_171, %mul3A_707 : i32
        %add3A_709 = arith.constant 4 : i32
        %add3A_710 = arith.addi %mul3A_708, %add3A_709 : i32
        %swap3A_711 = arith.index_cast %add3A_710 : i32 to index
        %swap3A_712 = arith.constant 0 : index
        %swap3A_713 = tpu.vector_load %arg10[%swap3A_711, %swap3A_712] {strides = array<i32>} : memref<128x128xf32, #tpu.memory_space<vmem>>, vector<16xf32>,
        tpu.vector_store %arg10[%swap3A_711, %swap3A_712], %mul3A_706 {strides = array<i32>} : memref<128x128xf32, #tpu.memory_space<vmem>>, vector<16xf32>,
        %mul3A_714 = arith.constant 16 : i32
        %mul3A_715 = arith.muli %scan3A_171, %mul3A_714 : i32
        %add3A_716 = arith.constant 4 : i32
        %add3A_717 = arith.addi %mul3A_715, %add3A_716 : i32
        %get3A_718 = arith.index_cast %add3A_717 : i32 to index
        %get3A_719 = arith.constant 16 : index
        %get3A_720 = tpu.vector_load %arg10[%get3A_718, %get3A_719] {strides = array<i32>} : memref<128x128xf32, #tpu.memory_space<vmem>>, vector<16xf32>,
        %mul3A_721 = vector.broadcast %squeeze3A_697 : f32 to vector<16xf32>
        %mul3A_722 = arith.mulf %get3A_720, %mul3A_721 : vector<16xf32>
        %mul3A_723 = arith.constant 16 : i32
        %mul3A_724 = arith.muli %scan3A_171, %mul3A_723 : i32
        %add3A_725 = arith.constant 4 : i32
        %add3A_726 = arith.addi %mul3A_724, %add3A_725 : i32
        %swap3A_727 = arith.index_cast %add3A_726 : i32 to index
        %swap3A_728 = arith.constant 16 : index
        %swap3A_729 = tpu.vector_load %arg10[%swap3A_727, %swap3A_728] {strides = array<i32>} : memref<128x128xf32, #tpu.memory_space<vmem>>, vector<16xf32>,
        tpu.vector_store %arg10[%swap3A_727, %swap3A_728], %mul3A_722 {strides = array<i32>} : memref<128x128xf32, #tpu.memory_space<vmem>>, vector<16xf32>,
        %mul3A_730 = arith.constant 16 : i32
        %mul3A_731 = arith.muli %scan3A_171, %mul3A_730 : i32
        %add3A_732 = arith.constant 4 : i32
        %add3A_733 = arith.addi %mul3A_731, %add3A_732 : i32
        %get3A_734 = arith.index_cast %add3A_733 : i32 to index
        %get3A_735 = arith.constant 32 : index
        %get3A_736 = tpu.vector_load %arg10[%get3A_734, %get3A_735] {strides = array<i32>} : memref<128x128xf32, #tpu.memory_space<vmem>>, vector<16xf32>,
        %mul3A_737 = vector.broadcast %squeeze3A_697 : f32 to vector<16xf32>
        %mul3A_738 = arith.mulf %get3A_736, %mul3A_737 : vector<16xf32>
        %mul3A_739 = arith.constant 16 : i32
        %mul3A_740 = arith.muli %scan3A_171, %mul3A_739 : i32
        %add3A_741 = arith.constant 4 : i32
        %add3A_742 = arith.addi %mul3A_740, %add3A_741 : i32
        %swap3A_743 = arith.index_cast %add3A_742 : i32 to index
        %swap3A_744 = arith.constant 32 : index
        %swap3A_745 = tpu.vector_load %arg10[%swap3A_743, %swap3A_744] {strides = array<i32>} : memref<128x128xf32, #tpu.memory_space<vmem>>, vector<16xf32>,
        tpu.vector_store %arg10[%swap3A_743, %swap3A_744], %mul3A_738 {strides = array<i32>} : memref<128x128xf32, #tpu.memory_space<vmem>>, vector<16xf32>,
        %mul3A_746 = arith.constant 16 : i32
        %mul3A_747 = arith.muli %scan3A_171, %mul3A_746 : i32
        %add3A_748 = arith.constant 4 : i32
        %add3A_749 = arith.addi %mul3A_747, %add3A_748 : i32
        %get3A_750 = arith.index_cast %add3A_749 : i32 to index
        %get3A_751 = arith.constant 48 : index
        %get3A_752 = tpu.vector_load %arg10[%get3A_750, %get3A_751] {strides = array<i32>} : memref<128x128xf32, #tpu.memory_space<vmem>>, vector<16xf32>,
        %mul3A_753 = vector.broadcast %squeeze3A_697 : f32 to vector<16xf32>
        %mul3A_754 = arith.mulf %get3A_752, %mul3A_753 : vector<16xf32>
        %mul3A_755 = arith.constant 16 : i32
        %mul3A_756 = arith.muli %scan3A_171, %mul3A_755 : i32
        %add3A_757 = arith.constant 4 : i32
        %add3A_758 = arith.addi %mul3A_756, %add3A_757 : i32
        %swap3A_759 = arith.index_cast %add3A_758 : i32 to index
        %swap3A_760 = arith.constant 48 : index
        %swap3A_761 = tpu.vector_load %arg10[%swap3A_759, %swap3A_760] {strides = array<i32>} : memref<128x128xf32, #tpu.memory_space<vmem>>, vector<16xf32>,
        tpu.vector_store %arg10[%swap3A_759, %swap3A_760], %mul3A_754 {strides = array<i32>} : memref<128x128xf32, #tpu.memory_space<vmem>>, vector<16xf32>,
        %mul3A_762 = arith.constant 16 : i32
        %mul3A_763 = arith.muli %scan3A_171, %mul3A_762 : i32
        %add3A_764 = arith.constant 4 : i32
        %add3A_765 = arith.addi %mul3A_763, %add3A_764 : i32
        %get3A_766 = arith.index_cast %add3A_765 : i32 to index
        %get3A_767 = arith.constant 64 : index
        %get3A_768 = tpu.vector_load %arg10[%get3A_766, %get3A_767] {strides = array<i32>} : memref<128x128xf32, #tpu.memory_space<vmem>>, vector<16xf32>,
        %mul3A_769 = vector.broadcast %squeeze3A_697 : f32 to vector<16xf32>
        %mul3A_770 = arith.mulf %get3A_768, %mul3A_769 : vector<16xf32>
        %mul3A_771 = arith.constant 16 : i32
        %mul3A_772 = arith.muli %scan3A_171, %mul3A_771 : i32
        %add3A_773 = arith.constant 4 : i32
        %add3A_774 = arith.addi %mul3A_772, %add3A_773 : i32
        %swap3A_775 = arith.index_cast %add3A_774 : i32 to index
        %swap3A_776 = arith.constant 64 : index
        %swap3A_777 = tpu.vector_load %arg10[%swap3A_775, %swap3A_776] {strides = array<i32>} : memref<128x128xf32, #tpu.memory_space<vmem>>, vector<16xf32>,
        tpu.vector_store %arg10[%swap3A_775, %swap3A_776], %mul3A_770 {strides = array<i32>} : memref<128x128xf32, #tpu.memory_space<vmem>>, vector<16xf32>,
        %mul3A_778 = arith.constant 16 : i32
        %mul3A_779 = arith.muli %scan3A_171, %mul3A_778 : i32
        %add3A_780 = arith.constant 4 : i32
        %add3A_781 = arith.addi %mul3A_779, %add3A_780 : i32
        %get3A_782 = arith.index_cast %add3A_781 : i32 to index
        %get3A_783 = arith.constant 80 : index
        %get3A_784 = tpu.vector_load %arg10[%get3A_782, %get3A_783] {strides = array<i32>} : memref<128x128xf32, #tpu.memory_space<vmem>>, vector<16xf32>,
        %mul3A_785 = vector.broadcast %squeeze3A_697 : f32 to vector<16xf32>
        %mul3A_786 = arith.mulf %get3A_784, %mul3A_785 : vector<16xf32>
        %mul3A_787 = arith.constant 16 : i32
        %mul3A_788 = arith.muli %scan3A_171, %mul3A_787 : i32
        %add3A_789 = arith.constant 4 : i32
        %add3A_790 = arith.addi %mul3A_788, %add3A_789 : i32
        %swap3A_791 = arith.index_cast %add3A_790 : i32 to index
        %swap3A_792 = arith.constant 80 : index
        %swap3A_793 = tpu.vector_load %arg10[%swap3A_791, %swap3A_792] {strides = array<i32>} : memref<128x128xf32, #tpu.memory_space<vmem>>, vector<16xf32>,
        tpu.vector_store %arg10[%swap3A_791, %swap3A_792], %mul3A_786 {strides = array<i32>} : memref<128x128xf32, #tpu.memory_space<vmem>>, vector<16xf32>,
        %mul3A_794 = arith.constant 16 : i32
        %mul3A_795 = arith.muli %scan3A_171, %mul3A_794 : i32
        %add3A_796 = arith.constant 4 : i32
        %add3A_797 = arith.addi %mul3A_795, %add3A_796 : i32
        %get3A_798 = arith.index_cast %add3A_797 : i32 to index
        %get3A_799 = arith.constant 96 : index
        %get3A_800 = tpu.vector_load %arg10[%get3A_798, %get3A_799] {strides = array<i32>} : memref<128x128xf32, #tpu.memory_space<vmem>>, vector<16xf32>,
        %mul3A_801 = vector.broadcast %squeeze3A_697 : f32 to vector<16xf32>
        %mul3A_802 = arith.mulf %get3A_800, %mul3A_801 : vector<16xf32>
        %mul3A_803 = arith.constant 16 : i32
        %mul3A_804 = arith.muli %scan3A_171, %mul3A_803 : i32
        %add3A_805 = arith.constant 4 : i32
        %add3A_806 = arith.addi %mul3A_804, %add3A_805 : i32
        %swap3A_807 = arith.index_cast %add3A_806 : i32 to index
        %swap3A_808 = arith.constant 96 : index
        %swap3A_809 = tpu.vector_load %arg10[%swap3A_807, %swap3A_808] {strides = array<i32>} : memref<128x128xf32, #tpu.memory_space<vmem>>, vector<16xf32>,
        tpu.vector_store %arg10[%swap3A_807, %swap3A_808], %mul3A_802 {strides = array<i32>} : memref<128x128xf32, #tpu.memory_space<vmem>>, vector<16xf32>,
        %mul3A_810 = arith.constant 16 : i32
        %mul3A_811 = arith.muli %scan3A_171, %mul3A_810 : i32
        %add3A_812 = arith.constant 4 : i32
        %add3A_813 = arith.addi %mul3A_811, %add3A_812 : i32
        %get3A_814 = arith.index_cast %add3A_813 : i32 to index
        %get3A_815 = arith.constant 112 : index
        %get3A_816 = tpu.vector_load %arg10[%get3A_814, %get3A_815] {strides = array<i32>} : memref<128x128xf32, #tpu.memory_space<vmem>>, vector<16xf32>,
        %mul3A_817 = vector.broadcast %squeeze3A_697 : f32 to vector<16xf32>
        %mul3A_818 = arith.mulf %get3A_816, %mul3A_817 : vector<16xf32>
        %mul3A_819 = arith.constant 16 : i32
        %mul3A_820 = arith.muli %scan3A_171, %mul3A_819 : i32
        %add3A_821 = arith.constant 4 : i32
        %add3A_822 = arith.addi %mul3A_820, %add3A_821 : i32
        %swap3A_823 = arith.index_cast %add3A_822 : i32 to index
        %swap3A_824 = arith.constant 112 : index
        %swap3A_825 = tpu.vector_load %arg10[%swap3A_823, %swap3A_824] {strides = array<i32>} : memref<128x128xf32, #tpu.memory_space<vmem>>, vector<16xf32>,
        tpu.vector_store %arg10[%swap3A_823, %swap3A_824], %mul3A_818 {strides = array<i32>} : memref<128x128xf32, #tpu.memory_space<vmem>>, vector<16xf32>,
        %slice3A_826 = vector.extract_strided_slice %get3A_178 {offsets = [5], sizes = [1], strides = [1]} : vector<16xf32> to vector<1xf32>
        %squeeze3A_827 = vector.extract %slice3A_826[0] : f32 from vector<1xf32>
        %mul3A_828 = arith.constant 16 : i32
        %mul3A_829 = arith.muli %scan3A_171, %mul3A_828 : i32
        %add3A_830 = arith.constant 5 : i32
        %add3A_831 = arith.addi %mul3A_829, %add3A_830 : i32
        %get3A_832 = arith.index_cast %add3A_831 : i32 to index
        %get3A_833 = arith.constant 0 : index
        %get3A_834 = tpu.vector_load %arg10[%get3A_832, %get3A_833] {strides = array<i32>} : memref<128x128xf32, #tpu.memory_space<vmem>>, vector<16xf32>,
        %mul3A_835 = vector.broadcast %squeeze3A_827 : f32 to vector<16xf32>
        %mul3A_836 = arith.mulf %get3A_834, %mul3A_835 : vector<16xf32>
        %mul3A_837 = arith.constant 16 : i32
        %mul3A_838 = arith.muli %scan3A_171, %mul3A_837 : i32
        %add3A_839 = arith.constant 5 : i32
        %add3A_840 = arith.addi %mul3A_838, %add3A_839 : i32
        %swap3A_841 = arith.index_cast %add3A_840 : i32 to index
        %swap3A_842 = arith.constant 0 : index
        %swap3A_843 = tpu.vector_load %arg10[%swap3A_841, %swap3A_842] {strides = array<i32>} : memref<128x128xf32, #tpu.memory_space<vmem>>, vector<16xf32>,
        tpu.vector_store %arg10[%swap3A_841, %swap3A_842], %mul3A_836 {strides = array<i32>} : memref<128x128xf32, #tpu.memory_space<vmem>>, vector<16xf32>,
        %mul3A_844 = arith.constant 16 : i32
        %mul3A_845 = arith.muli %scan3A_171, %mul3A_844 : i32
        %add3A_846 = arith.constant 5 : i32
        %add3A_847 = arith.addi %mul3A_845, %add3A_846 : i32
        %get3A_848 = arith.index_cast %add3A_847 : i32 to index
        %get3A_849 = arith.constant 16 : index
        %get3A_850 = tpu.vector_load %arg10[%get3A_848, %get3A_849] {strides = array<i32>} : memref<128x128xf32, #tpu.memory_space<vmem>>, vector<16xf32>,
        %mul3A_851 = vector.broadcast %squeeze3A_827 : f32 to vector<16xf32>
        %mul3A_852 = arith.mulf %get3A_850, %mul3A_851 : vector<16xf32>
        %mul3A_853 = arith.constant 16 : i32
        %mul3A_854 = arith.muli %scan3A_171, %mul3A_853 : i32
        %add3A_855 = arith.constant 5 : i32
        %add3A_856 = arith.addi %mul3A_854, %add3A_855 : i32
        %swap3A_857 = arith.index_cast %add3A_856 : i32 to index
        %swap3A_858 = arith.constant 16 : index
        %swap3A_859 = tpu.vector_load %arg10[%swap3A_857, %swap3A_858] {strides = array<i32>} : memref<128x128xf32, #tpu.memory_space<vmem>>, vector<16xf32>,
        tpu.vector_store %arg10[%swap3A_857, %swap3A_858], %mul3A_852 {strides = array<i32>} : memref<128x128xf32, #tpu.memory_space<vmem>>, vector<16xf32>,
        %mul3A_860 = arith.constant 16 : i32
        %mul3A_861 = arith.muli %scan3A_171, %mul3A_860 : i32
        %add3A_862 = arith.constant 5 : i32
        %add3A_863 = arith.addi %mul3A_861, %add3A_862 : i32
        %get3A_864 = arith.index_cast %add3A_863 : i32 to index
        %get3A_865 = arith.constant 32 : index
        %get3A_866 = tpu.vector_load %arg10[%get3A_864, %get3A_865] {strides = array<i32>} : memref<128x128xf32, #tpu.memory_space<vmem>>, vector<16xf32>,
        %mul3A_867 = vector.broadcast %squeeze3A_827 : f32 to vector<16xf32>
        %mul3A_868 = arith.mulf %get3A_866, %mul3A_867 : vector<16xf32>
        %mul3A_869 = arith.constant 16 : i32
        %mul3A_870 = arith.muli %scan3A_171, %mul3A_869 : i32
        %add3A_871 = arith.constant 5 : i32
        %add3A_872 = arith.addi %mul3A_870, %add3A_871 : i32
        %swap3A_873 = arith.index_cast %add3A_872 : i32 to index
        %swap3A_874 = arith.constant 32 : index
        %swap3A_875 = tpu.vector_load %arg10[%swap3A_873, %swap3A_874] {strides = array<i32>} : memref<128x128xf32, #tpu.memory_space<vmem>>, vector<16xf32>,
        tpu.vector_store %arg10[%swap3A_873, %swap3A_874], %mul3A_868 {strides = array<i32>} : memref<128x128xf32, #tpu.memory_space<vmem>>, vector<16xf32>,
        %mul3A_876 = arith.constant 16 : i32
        %mul3A_877 = arith.muli %scan3A_171, %mul3A_876 : i32
        %add3A_878 = arith.constant 5 : i32
        %add3A_879 = arith.addi %mul3A_877, %add3A_878 : i32
        %get3A_880 = arith.index_cast %add3A_879 : i32 to index
        %get3A_881 = arith.constant 48 : index
        %get3A_882 = tpu.vector_load %arg10[%get3A_880, %get3A_881] {strides = array<i32>} : memref<128x128xf32, #tpu.memory_space<vmem>>, vector<16xf32>,
        %mul3A_883 = vector.broadcast %squeeze3A_827 : f32 to vector<16xf32>
        %mul3A_884 = arith.mulf %get3A_882, %mul3A_883 : vector<16xf32>
        %mul3A_885 = arith.constant 16 : i32
        %mul3A_886 = arith.muli %scan3A_171, %mul3A_885 : i32
        %add3A_887 = arith.constant 5 : i32
        %add3A_888 = arith.addi %mul3A_886, %add3A_887 : i32
        %swap3A_889 = arith.index_cast %add3A_888 : i32 to index
        %swap3A_890 = arith.constant 48 : index
        %swap3A_891 = tpu.vector_load %arg10[%swap3A_889, %swap3A_890] {strides = array<i32>} : memref<128x128xf32, #tpu.memory_space<vmem>>, vector<16xf32>,
        tpu.vector_store %arg10[%swap3A_889, %swap3A_890], %mul3A_884 {strides = array<i32>} : memref<128x128xf32, #tpu.memory_space<vmem>>, vector<16xf32>,
        %mul3A_892 = arith.constant 16 : i32
        %mul3A_893 = arith.muli %scan3A_171, %mul3A_892 : i32
        %add3A_894 = arith.constant 5 : i32
        %add3A_895 = arith.addi %mul3A_893, %add3A_894 : i32
        %get3A_896 = arith.index_cast %add3A_895 : i32 to index
        %get3A_897 = arith.constant 64 : index
        %get3A_898 = tpu.vector_load %arg10[%get3A_896, %get3A_897] {strides = array<i32>} : memref<128x128xf32, #tpu.memory_space<vmem>>, vector<16xf32>,
        %mul3A_899 = vector.broadcast %squeeze3A_827 : f32 to vector<16xf32>
        %mul3A_900 = arith.mulf %get3A_898, %mul3A_899 : vector<16xf32>
        %mul3A_901 = arith.constant 16 : i32
        %mul3A_902 = arith.muli %scan3A_171, %mul3A_901 : i32
        %add3A_903 = arith.constant 5 : i32
        %add3A_904 = arith.addi %mul3A_902, %add3A_903 : i32
        %swap3A_905 = arith.index_cast %add3A_904 : i32 to index
        %swap3A_906 = arith.constant 64 : index
        %swap3A_907 = tpu.vector_load %arg10[%swap3A_905, %swap3A_906] {strides = array<i32>} : memref<128x128xf32, #tpu.memory_space<vmem>>, vector<16xf32>,
        tpu.vector_store %arg10[%swap3A_905, %swap3A_906], %mul3A_900 {strides = array<i32>} : memref<128x128xf32, #tpu.memory_space<vmem>>, vector<16xf32>,
        %mul3A_908 = arith.constant 16 : i32
        %mul3A_909 = arith.muli %scan3A_171, %mul3A_908 : i32
        %add3A_910 = arith.constant 5 : i32
        %add3A_911 = arith.addi %mul3A_909, %add3A_910 : i32
        %get3A_912 = arith.index_cast %add3A_911 : i32 to index
        %get3A_913 = arith.constant 80 : index
        %get3A_914 = tpu.vector_load %arg10[%get3A_912, %get3A_913] {strides = array<i32>} : memref<128x128xf32, #tpu.memory_space<vmem>>, vector<16xf32>,
        %mul3A_915 = vector.broadcast %squeeze3A_827 : f32 to vector<16xf32>
        %mul3A_916 = arith.mulf %get3A_914, %mul3A_915 : vector<16xf32>
        %mul3A_917 = arith.constant 16 : i32
        %mul3A_918 = arith.muli %scan3A_171, %mul3A_917 : i32
        %add3A_919 = arith.constant 5 : i32
        %add3A_920 = arith.addi %mul3A_918, %add3A_919 : i32
        %swap3A_921 = arith.index_cast %add3A_920 : i32 to index
        %swap3A_922 = arith.constant 80 : index
        %swap3A_923 = tpu.vector_load %arg10[%swap3A_921, %swap3A_922] {strides = array<i32>} : memref<128x128xf32, #tpu.memory_space<vmem>>, vector<16xf32>,
        tpu.vector_store %arg10[%swap3A_921, %swap3A_922], %mul3A_916 {strides = array<i32>} : memref<128x128xf32, #tpu.memory_space<vmem>>, vector<16xf32>,
        %mul3A_924 = arith.constant 16 : i32
        %mul3A_925 = arith.muli %scan3A_171, %mul3A_924 : i32
        %add3A_926 = arith.constant 5 : i32
        %add3A_927 = arith.addi %mul3A_925, %add3A_926 : i32
        %get3A_928 = arith.index_cast %add3A_927 : i32 to index
        %get3A_929 = arith.constant 96 : index
        %get3A_930 = tpu.vector_load %arg10[%get3A_928, %get3A_929] {strides = array<i32>} : memref<128x128xf32, #tpu.memory_space<vmem>>, vector<16xf32>,
        %mul3A_931 = vector.broadcast %squeeze3A_827 : f32 to vector<16xf32>
        %mul3A_932 = arith.mulf %get3A_930, %mul3A_931 : vector<16xf32>
        %mul3A_933 = arith.constant 16 : i32
        %mul3A_934 = arith.muli %scan3A_171, %mul3A_933 : i32
        %add3A_935 = arith.constant 5 : i32
        %add3A_936 = arith.addi %mul3A_934, %add3A_935 : i32
        %swap3A_937 = arith.index_cast %add3A_936 : i32 to index
        %swap3A_938 = arith.constant 96 : index
        %swap3A_939 = tpu.vector_load %arg10[%swap3A_937, %swap3A_938] {strides = array<i32>} : memref<128x128xf32, #tpu.memory_space<vmem>>, vector<16xf32>,
        tpu.vector_store %arg10[%swap3A_937, %swap3A_938], %mul3A_932 {strides = array<i32>} : memref<128x128xf32, #tpu.memory_space<vmem>>, vector<16xf32>,
        %mul3A_940 = arith.constant 16 : i32
        %mul3A_941 = arith.muli %scan3A_171, %mul3A_940 : i32
        %add3A_942 = arith.constant 5 : i32
        %add3A_943 = arith.addi %mul3A_941, %add3A_942 : i32
        %get3A_944 = arith.index_cast %add3A_943 : i32 to index
        %get3A_945 = arith.constant 112 : index
        %get3A_946 = tpu.vector_load %arg10[%get3A_944, %get3A_945] {strides = array<i32>} : memref<128x128xf32, #tpu.memory_space<vmem>>, vector<16xf32>,
        %mul3A_947 = vector.broadcast %squeeze3A_827 : f32 to vector<16xf32>
        %mul3A_948 = arith.mulf %get3A_946, %mul3A_947 : vector<16xf32>
        %mul3A_949 = arith.constant 16 : i32
        %mul3A_950 = arith.muli %scan3A_171, %mul3A_949 : i32
        %add3A_951 = arith.constant 5 : i32
        %add3A_952 = arith.addi %mul3A_950, %add3A_951 : i32
        %swap3A_953 = arith.index_cast %add3A_952 : i32 to index
        %swap3A_954 = arith.constant 112 : index
        %swap3A_955 = tpu.vector_load %arg10[%swap3A_953, %swap3A_954] {strides = array<i32>} : memref<128x128xf32, #tpu.memory_space<vmem>>, vector<16xf32>,
        tpu.vector_store %arg10[%swap3A_953, %swap3A_954], %mul3A_948 {strides = array<i32>} : memref<128x128xf32, #tpu.memory_space<vmem>>, vector<16xf32>,
        %slice3A_956 = vector.extract_strided_slice %get3A_178 {offsets = [6], sizes = [1], strides = [1]} : vector<16xf32> to vector<1xf32>
        %squeeze3A_957 = vector.extract %slice3A_956[0] : f32 from vector<1xf32>
        %mul3A_958 = arith.constant 16 : i32
        %mul3A_959 = arith.muli %scan3A_171, %mul3A_958 : i32
        %add3A_960 = arith.constant 6 : i32
        %add3A_961 = arith.addi %mul3A_959, %add3A_960 : i32
        %get3A_962 = arith.index_cast %add3A_961 : i32 to index
        %get3A_963 = arith.constant 0 : index
        %get3A_964 = tpu.vector_load %arg10[%get3A_962, %get3A_963] {strides = array<i32>} : memref<128x128xf32, #tpu.memory_space<vmem>>, vector<16xf32>,
        %mul3A_965 = vector.broadcast %squeeze3A_957 : f32 to vector<16xf32>
        %mul3A_966 = arith.mulf %get3A_964, %mul3A_965 : vector<16xf32>
        %mul3A_967 = arith.constant 16 : i32
        %mul3A_968 = arith.muli %scan3A_171, %mul3A_967 : i32
        %add3A_969 = arith.constant 6 : i32
        %add3A_970 = arith.addi %mul3A_968, %add3A_969 : i32
        %swap3A_971 = arith.index_cast %add3A_970 : i32 to index
        %swap3A_972 = arith.constant 0 : index
        %swap3A_973 = tpu.vector_load %arg10[%swap3A_971, %swap3A_972] {strides = array<i32>} : memref<128x128xf32, #tpu.memory_space<vmem>>, vector<16xf32>,
        tpu.vector_store %arg10[%swap3A_971, %swap3A_972], %mul3A_966 {strides = array<i32>} : memref<128x128xf32, #tpu.memory_space<vmem>>, vector<16xf32>,
        %mul3A_974 = arith.constant 16 : i32
        %mul3A_975 = arith.muli %scan3A_171, %mul3A_974 : i32
        %add3A_976 = arith.constant 6 : i32
        %add3A_977 = arith.addi %mul3A_975, %add3A_976 : i32
        %get3A_978 = arith.index_cast %add3A_977 : i32 to index
        %get3A_979 = arith.constant 16 : index
        %get3A_980 = tpu.vector_load %arg10[%get3A_978, %get3A_979] {strides = array<i32>} : memref<128x128xf32, #tpu.memory_space<vmem>>, vector<16xf32>,
        %mul3A_981 = vector.broadcast %squeeze3A_957 : f32 to vector<16xf32>
        %mul3A_982 = arith.mulf %get3A_980, %mul3A_981 : vector<16xf32>
        %mul3A_983 = arith.constant 16 : i32
        %mul3A_984 = arith.muli %scan3A_171, %mul3A_983 : i32
        %add3A_985 = arith.constant 6 : i32
        %add3A_986 = arith.addi %mul3A_984, %add3A_985 : i32
        %swap3A_987 = arith.index_cast %add3A_986 : i32 to index
        %swap3A_988 = arith.constant 16 : index
        %swap3A_989 = tpu.vector_load %arg10[%swap3A_987, %swap3A_988] {strides = array<i32>} : memref<128x128xf32, #tpu.memory_space<vmem>>, vector<16xf32>,
        tpu.vector_store %arg10[%swap3A_987, %swap3A_988], %mul3A_982 {strides = array<i32>} : memref<128x128xf32, #tpu.memory_space<vmem>>, vector<16xf32>,
        %mul3A_990 = arith.constant 16 : i32
        %mul3A_991 = arith.muli %scan3A_171, %mul3A_990 : i32
        %add3A_992 = arith.constant 6 : i32
        %add3A_993 = arith.addi %mul3A_991, %add3A_992 : i32
        %get3A_994 = arith.index_cast %add3A_993 : i32 to index
        %get3A_995 = arith.constant 32 : index
        %get3A_996 = tpu.vector_load %arg10[%get3A_994, %get3A_995] {strides = array<i32>} : memref<128x128xf32, #tpu.memory_space<vmem>>, vector<16xf32>,
        %mul3A_997 = vector.broadcast %squeeze3A_957 : f32 to vector<16xf32>
        %mul3A_998 = arith.mulf %get3A_996, %mul3A_997 : vector<16xf32>
        %mul3A_999 = arith.constant 16 : i32
        %mul3A_1000 = arith.muli %scan3A_171, %mul3A_999 : i32
        %add3A_1001 = arith.constant 6 : i32
        %add3A_1002 = arith.addi %mul3A_1000, %add3A_1001 : i32
        %swap3A_1003 = arith.index_cast %add3A_1002 : i32 to index
        %swap3A_1004 = arith.constant 32 : index
        %swap3A_1005 = tpu.vector_load %arg10[%swap3A_1003, %swap3A_1004] {strides = array<i32>} : memref<128x128xf32, #tpu.memory_space<vmem>>, vector<16xf32>,
        tpu.vector_store %arg10[%swap3A_1003, %swap3A_1004], %mul3A_998 {strides = array<i32>} : memref<128x128xf32, #tpu.memory_space<vmem>>, vector<16xf32>,
        %mul3A_1006 = arith.constant 16 : i32
        %mul3A_1007 = arith.muli %scan3A_171, %mul3A_1006 : i32
        %add3A_1008 = arith.constant 6 : i32
        %add3A_1009 = arith.addi %mul3A_1007, %add3A_1008 : i32
        %get3A_1010 = arith.index_cast %add3A_1009 : i32 to index
        %get3A_1011 = arith.constant 48 : index
        %get3A_1012 = tpu.vector_load %arg10[%get3A_1010, %get3A_1011] {strides = array<i32>} : memref<128x128xf32, #tpu.memory_space<vmem>>, vector<16xf32>,
        %mul3A_1013 = vector.broadcast %squeeze3A_957 : f32 to vector<16xf32>
        %mul3A_1014 = arith.mulf %get3A_1012, %mul3A_1013 : vector<16xf32>
        %mul3A_1015 = arith.constant 16 : i32
        %mul3A_1016 = arith.muli %scan3A_171, %mul3A_1015 : i32
        %add3A_1017 = arith.constant 6 : i32
        %add3A_1018 = arith.addi %mul3A_1016, %add3A_1017 : i32
        %swap3A_1019 = arith.index_cast %add3A_1018 : i32 to index
        %swap3A_1020 = arith.constant 48 : index
        %swap3A_1021 = tpu.vector_load %arg10[%swap3A_1019, %swap3A_1020] {strides = array<i32>} : memref<128x128xf32, #tpu.memory_space<vmem>>, vector<16xf32>,
        tpu.vector_store %arg10[%swap3A_1019, %swap3A_1020], %mul3A_1014 {strides = array<i32>} : memref<128x128xf32, #tpu.memory_space<vmem>>, vector<16xf32>,
        %mul3A_1022 = arith.constant 16 : i32
        %mul3A_1023 = arith.muli %scan3A_171, %mul3A_1022 : i32
        %add3A_1024 = arith.constant 6 : i32
        %add3A_1025 = arith.addi %mul3A_1023, %add3A_1024 : i32
        %get3A_1026 = arith.index_cast %add3A_1025 : i32 to index
        %get3A_1027 = arith.constant 64 : index
        %get3A_1028 = tpu.vector_load %arg10[%get3A_1026, %get3A_1027] {strides = array<i32>} : memref<128x128xf32, #tpu.memory_space<vmem>>, vector<16xf32>,
        %mul3A_1029 = vector.broadcast %squeeze3A_957 : f32 to vector<16xf32>
        %mul3A_1030 = arith.mulf %get3A_1028, %mul3A_1029 : vector<16xf32>
        %mul3A_1031 = arith.constant 16 : i32
        %mul3A_1032 = arith.muli %scan3A_171, %mul3A_1031 : i32
        %add3A_1033 = arith.constant 6 : i32
        %add3A_1034 = arith.addi %mul3A_1032, %add3A_1033 : i32
        %swap3A_1035 = arith.index_cast %add3A_1034 : i32 to index
        %swap3A_1036 = arith.constant 64 : index
        %swap3A_1037 = tpu.vector_load %arg10[%swap3A_1035, %swap3A_1036] {strides = array<i32>} : memref<128x128xf32, #tpu.memory_space<vmem>>, vector<16xf32>,
        tpu.vector_store %arg10[%swap3A_1035, %swap3A_1036], %mul3A_1030 {strides = array<i32>} : memref<128x128xf32, #tpu.memory_space<vmem>>, vector<16xf32>,
        %mul3A_1038 = arith.constant 16 : i32
        %mul3A_1039 = arith.muli %scan3A_171, %mul3A_1038 : i32
        %add3A_1040 = arith.constant 6 : i32
        %add3A_1041 = arith.addi %mul3A_1039, %add3A_1040 : i32
        %get3A_1042 = arith.index_cast %add3A_1041 : i32 to index
        %get3A_1043 = arith.constant 80 : index
        %get3A_1044 = tpu.vector_load %arg10[%get3A_1042, %get3A_1043] {strides = array<i32>} : memref<128x128xf32, #tpu.memory_space<vmem>>, vector<16xf32>,
        %mul3A_1045 = vector.broadcast %squeeze3A_957 : f32 to vector<16xf32>
        %mul3A_1046 = arith.mulf %get3A_1044, %mul3A_1045 : vector<16xf32>
        %mul3A_1047 = arith.constant 16 : i32
        %mul3A_1048 = arith.muli %scan3A_171, %mul3A_1047 : i32
        %add3A_1049 = arith.constant 6 : i32
        %add3A_1050 = arith.addi %mul3A_1048, %add3A_1049 : i32
        %swap3A_1051 = arith.index_cast %add3A_1050 : i32 to index
        %swap3A_1052 = arith.constant 80 : index
        %swap3A_1053 = tpu.vector_load %arg10[%swap3A_1051, %swap3A_1052] {strides = array<i32>} : memref<128x128xf32, #tpu.memory_space<vmem>>, vector<16xf32>,
        tpu.vector_store %arg10[%swap3A_1051, %swap3A_1052], %mul3A_1046 {strides = array<i32>} : memref<128x128xf32, #tpu.memory_space<vmem>>, vector<16xf32>,
        %mul3A_1054 = arith.constant 16 : i32
        %mul3A_1055 = arith.muli %scan3A_171, %mul3A_1054 : i32
        %add3A_1056 = arith.constant 6 : i32
        %add3A_1057 = arith.addi %mul3A_1055, %add3A_1056 : i32
        %get3A_1058 = arith.index_cast %add3A_1057 : i32 to index
        %get3A_1059 = arith.constant 96 : index
        %get3A_1060 = tpu.vector_load %arg10[%get3A_1058, %get3A_1059] {strides = array<i32>} : memref<128x128xf32, #tpu.memory_space<vmem>>, vector<16xf32>,
        %mul3A_1061 = vector.broadcast %squeeze3A_957 : f32 to vector<16xf32>
        %mul3A_1062 = arith.mulf %get3A_1060, %mul3A_1061 : vector<16xf32>
        %mul3A_1063 = arith.constant 16 : i32
        %mul3A_1064 = arith.muli %scan3A_171, %mul3A_1063 : i32
        %add3A_1065 = arith.constant 6 : i32
        %add3A_1066 = arith.addi %mul3A_1064, %add3A_1065 : i32
        %swap3A_1067 = arith.index_cast %add3A_1066 : i32 to index
        %swap3A_1068 = arith.constant 96 : index
        %swap3A_1069 = tpu.vector_load %arg10[%swap3A_1067, %swap3A_1068] {strides = array<i32>} : memref<128x128xf32, #tpu.memory_space<vmem>>, vector<16xf32>,
        tpu.vector_store %arg10[%swap3A_1067, %swap3A_1068], %mul3A_1062 {strides = array<i32>} : memref<128x128xf32, #tpu.memory_space<vmem>>, vector<16xf32>,
        %mul3A_1070 = arith.constant 16 : i32
        %mul3A_1071 = arith.muli %scan3A_171, %mul3A_1070 : i32
        %add3A_1072 = arith.constant 6 : i32
        %add3A_1073 = arith.addi %mul3A_1071, %add3A_1072 : i32
        %get3A_1074 = arith.index_cast %add3A_1073 : i32 to index
        %get3A_1075 = arith.constant 112 : index
        %get3A_1076 = tpu.vector_load %arg10[%get3A_1074, %get3A_1075] {strides = array<i32>} : memref<128x128xf32, #tpu.memory_space<vmem>>, vector<16xf32>,
        %mul3A_1077 = vector.broadcast %squeeze3A_957 : f32 to vector<16xf32>
        %mul3A_1078 = arith.mulf %get3A_1076, %mul3A_1077 : vector<16xf32>
        %mul3A_1079 = arith.constant 16 : i32
        %mul3A_1080 = arith.muli %scan3A_171, %mul3A_1079 : i32
        %add3A_1081 = arith.constant 6 : i32
        %add3A_1082 = arith.addi %mul3A_1080, %add3A_1081 : i32
        %swap3A_1083 = arith.index_cast %add3A_1082 : i32 to index
        %swap3A_1084 = arith.constant 112 : index
        %swap3A_1085 = tpu.vector_load %arg10[%swap3A_1083, %swap3A_1084] {strides = array<i32>} : memref<128x128xf32, #tpu.memory_space<vmem>>, vector<16xf32>,
        tpu.vector_store %arg10[%swap3A_1083, %swap3A_1084], %mul3A_1078 {strides = array<i32>} : memref<128x128xf32, #tpu.memory_space<vmem>>, vector<16xf32>,
        %slice3A_1086 = vector.extract_strided_slice %get3A_178 {offsets = [7], sizes = [1], strides = [1]} : vector<16xf32> to vector<1xf32>
        %squeeze3A_1087 = vector.extract %slice3A_1086[0] : f32 from vector<1xf32>
        %mul3A_1088 = arith.constant 16 : i32
        %mul3A_1089 = arith.muli %scan3A_171, %mul3A_1088 : i32
        %add3A_1090 = arith.constant 7 : i32
        %add3A_1091 = arith.addi %mul3A_1089, %add3A_1090 : i32
        %get3A_1092 = arith.index_cast %add3A_1091 : i32 to index
        %get3A_1093 = arith.constant 0 : index
        %get3A_1094 = tpu.vector_load %arg10[%get3A_1092, %get3A_1093] {strides = array<i32>} : memref<128x128xf32, #tpu.memory_space<vmem>>, vector<16xf32>,
        %mul3A_1095 = vector.broadcast %squeeze3A_1087 : f32 to vector<16xf32>
        %mul3A_1096 = arith.mulf %get3A_1094, %mul3A_1095 : vector<16xf32>
        %mul3A_1097 = arith.constant 16 : i32
        %mul3A_1098 = arith.muli %scan3A_171, %mul3A_1097 : i32
        %add3A_1099 = arith.constant 7 : i32
        %add3A_1100 = arith.addi %mul3A_1098, %add3A_1099 : i32
        %swap3A_1101 = arith.index_cast %add3A_1100 : i32 to index
        %swap3A_1102 = arith.constant 0 : index
        %swap3A_1103 = tpu.vector_load %arg10[%swap3A_1101, %swap3A_1102] {strides = array<i32>} : memref<128x128xf32, #tpu.memory_space<vmem>>, vector<16xf32>,
        tpu.vector_store %arg10[%swap3A_1101, %swap3A_1102], %mul3A_1096 {strides = array<i32>} : memref<128x128xf32, #tpu.memory_space<vmem>>, vector<16xf32>,
        %mul3A_1104 = arith.constant 16 : i32
        %mul3A_1105 = arith.muli %scan3A_171, %mul3A_1104 : i32
        %add3A_1106 = arith.constant 7 : i32
        %add3A_1107 = arith.addi %mul3A_1105, %add3A_1106 : i32
        %get3A_1108 = arith.index_cast %add3A_1107 : i32 to index
        %get3A_1109 = arith.constant 16 : index
        %get3A_1110 = tpu.vector_load %arg10[%get3A_1108, %get3A_1109] {strides = array<i32>} : memref<128x128xf32, #tpu.memory_space<vmem>>, vector<16xf32>,
        %mul3A_1111 = vector.broadcast %squeeze3A_1087 : f32 to vector<16xf32>
        %mul3A_1112 = arith.mulf %get3A_1110, %mul3A_1111 : vector<16xf32>
        %mul3A_1113 = arith.constant 16 : i32
        %mul3A_1114 = arith.muli %scan3A_171, %mul3A_1113 : i32
        %add3A_1115 = arith.constant 7 : i32
        %add3A_1116 = arith.addi %mul3A_1114, %add3A_1115 : i32
        %swap3A_1117 = arith.index_cast %add3A_1116 : i32 to index
        %swap3A_1118 = arith.constant 16 : index
        %swap3A_1119 = tpu.vector_load %arg10[%swap3A_1117, %swap3A_1118] {strides = array<i32>} : memref<128x128xf32, #tpu.memory_space<vmem>>, vector<16xf32>,
        tpu.vector_store %arg10[%swap3A_1117, %swap3A_1118], %mul3A_1112 {strides = array<i32>} : memref<128x128xf32, #tpu.memory_space<vmem>>, vector<16xf32>,
        %mul3A_1120 = arith.constant 16 : i32
        %mul3A_1121 = arith.muli %scan3A_171, %mul3A_1120 : i32
        %add3A_1122 = arith.constant 7 : i32
        %add3A_1123 = arith.addi %mul3A_1121, %add3A_1122 : i32
        %get3A_1124 = arith.index_cast %add3A_1123 : i32 to index
        %get3A_1125 = arith.constant 32 : index
        %get3A_1126 = tpu.vector_load %arg10[%get3A_1124, %get3A_1125] {strides = array<i32>} : memref<128x128xf32, #tpu.memory_space<vmem>>, vector<16xf32>,
        %mul3A_1127 = vector.broadcast %squeeze3A_1087 : f32 to vector<16xf32>
        %mul3A_1128 = arith.mulf %get3A_1126, %mul3A_1127 : vector<16xf32>
        %mul3A_1129 = arith.constant 16 : i32
        %mul3A_1130 = arith.muli %scan3A_171, %mul3A_1129 : i32
        %add3A_1131 = arith.constant 7 : i32
        %add3A_1132 = arith.addi %mul3A_1130, %add3A_1131 : i32
        %swap3A_1133 = arith.index_cast %add3A_1132 : i32 to index
        %swap3A_1134 = arith.constant 32 : index
        %swap3A_1135 = tpu.vector_load %arg10[%swap3A_1133, %swap3A_1134] {strides = array<i32>} : memref<128x128xf32, #tpu.memory_space<vmem>>, vector<16xf32>,
        tpu.vector_store %arg10[%swap3A_1133, %swap3A_1134], %mul3A_1128 {strides = array<i32>} : memref<128x128xf32, #tpu.memory_space<vmem>>, vector<16xf32>,
        %mul3A_1136 = arith.constant 16 : i32
        %mul3A_1137 = arith.muli %scan3A_171, %mul3A_1136 : i32
        %add3A_1138 = arith.constant 7 : i32
        %add3A_1139 = arith.addi %mul3A_1137, %add3A_1138 : i32
        %get3A_1140 = arith.index_cast %add3A_1139 : i32 to index
        %get3A_1141 = arith.constant 48 : index
        %get3A_1142 = tpu.vector_load %arg10[%get3A_1140, %get3A_1141] {strides = array<i32>} : memref<128x128xf32, #tpu.memory_space<vmem>>, vector<16xf32>,
        %mul3A_1143 = vector.broadcast %squeeze3A_1087 : f32 to vector<16xf32>
        %mul3A_1144 = arith.mulf %get3A_1142, %mul3A_1143 : vector<16xf32>
        %mul3A_1145 = arith.constant 16 : i32
        %mul3A_1146 = arith.muli %scan3A_171, %mul3A_1145 : i32
        %add3A_1147 = arith.constant 7 : i32
        %add3A_1148 = arith.addi %mul3A_1146, %add3A_1147 : i32
        %swap3A_1149 = arith.index_cast %add3A_1148 : i32 to index
        %swap3A_1150 = arith.constant 48 : index
        %swap3A_1151 = tpu.vector_load %arg10[%swap3A_1149, %swap3A_1150] {strides = array<i32>} : memref<128x128xf32, #tpu.memory_space<vmem>>, vector<16xf32>,
        tpu.vector_store %arg10[%swap3A_1149, %swap3A_1150], %mul3A_1144 {strides = array<i32>} : memref<128x128xf32, #tpu.memory_space<vmem>>, vector<16xf32>,
        %mul3A_1152 = arith.constant 16 : i32
        %mul3A_1153 = arith.muli %scan3A_171, %mul3A_1152 : i32
        %add3A_1154 = arith.constant 7 : i32
        %add3A_1155 = arith.addi %mul3A_1153, %add3A_1154 : i32
        %get3A_1156 = arith.index_cast %add3A_1155 : i32 to index
        %get3A_1157 = arith.constant 64 : index
        %get3A_1158 = tpu.vector_load %arg10[%get3A_1156, %get3A_1157] {strides = array<i32>} : memref<128x128xf32, #tpu.memory_space<vmem>>, vector<16xf32>,
        %mul3A_1159 = vector.broadcast %squeeze3A_1087 : f32 to vector<16xf32>
        %mul3A_1160 = arith.mulf %get3A_1158, %mul3A_1159 : vector<16xf32>
        %mul3A_1161 = arith.constant 16 : i32
        %mul3A_1162 = arith.muli %scan3A_171, %mul3A_1161 : i32
        %add3A_1163 = arith.constant 7 : i32
        %add3A_1164 = arith.addi %mul3A_1162, %add3A_1163 : i32
        %swap3A_1165 = arith.index_cast %add3A_1164 : i32 to index
        %swap3A_1166 = arith.constant 64 : index
        %swap3A_1167 = tpu.vector_load %arg10[%swap3A_1165, %swap3A_1166] {strides = array<i32>} : memref<128x128xf32, #tpu.memory_space<vmem>>, vector<16xf32>,
        tpu.vector_store %arg10[%swap3A_1165, %swap3A_1166], %mul3A_1160 {strides = array<i32>} : memref<128x128xf32, #tpu.memory_space<vmem>>, vector<16xf32>,
        %mul3A_1168 = arith.constant 16 : i32
        %mul3A_1169 = arith.muli %scan3A_171, %mul3A_1168 : i32
        %add3A_1170 = arith.constant 7 : i32
        %add3A_1171 = arith.addi %mul3A_1169, %add3A_1170 : i32
        %get3A_1172 = arith.index_cast %add3A_1171 : i32 to index
        %get3A_1173 = arith.constant 80 : index
        %get3A_1174 = tpu.vector_load %arg10[%get3A_1172, %get3A_1173] {strides = array<i32>} : memref<128x128xf32, #tpu.memory_space<vmem>>, vector<16xf32>,
        %mul3A_1175 = vector.broadcast %squeeze3A_1087 : f32 to vector<16xf32>
        %mul3A_1176 = arith.mulf %get3A_1174, %mul3A_1175 : vector<16xf32>
        %mul3A_1177 = arith.constant 16 : i32
        %mul3A_1178 = arith.muli %scan3A_171, %mul3A_1177 : i32
        %add3A_1179 = arith.constant 7 : i32
        %add3A_1180 = arith.addi %mul3A_1178, %add3A_1179 : i32
        %swap3A_1181 = arith.index_cast %add3A_1180 : i32 to index
        %swap3A_1182 = arith.constant 80 : index
        %swap3A_1183 = tpu.vector_load %arg10[%swap3A_1181, %swap3A_1182] {strides = array<i32>} : memref<128x128xf32, #tpu.memory_space<vmem>>, vector<16xf32>,
        tpu.vector_store %arg10[%swap3A_1181, %swap3A_1182], %mul3A_1176 {strides = array<i32>} : memref<128x128xf32, #tpu.memory_space<vmem>>, vector<16xf32>,
        %mul3A_1184 = arith.constant 16 : i32
        %mul3A_1185 = arith.muli %scan3A_171, %mul3A_1184 : i32
        %add3A_1186 = arith.constant 7 : i32
        %add3A_1187 = arith.addi %mul3A_1185, %add3A_1186 : i32
        %get3A_1188 = arith.index_cast %add3A_1187 : i32 to index
        %get3A_1189 = arith.constant 96 : index
        %get3A_1190 = tpu.vector_load %arg10[%get3A_1188, %get3A_1189] {strides = array<i32>} : memref<128x128xf32, #tpu.memory_space<vmem>>, vector<16xf32>,
        %mul3A_1191 = vector.broadcast %squeeze3A_1087 : f32 to vector<16xf32>
        %mul3A_1192 = arith.mulf %get3A_1190, %mul3A_1191 : vector<16xf32>
        %mul3A_1193 = arith.constant 16 : i32
        %mul3A_1194 = arith.muli %scan3A_171, %mul3A_1193 : i32
        %add3A_1195 = arith.constant 7 : i32
        %add3A_1196 = arith.addi %mul3A_1194, %add3A_1195 : i32
        %swap3A_1197 = arith.index_cast %add3A_1196 : i32 to index
        %swap3A_1198 = arith.constant 96 : index
        %swap3A_1199 = tpu.vector_load %arg10[%swap3A_1197, %swap3A_1198] {strides = array<i32>} : memref<128x128xf32, #tpu.memory_space<vmem>>, vector<16xf32>,
        tpu.vector_store %arg10[%swap3A_1197, %swap3A_1198], %mul3A_1192 {strides = array<i32>} : memref<128x128xf32, #tpu.memory_space<vmem>>, vector<16xf32>,
        %mul3A_1200 = arith.constant 16 : i32
        %mul3A_1201 = arith.muli %scan3A_171, %mul3A_1200 : i32
        %add3A_1202 = arith.constant 7 : i32
        %add3A_1203 = arith.addi %mul3A_1201, %add3A_1202 : i32
        %get3A_1204 = arith.index_cast %add3A_1203 : i32 to index
        %get3A_1205 = arith.constant 112 : index
        %get3A_1206 = tpu.vector_load %arg10[%get3A_1204, %get3A_1205] {strides = array<i32>} : memref<128x128xf32, #tpu.memory_space<vmem>>, vector<16xf32>,
        %mul3A_1207 = vector.broadcast %squeeze3A_1087 : f32 to vector<16xf32>
        %mul3A_1208 = arith.mulf %get3A_1206, %mul3A_1207 : vector<16xf32>
        %mul3A_1209 = arith.constant 16 : i32
        %mul3A_1210 = arith.muli %scan3A_171, %mul3A_1209 : i32
        %add3A_1211 = arith.constant 7 : i32
        %add3A_1212 = arith.addi %mul3A_1210, %add3A_1211 : i32
        %swap3A_1213 = arith.index_cast %add3A_1212 : i32 to index
        %swap3A_1214 = arith.constant 112 : index
        %swap3A_1215 = tpu.vector_load %arg10[%swap3A_1213, %swap3A_1214] {strides = array<i32>} : memref<128x128xf32, #tpu.memory_space<vmem>>, vector<16xf32>,
        tpu.vector_store %arg10[%swap3A_1213, %swap3A_1214], %mul3A_1208 {strides = array<i32>} : memref<128x128xf32, #tpu.memory_space<vmem>>, vector<16xf32>,
        %slice3A_1216 = vector.extract_strided_slice %get3A_178 {offsets = [8], sizes = [1], strides = [1]} : vector<16xf32> to vector<1xf32>
        %squeeze3A_1217 = vector.extract %slice3A_1216[0] : f32 from vector<1xf32>
        %mul3A_1218 = arith.constant 16 : i32
        %mul3A_1219 = arith.muli %scan3A_171, %mul3A_1218 : i32
        %add3A_1220 = arith.constant 8 : i32
        %add3A_1221 = arith.addi %mul3A_1219, %add3A_1220 : i32
        %get3A_1222 = arith.index_cast %add3A_1221 : i32 to index
        %get3A_1223 = arith.constant 0 : index
        %get3A_1224 = tpu.vector_load %arg10[%get3A_1222, %get3A_1223] {strides = array<i32>} : memref<128x128xf32, #tpu.memory_space<vmem>>, vector<16xf32>,
        %mul3A_1225 = vector.broadcast %squeeze3A_1217 : f32 to vector<16xf32>
        %mul3A_1226 = arith.mulf %get3A_1224, %mul3A_1225 : vector<16xf32>
        %mul3A_1227 = arith.constant 16 : i32
        %mul3A_1228 = arith.muli %scan3A_171, %mul3A_1227 : i32
        %add3A_1229 = arith.constant 8 : i32
        %add3A_1230 = arith.addi %mul3A_1228, %add3A_1229 : i32
        %swap3A_1231 = arith.index_cast %add3A_1230 : i32 to index
        %swap3A_1232 = arith.constant 0 : index
        %swap3A_1233 = tpu.vector_load %arg10[%swap3A_1231, %swap3A_1232] {strides = array<i32>} : memref<128x128xf32, #tpu.memory_space<vmem>>, vector<16xf32>,
        tpu.vector_store %arg10[%swap3A_1231, %swap3A_1232], %mul3A_1226 {strides = array<i32>} : memref<128x128xf32, #tpu.memory_space<vmem>>, vector<16xf32>,
        %mul3A_1234 = arith.constant 16 : i32
        %mul3A_1235 = arith.muli %scan3A_171, %mul3A_1234 : i32
        %add3A_1236 = arith.constant 8 : i32
        %add3A_1237 = arith.addi %mul3A_1235, %add3A_1236 : i32
        %get3A_1238 = arith.index_cast %add3A_1237 : i32 to index
        %get3A_1239 = arith.constant 16 : index
        %get3A_1240 = tpu.vector_load %arg10[%get3A_1238, %get3A_1239] {strides = array<i32>} : memref<128x128xf32, #tpu.memory_space<vmem>>, vector<16xf32>,
        %mul3A_1241 = vector.broadcast %squeeze3A_1217 : f32 to vector<16xf32>
        %mul3A_1242 = arith.mulf %get3A_1240, %mul3A_1241 : vector<16xf32>
        %mul3A_1243 = arith.constant 16 : i32
        %mul3A_1244 = arith.muli %scan3A_171, %mul3A_1243 : i32
        %add3A_1245 = arith.constant 8 : i32
        %add3A_1246 = arith.addi %mul3A_1244, %add3A_1245 : i32
        %swap3A_1247 = arith.index_cast %add3A_1246 : i32 to index
        %swap3A_1248 = arith.constant 16 : index
        %swap3A_1249 = tpu.vector_load %arg10[%swap3A_1247, %swap3A_1248] {strides = array<i32>} : memref<128x128xf32, #tpu.memory_space<vmem>>, vector<16xf32>,
        tpu.vector_store %arg10[%swap3A_1247, %swap3A_1248], %mul3A_1242 {strides = array<i32>} : memref<128x128xf32, #tpu.memory_space<vmem>>, vector<16xf32>,
        %mul3A_1250 = arith.constant 16 : i32
        %mul3A_1251 = arith.muli %scan3A_171, %mul3A_1250 : i32
        %add3A_1252 = arith.constant 8 : i32
        %add3A_1253 = arith.addi %mul3A_1251, %add3A_1252 : i32
        %get3A_1254 = arith.index_cast %add3A_1253 : i32 to index
        %get3A_1255 = arith.constant 32 : index
        %get3A_1256 = tpu.vector_load %arg10[%get3A_1254, %get3A_1255] {strides = array<i32>} : memref<128x128xf32, #tpu.memory_space<vmem>>, vector<16xf32>,
        %mul3A_1257 = vector.broadcast %squeeze3A_1217 : f32 to vector<16xf32>
        %mul3A_1258 = arith.mulf %get3A_1256, %mul3A_1257 : vector<16xf32>
        %mul3A_1259 = arith.constant 16 : i32
        %mul3A_1260 = arith.muli %scan3A_171, %mul3A_1259 : i32
        %add3A_1261 = arith.constant 8 : i32
        %add3A_1262 = arith.addi %mul3A_1260, %add3A_1261 : i32
        %swap3A_1263 = arith.index_cast %add3A_1262 : i32 to index
        %swap3A_1264 = arith.constant 32 : index
        %swap3A_1265 = tpu.vector_load %arg10[%swap3A_1263, %swap3A_1264] {strides = array<i32>} : memref<128x128xf32, #tpu.memory_space<vmem>>, vector<16xf32>,
        tpu.vector_store %arg10[%swap3A_1263, %swap3A_1264], %mul3A_1258 {strides = array<i32>} : memref<128x128xf32, #tpu.memory_space<vmem>>, vector<16xf32>,
        %mul3A_1266 = arith.constant 16 : i32
        %mul3A_1267 = arith.muli %scan3A_171, %mul3A_1266 : i32
        %add3A_1268 = arith.constant 8 : i32
        %add3A_1269 = arith.addi %mul3A_1267, %add3A_1268 : i32
        %get3A_1270 = arith.index_cast %add3A_1269 : i32 to index
        %get3A_1271 = arith.constant 48 : index
        %get3A_1272 = tpu.vector_load %arg10[%get3A_1270, %get3A_1271] {strides = array<i32>} : memref<128x128xf32, #tpu.memory_space<vmem>>, vector<16xf32>,
        %mul3A_1273 = vector.broadcast %squeeze3A_1217 : f32 to vector<16xf32>
        %mul3A_1274 = arith.mulf %get3A_1272, %mul3A_1273 : vector<16xf32>
        %mul3A_1275 = arith.constant 16 : i32
        %mul3A_1276 = arith.muli %scan3A_171, %mul3A_1275 : i32
        %add3A_1277 = arith.constant 8 : i32
        %add3A_1278 = arith.addi %mul3A_1276, %add3A_1277 : i32
        %swap3A_1279 = arith.index_cast %add3A_1278 : i32 to index
        %swap3A_1280 = arith.constant 48 : index
        %swap3A_1281 = tpu.vector_load %arg10[%swap3A_1279, %swap3A_1280] {strides = array<i32>} : memref<128x128xf32, #tpu.memory_space<vmem>>, vector<16xf32>,
        tpu.vector_store %arg10[%swap3A_1279, %swap3A_1280], %mul3A_1274 {strides = array<i32>} : memref<128x128xf32, #tpu.memory_space<vmem>>, vector<16xf32>,
        %mul3A_1282 = arith.constant 16 : i32
        %mul3A_1283 = arith.muli %scan3A_171, %mul3A_1282 : i32
        %add3A_1284 = arith.constant 8 : i32
        %add3A_1285 = arith.addi %mul3A_1283, %add3A_1284 : i32
        %get3A_1286 = arith.index_cast %add3A_1285 : i32 to index
        %get3A_1287 = arith.constant 64 : index
        %get3A_1288 = tpu.vector_load %arg10[%get3A_1286, %get3A_1287] {strides = array<i32>} : memref<128x128xf32, #tpu.memory_space<vmem>>, vector<16xf32>,
        %mul3A_1289 = vector.broadcast %squeeze3A_1217 : f32 to vector<16xf32>
        %mul3A_1290 = arith.mulf %get3A_1288, %mul3A_1289 : vector<16xf32>
        %mul3A_1291 = arith.constant 16 : i32
        %mul3A_1292 = arith.muli %scan3A_171, %mul3A_1291 : i32
        %add3A_1293 = arith.constant 8 : i32
        %add3A_1294 = arith.addi %mul3A_1292, %add3A_1293 : i32
        %swap3A_1295 = arith.index_cast %add3A_1294 : i32 to index
        %swap3A_1296 = arith.constant 64 : index
        %swap3A_1297 = tpu.vector_load %arg10[%swap3A_1295, %swap3A_1296] {strides = array<i32>} : memref<128x128xf32, #tpu.memory_space<vmem>>, vector<16xf32>,
        tpu.vector_store %arg10[%swap3A_1295, %swap3A_1296], %mul3A_1290 {strides = array<i32>} : memref<128x128xf32, #tpu.memory_space<vmem>>, vector<16xf32>,
        %mul3A_1298 = arith.constant 16 : i32
        %mul3A_1299 = arith.muli %scan3A_171, %mul3A_1298 : i32
        %add3A_1300 = arith.constant 8 : i32
        %add3A_1301 = arith.addi %mul3A_1299, %add3A_1300 : i32
        %get3A_1302 = arith.index_cast %add3A_1301 : i32 to index
        %get3A_1303 = arith.constant 80 : index
        %get3A_1304 = tpu.vector_load %arg10[%get3A_1302, %get3A_1303] {strides = array<i32>} : memref<128x128xf32, #tpu.memory_space<vmem>>, vector<16xf32>,
        %mul3A_1305 = vector.broadcast %squeeze3A_1217 : f32 to vector<16xf32>
        %mul3A_1306 = arith.mulf %get3A_1304, %mul3A_1305 : vector<16xf32>
        %mul3A_1307 = arith.constant 16 : i32
        %mul3A_1308 = arith.muli %scan3A_171, %mul3A_1307 : i32
        %add3A_1309 = arith.constant 8 : i32
        %add3A_1310 = arith.addi %mul3A_1308, %add3A_1309 : i32
        %swap3A_1311 = arith.index_cast %add3A_1310 : i32 to index
        %swap3A_1312 = arith.constant 80 : index
        %swap3A_1313 = tpu.vector_load %arg10[%swap3A_1311, %swap3A_1312] {strides = array<i32>} : memref<128x128xf32, #tpu.memory_space<vmem>>, vector<16xf32>,
        tpu.vector_store %arg10[%swap3A_1311, %swap3A_1312], %mul3A_1306 {strides = array<i32>} : memref<128x128xf32, #tpu.memory_space<vmem>>, vector<16xf32>,
        %mul3A_1314 = arith.constant 16 : i32
        %mul3A_1315 = arith.muli %scan3A_171, %mul3A_1314 : i32
        %add3A_1316 = arith.constant 8 : i32
        %add3A_1317 = arith.addi %mul3A_1315, %add3A_1316 : i32
        %get3A_1318 = arith.index_cast %add3A_1317 : i32 to index
        %get3A_1319 = arith.constant 96 : index
        %get3A_1320 = tpu.vector_load %arg10[%get3A_1318, %get3A_1319] {strides = array<i32>} : memref<128x128xf32, #tpu.memory_space<vmem>>, vector<16xf32>,
        %mul3A_1321 = vector.broadcast %squeeze3A_1217 : f32 to vector<16xf32>
        %mul3A_1322 = arith.mulf %get3A_1320, %mul3A_1321 : vector<16xf32>
        %mul3A_1323 = arith.constant 16 : i32
        %mul3A_1324 = arith.muli %scan3A_171, %mul3A_1323 : i32
        %add3A_1325 = arith.constant 8 : i32
        %add3A_1326 = arith.addi %mul3A_1324, %add3A_1325 : i32
        %swap3A_1327 = arith.index_cast %add3A_1326 : i32 to index
        %swap3A_1328 = arith.constant 96 : index
        %swap3A_1329 = tpu.vector_load %arg10[%swap3A_1327, %swap3A_1328] {strides = array<i32>} : memref<128x128xf32, #tpu.memory_space<vmem>>, vector<16xf32>,
        tpu.vector_store %arg10[%swap3A_1327, %swap3A_1328], %mul3A_1322 {strides = array<i32>} : memref<128x128xf32, #tpu.memory_space<vmem>>, vector<16xf32>,
        %mul3A_1330 = arith.constant 16 : i32
        %mul3A_1331 = arith.muli %scan3A_171, %mul3A_1330 : i32
        %add3A_1332 = arith.constant 8 : i32
        %add3A_1333 = arith.addi %mul3A_1331, %add3A_1332 : i32
        %get3A_1334 = arith.index_cast %add3A_1333 : i32 to index
        %get3A_1335 = arith.constant 112 : index
        %get3A_1336 = tpu.vector_load %arg10[%get3A_1334, %get3A_1335] {strides = array<i32>} : memref<128x128xf32, #tpu.memory_space<vmem>>, vector<16xf32>,
        %mul3A_1337 = vector.broadcast %squeeze3A_1217 : f32 to vector<16xf32>
        %mul3A_1338 = arith.mulf %get3A_1336, %mul3A_1337 : vector<16xf32>
        %mul3A_1339 = arith.constant 16 : i32
        %mul3A_1340 = arith.muli %scan3A_171, %mul3A_1339 : i32
        %add3A_1341 = arith.constant 8 : i32
        %add3A_1342 = arith.addi %mul3A_1340, %add3A_1341 : i32
        %swap3A_1343 = arith.index_cast %add3A_1342 : i32 to index
        %swap3A_1344 = arith.constant 112 : index
        %swap3A_1345 = tpu.vector_load %arg10[%swap3A_1343, %swap3A_1344] {strides = array<i32>} : memref<128x128xf32, #tpu.memory_space<vmem>>, vector<16xf32>,
        tpu.vector_store %arg10[%swap3A_1343, %swap3A_1344], %mul3A_1338 {strides = array<i32>} : memref<128x128xf32, #tpu.memory_space<vmem>>, vector<16xf32>,
        %slice3A_1346 = vector.extract_strided_slice %get3A_178 {offsets = [9], sizes = [1], strides = [1]} : vector<16xf32> to vector<1xf32>
        %squeeze3A_1347 = vector.extract %slice3A_1346[0] : f32 from vector<1xf32>
        %mul3A_1348 = arith.constant 16 : i32
        %mul3A_1349 = arith.muli %scan3A_171, %mul3A_1348 : i32
        %add3A_1350 = arith.constant 9 : i32
        %add3A_1351 = arith.addi %mul3A_1349, %add3A_1350 : i32
        %get3A_1352 = arith.index_cast %add3A_1351 : i32 to index
        %get3A_1353 = arith.constant 0 : index
        %get3A_1354 = tpu.vector_load %arg10[%get3A_1352, %get3A_1353] {strides = array<i32>} : memref<128x128xf32, #tpu.memory_space<vmem>>, vector<16xf32>,
        %mul3A_1355 = vector.broadcast %squeeze3A_1347 : f32 to vector<16xf32>
        %mul3A_1356 = arith.mulf %get3A_1354, %mul3A_1355 : vector<16xf32>
        %mul3A_1357 = arith.constant 16 : i32
        %mul3A_1358 = arith.muli %scan3A_171, %mul3A_1357 : i32
        %add3A_1359 = arith.constant 9 : i32
        %add3A_1360 = arith.addi %mul3A_1358, %add3A_1359 : i32
        %swap3A_1361 = arith.index_cast %add3A_1360 : i32 to index
        %swap3A_1362 = arith.constant 0 : index
        %swap3A_1363 = tpu.vector_load %arg10[%swap3A_1361, %swap3A_1362] {strides = array<i32>} : memref<128x128xf32, #tpu.memory_space<vmem>>, vector<16xf32>,
        tpu.vector_store %arg10[%swap3A_1361, %swap3A_1362], %mul3A_1356 {strides = array<i32>} : memref<128x128xf32, #tpu.memory_space<vmem>>, vector<16xf32>,
        %mul3A_1364 = arith.constant 16 : i32
        %mul3A_1365 = arith.muli %scan3A_171, %mul3A_1364 : i32
        %add3A_1366 = arith.constant 9 : i32
        %add3A_1367 = arith.addi %mul3A_1365, %add3A_1366 : i32
        %get3A_1368 = arith.index_cast %add3A_1367 : i32 to index
        %get3A_1369 = arith.constant 16 : index
        %get3A_1370 = tpu.vector_load %arg10[%get3A_1368, %get3A_1369] {strides = array<i32>} : memref<128x128xf32, #tpu.memory_space<vmem>>, vector<16xf32>,
        %mul3A_1371 = vector.broadcast %squeeze3A_1347 : f32 to vector<16xf32>
        %mul3A_1372 = arith.mulf %get3A_1370, %mul3A_1371 : vector<16xf32>
        %mul3A_1373 = arith.constant 16 : i32
        %mul3A_1374 = arith.muli %scan3A_171, %mul3A_1373 : i32
        %add3A_1375 = arith.constant 9 : i32
        %add3A_1376 = arith.addi %mul3A_1374, %add3A_1375 : i32
        %swap3A_1377 = arith.index_cast %add3A_1376 : i32 to index
        %swap3A_1378 = arith.constant 16 : index
        %swap3A_1379 = tpu.vector_load %arg10[%swap3A_1377, %swap3A_1378] {strides = array<i32>} : memref<128x128xf32, #tpu.memory_space<vmem>>, vector<16xf32>,
        tpu.vector_store %arg10[%swap3A_1377, %swap3A_1378], %mul3A_1372 {strides = array<i32>} : memref<128x128xf32, #tpu.memory_space<vmem>>, vector<16xf32>,
        %mul3A_1380 = arith.constant 16 : i32
        %mul3A_1381 = arith.muli %scan3A_171, %mul3A_1380 : i32
        %add3A_1382 = arith.constant 9 : i32
        %add3A_1383 = arith.addi %mul3A_1381, %add3A_1382 : i32
        %get3A_1384 = arith.index_cast %add3A_1383 : i32 to index
        %get3A_1385 = arith.constant 32 : index
        %get3A_1386 = tpu.vector_load %arg10[%get3A_1384, %get3A_1385] {strides = array<i32>} : memref<128x128xf32, #tpu.memory_space<vmem>>, vector<16xf32>,
        %mul3A_1387 = vector.broadcast %squeeze3A_1347 : f32 to vector<16xf32>
        %mul3A_1388 = arith.mulf %get3A_1386, %mul3A_1387 : vector<16xf32>
        %mul3A_1389 = arith.constant 16 : i32
        %mul3A_1390 = arith.muli %scan3A_171, %mul3A_1389 : i32
        %add3A_1391 = arith.constant 9 : i32
        %add3A_1392 = arith.addi %mul3A_1390, %add3A_1391 : i32
        %swap3A_1393 = arith.index_cast %add3A_1392 : i32 to index
        %swap3A_1394 = arith.constant 32 : index
        %swap3A_1395 = tpu.vector_load %arg10[%swap3A_1393, %swap3A_1394] {strides = array<i32>} : memref<128x128xf32, #tpu.memory_space<vmem>>, vector<16xf32>,
        tpu.vector_store %arg10[%swap3A_1393, %swap3A_1394], %mul3A_1388 {strides = array<i32>} : memref<128x128xf32, #tpu.memory_space<vmem>>, vector<16xf32>,
        %mul3A_1396 = arith.constant 16 : i32
        %mul3A_1397 = arith.muli %scan3A_171, %mul3A_1396 : i32
        %add3A_1398 = arith.constant 9 : i32
        %add3A_1399 = arith.addi %mul3A_1397, %add3A_1398 : i32
        %get3A_1400 = arith.index_cast %add3A_1399 : i32 to index
        %get3A_1401 = arith.constant 48 : index
        %get3A_1402 = tpu.vector_load %arg10[%get3A_1400, %get3A_1401] {strides = array<i32>} : memref<128x128xf32, #tpu.memory_space<vmem>>, vector<16xf32>,
        %mul3A_1403 = vector.broadcast %squeeze3A_1347 : f32 to vector<16xf32>
        %mul3A_1404 = arith.mulf %get3A_1402, %mul3A_1403 : vector<16xf32>
        %mul3A_1405 = arith.constant 16 : i32
        %mul3A_1406 = arith.muli %scan3A_171, %mul3A_1405 : i32
        %add3A_1407 = arith.constant 9 : i32
        %add3A_1408 = arith.addi %mul3A_1406, %add3A_1407 : i32
        %swap3A_1409 = arith.index_cast %add3A_1408 : i32 to index
        %swap3A_1410 = arith.constant 48 : index
        %swap3A_1411 = tpu.vector_load %arg10[%swap3A_1409, %swap3A_1410] {strides = array<i32>} : memref<128x128xf32, #tpu.memory_space<vmem>>, vector<16xf32>,
        tpu.vector_store %arg10[%swap3A_1409, %swap3A_1410], %mul3A_1404 {strides = array<i32>} : memref<128x128xf32, #tpu.memory_space<vmem>>, vector<16xf32>,
        %mul3A_1412 = arith.constant 16 : i32
        %mul3A_1413 = arith.muli %scan3A_171, %mul3A_1412 : i32
        %add3A_1414 = arith.constant 9 : i32
        %add3A_1415 = arith.addi %mul3A_1413, %add3A_1414 : i32
        %get3A_1416 = arith.index_cast %add3A_1415 : i32 to index
        %get3A_1417 = arith.constant 64 : index
        %get3A_1418 = tpu.vector_load %arg10[%get3A_1416, %get3A_1417] {strides = array<i32>} : memref<128x128xf32, #tpu.memory_space<vmem>>, vector<16xf32>,
        %mul3A_1419 = vector.broadcast %squeeze3A_1347 : f32 to vector<16xf32>
        %mul3A_1420 = arith.mulf %get3A_1418, %mul3A_1419 : vector<16xf32>
        %mul3A_1421 = arith.constant 16 : i32
        %mul3A_1422 = arith.muli %scan3A_171, %mul3A_1421 : i32
        %add3A_1423 = arith.constant 9 : i32
        %add3A_1424 = arith.addi %mul3A_1422, %add3A_1423 : i32
        %swap3A_1425 = arith.index_cast %add3A_1424 : i32 to index
        %swap3A_1426 = arith.constant 64 : index
        %swap3A_1427 = tpu.vector_load %arg10[%swap3A_1425, %swap3A_1426] {strides = array<i32>} : memref<128x128xf32, #tpu.memory_space<vmem>>, vector<16xf32>,
        tpu.vector_store %arg10[%swap3A_1425, %swap3A_1426], %mul3A_1420 {strides = array<i32>} : memref<128x128xf32, #tpu.memory_space<vmem>>, vector<16xf32>,
        %mul3A_1428 = arith.constant 16 : i32
        %mul3A_1429 = arith.muli %scan3A_171, %mul3A_1428 : i32
        %add3A_1430 = arith.constant 9 : i32
        %add3A_1431 = arith.addi %mul3A_1429, %add3A_1430 : i32
        %get3A_1432 = arith.index_cast %add3A_1431 : i32 to index
        %get3A_1433 = arith.constant 80 : index
        %get3A_1434 = tpu.vector_load %arg10[%get3A_1432, %get3A_1433] {strides = array<i32>} : memref<128x128xf32, #tpu.memory_space<vmem>>, vector<16xf32>,
        %mul3A_1435 = vector.broadcast %squeeze3A_1347 : f32 to vector<16xf32>
        %mul3A_1436 = arith.mulf %get3A_1434, %mul3A_1435 : vector<16xf32>
        %mul3A_1437 = arith.constant 16 : i32
        %mul3A_1438 = arith.muli %scan3A_171, %mul3A_1437 : i32
        %add3A_1439 = arith.constant 9 : i32
        %add3A_1440 = arith.addi %mul3A_1438, %add3A_1439 : i32
        %swap3A_1441 = arith.index_cast %add3A_1440 : i32 to index
        %swap3A_1442 = arith.constant 80 : index
        %swap3A_1443 = tpu.vector_load %arg10[%swap3A_1441, %swap3A_1442] {strides = array<i32>} : memref<128x128xf32, #tpu.memory_space<vmem>>, vector<16xf32>,
        tpu.vector_store %arg10[%swap3A_1441, %swap3A_1442], %mul3A_1436 {strides = array<i32>} : memref<128x128xf32, #tpu.memory_space<vmem>>, vector<16xf32>,
        %mul3A_1444 = arith.constant 16 : i32
        %mul3A_1445 = arith.muli %scan3A_171, %mul3A_1444 : i32
        %add3A_1446 = arith.constant 9 : i32
        %add3A_1447 = arith.addi %mul3A_1445, %add3A_1446 : i32
        %get3A_1448 = arith.index_cast %add3A_1447 : i32 to index
        %get3A_1449 = arith.constant 96 : index
        %get3A_1450 = tpu.vector_load %arg10[%get3A_1448, %get3A_1449] {strides = array<i32>} : memref<128x128xf32, #tpu.memory_space<vmem>>, vector<16xf32>,
        %mul3A_1451 = vector.broadcast %squeeze3A_1347 : f32 to vector<16xf32>
        %mul3A_1452 = arith.mulf %get3A_1450, %mul3A_1451 : vector<16xf32>
        %mul3A_1453 = arith.constant 16 : i32
        %mul3A_1454 = arith.muli %scan3A_171, %mul3A_1453 : i32
        %add3A_1455 = arith.constant 9 : i32
        %add3A_1456 = arith.addi %mul3A_1454, %add3A_1455 : i32
        %swap3A_1457 = arith.index_cast %add3A_1456 : i32 to index
        %swap3A_1458 = arith.constant 96 : index
        %swap3A_1459 = tpu.vector_load %arg10[%swap3A_1457, %swap3A_1458] {strides = array<i32>} : memref<128x128xf32, #tpu.memory_space<vmem>>, vector<16xf32>,
        tpu.vector_store %arg10[%swap3A_1457, %swap3A_1458], %mul3A_1452 {strides = array<i32>} : memref<128x128xf32, #tpu.memory_space<vmem>>, vector<16xf32>,
        %mul3A_1460 = arith.constant 16 : i32
        %mul3A_1461 = arith.muli %scan3A_171, %mul3A_1460 : i32
        %add3A_1462 = arith.constant 9 : i32
        %add3A_1463 = arith.addi %mul3A_1461, %add3A_1462 : i32
        %get3A_1464 = arith.index_cast %add3A_1463 : i32 to index
        %get3A_1465 = arith.constant 112 : index
        %get3A_1466 = tpu.vector_load %arg10[%get3A_1464, %get3A_1465] {strides = array<i32>} : memref<128x128xf32, #tpu.memory_space<vmem>>, vector<16xf32>,
        %mul3A_1467 = vector.broadcast %squeeze3A_1347 : f32 to vector<16xf32>
        %mul3A_1468 = arith.mulf %get3A_1466, %mul3A_1467 : vector<16xf32>
        %mul3A_1469 = arith.constant 16 : i32
        %mul3A_1470 = arith.muli %scan3A_171, %mul3A_1469 : i32
        %add3A_1471 = arith.constant 9 : i32
        %add3A_1472 = arith.addi %mul3A_1470, %add3A_1471 : i32
        %swap3A_1473 = arith.index_cast %add3A_1472 : i32 to index
        %swap3A_1474 = arith.constant 112 : index
        %swap3A_1475 = tpu.vector_load %arg10[%swap3A_1473, %swap3A_1474] {strides = array<i32>} : memref<128x128xf32, #tpu.memory_space<vmem>>, vector<16xf32>,
        tpu.vector_store %arg10[%swap3A_1473, %swap3A_1474], %mul3A_1468 {strides = array<i32>} : memref<128x128xf32, #tpu.memory_space<vmem>>, vector<16xf32>,
        %slice3A_1476 = vector.extract_strided_slice %get3A_178 {offsets = [10], sizes = [1], strides = [1]} : vector<16xf32> to vector<1xf32>
        %squeeze3A_1477 = vector.extract %slice3A_1476[0] : f32 from vector<1xf32>
        %mul3A_1478 = arith.constant 16 : i32
        %mul3A_1479 = arith.muli %scan3A_171, %mul3A_1478 : i32
        %add3A_1480 = arith.constant 10 : i32
        %add3A_1481 = arith.addi %mul3A_1479, %add3A_1480 : i32
        %get3A_1482 = arith.index_cast %add3A_1481 : i32 to index
        %get3A_1483 = arith.constant 0 : index
        %get3A_1484 = tpu.vector_load %arg10[%get3A_1482, %get3A_1483] {strides = array<i32>} : memref<128x128xf32, #tpu.memory_space<vmem>>, vector<16xf32>,
        %mul3A_1485 = vector.broadcast %squeeze3A_1477 : f32 to vector<16xf32>
        %mul3A_1486 = arith.mulf %get3A_1484, %mul3A_1485 : vector<16xf32>
        %mul3A_1487 = arith.constant 16 : i32
        %mul3A_1488 = arith.muli %scan3A_171, %mul3A_1487 : i32
        %add3A_1489 = arith.constant 10 : i32
        %add3A_1490 = arith.addi %mul3A_1488, %add3A_1489 : i32
        %swap3A_1491 = arith.index_cast %add3A_1490 : i32 to index
        %swap3A_1492 = arith.constant 0 : index
        %swap3A_1493 = tpu.vector_load %arg10[%swap3A_1491, %swap3A_1492] {strides = array<i32>} : memref<128x128xf32, #tpu.memory_space<vmem>>, vector<16xf32>,
        tpu.vector_store %arg10[%swap3A_1491, %swap3A_1492], %mul3A_1486 {strides = array<i32>} : memref<128x128xf32, #tpu.memory_space<vmem>>, vector<16xf32>,
        %mul3A_1494 = arith.constant 16 : i32
        %mul3A_1495 = arith.muli %scan3A_171, %mul3A_1494 : i32
        %add3A_1496 = arith.constant 10 : i32
        %add3A_1497 = arith.addi %mul3A_1495, %add3A_1496 : i32
        %get3A_1498 = arith.index_cast %add3A_1497 : i32 to index
        %get3A_1499 = arith.constant 16 : index
        %get3A_1500 = tpu.vector_load %arg10[%get3A_1498, %get3A_1499] {strides = array<i32>} : memref<128x128xf32, #tpu.memory_space<vmem>>, vector<16xf32>,
        %mul3A_1501 = vector.broadcast %squeeze3A_1477 : f32 to vector<16xf32>
        %mul3A_1502 = arith.mulf %get3A_1500, %mul3A_1501 : vector<16xf32>
        %mul3A_1503 = arith.constant 16 : i32
        %mul3A_1504 = arith.muli %scan3A_171, %mul3A_1503 : i32
        %add3A_1505 = arith.constant 10 : i32
        %add3A_1506 = arith.addi %mul3A_1504, %add3A_1505 : i32
        %swap3A_1507 = arith.index_cast %add3A_1506 : i32 to index
        %swap3A_1508 = arith.constant 16 : index
        %swap3A_1509 = tpu.vector_load %arg10[%swap3A_1507, %swap3A_1508] {strides = array<i32>} : memref<128x128xf32, #tpu.memory_space<vmem>>, vector<16xf32>,
        tpu.vector_store %arg10[%swap3A_1507, %swap3A_1508], %mul3A_1502 {strides = array<i32>} : memref<128x128xf32, #tpu.memory_space<vmem>>, vector<16xf32>,
        %mul3A_1510 = arith.constant 16 : i32
        %mul3A_1511 = arith.muli %scan3A_171, %mul3A_1510 : i32
        %add3A_1512 = arith.constant 10 : i32
        %add3A_1513 = arith.addi %mul3A_1511, %add3A_1512 : i32
        %get3A_1514 = arith.index_cast %add3A_1513 : i32 to index
        %get3A_1515 = arith.constant 32 : index
        %get3A_1516 = tpu.vector_load %arg10[%get3A_1514, %get3A_1515] {strides = array<i32>} : memref<128x128xf32, #tpu.memory_space<vmem>>, vector<16xf32>,
        %mul3A_1517 = vector.broadcast %squeeze3A_1477 : f32 to vector<16xf32>
        %mul3A_1518 = arith.mulf %get3A_1516, %mul3A_1517 : vector<16xf32>
        %mul3A_1519 = arith.constant 16 : i32
        %mul3A_1520 = arith.muli %scan3A_171, %mul3A_1519 : i32
        %add3A_1521 = arith.constant 10 : i32
        %add3A_1522 = arith.addi %mul3A_1520, %add3A_1521 : i32
        %swap3A_1523 = arith.index_cast %add3A_1522 : i32 to index
        %swap3A_1524 = arith.constant 32 : index
        %swap3A_1525 = tpu.vector_load %arg10[%swap3A_1523, %swap3A_1524] {strides = array<i32>} : memref<128x128xf32, #tpu.memory_space<vmem>>, vector<16xf32>,
        tpu.vector_store %arg10[%swap3A_1523, %swap3A_1524], %mul3A_1518 {strides = array<i32>} : memref<128x128xf32, #tpu.memory_space<vmem>>, vector<16xf32>,
        %mul3A_1526 = arith.constant 16 : i32
        %mul3A_1527 = arith.muli %scan3A_171, %mul3A_1526 : i32
        %add3A_1528 = arith.constant 10 : i32
        %add3A_1529 = arith.addi %mul3A_1527, %add3A_1528 : i32
        %get3A_1530 = arith.index_cast %add3A_1529 : i32 to index
        %get3A_1531 = arith.constant 48 : index
        %get3A_1532 = tpu.vector_load %arg10[%get3A_1530, %get3A_1531] {strides = array<i32>} : memref<128x128xf32, #tpu.memory_space<vmem>>, vector<16xf32>,
        %mul3A_1533 = vector.broadcast %squeeze3A_1477 : f32 to vector<16xf32>
        %mul3A_1534 = arith.mulf %get3A_1532, %mul3A_1533 : vector<16xf32>
        %mul3A_1535 = arith.constant 16 : i32
        %mul3A_1536 = arith.muli %scan3A_171, %mul3A_1535 : i32
        %add3A_1537 = arith.constant 10 : i32
        %add3A_1538 = arith.addi %mul3A_1536, %add3A_1537 : i32
        %swap3A_1539 = arith.index_cast %add3A_1538 : i32 to index
        %swap3A_1540 = arith.constant 48 : index
        %swap3A_1541 = tpu.vector_load %arg10[%swap3A_1539, %swap3A_1540] {strides = array<i32>} : memref<128x128xf32, #tpu.memory_space<vmem>>, vector<16xf32>,
        tpu.vector_store %arg10[%swap3A_1539, %swap3A_1540], %mul3A_1534 {strides = array<i32>} : memref<128x128xf32, #tpu.memory_space<vmem>>, vector<16xf32>,
        %mul3A_1542 = arith.constant 16 : i32
        %mul3A_1543 = arith.muli %scan3A_171, %mul3A_1542 : i32
        %add3A_1544 = arith.constant 10 : i32
        %add3A_1545 = arith.addi %mul3A_1543, %add3A_1544 : i32
        %get3A_1546 = arith.index_cast %add3A_1545 : i32 to index
        %get3A_1547 = arith.constant 64 : index
        %get3A_1548 = tpu.vector_load %arg10[%get3A_1546, %get3A_1547] {strides = array<i32>} : memref<128x128xf32, #tpu.memory_space<vmem>>, vector<16xf32>,
        %mul3A_1549 = vector.broadcast %squeeze3A_1477 : f32 to vector<16xf32>
        %mul3A_1550 = arith.mulf %get3A_1548, %mul3A_1549 : vector<16xf32>
        %mul3A_1551 = arith.constant 16 : i32
        %mul3A_1552 = arith.muli %scan3A_171, %mul3A_1551 : i32
        %add3A_1553 = arith.constant 10 : i32
        %add3A_1554 = arith.addi %mul3A_1552, %add3A_1553 : i32
        %swap3A_1555 = arith.index_cast %add3A_1554 : i32 to index
        %swap3A_1556 = arith.constant 64 : index
        %swap3A_1557 = tpu.vector_load %arg10[%swap3A_1555, %swap3A_1556] {strides = array<i32>} : memref<128x128xf32, #tpu.memory_space<vmem>>, vector<16xf32>,
        tpu.vector_store %arg10[%swap3A_1555, %swap3A_1556], %mul3A_1550 {strides = array<i32>} : memref<128x128xf32, #tpu.memory_space<vmem>>, vector<16xf32>,
        %mul3A_1558 = arith.constant 16 : i32
        %mul3A_1559 = arith.muli %scan3A_171, %mul3A_1558 : i32
        %add3A_1560 = arith.constant 10 : i32
        %add3A_1561 = arith.addi %mul3A_1559, %add3A_1560 : i32
        %get3A_1562 = arith.index_cast %add3A_1561 : i32 to index
        %get3A_1563 = arith.constant 80 : index
        %get3A_1564 = tpu.vector_load %arg10[%get3A_1562, %get3A_1563] {strides = array<i32>} : memref<128x128xf32, #tpu.memory_space<vmem>>, vector<16xf32>,
        %mul3A_1565 = vector.broadcast %squeeze3A_1477 : f32 to vector<16xf32>
        %mul3A_1566 = arith.mulf %get3A_1564, %mul3A_1565 : vector<16xf32>
        %mul3A_1567 = arith.constant 16 : i32
        %mul3A_1568 = arith.muli %scan3A_171, %mul3A_1567 : i32
        %add3A_1569 = arith.constant 10 : i32
        %add3A_1570 = arith.addi %mul3A_1568, %add3A_1569 : i32
        %swap3A_1571 = arith.index_cast %add3A_1570 : i32 to index
        %swap3A_1572 = arith.constant 80 : index
        %swap3A_1573 = tpu.vector_load %arg10[%swap3A_1571, %swap3A_1572] {strides = array<i32>} : memref<128x128xf32, #tpu.memory_space<vmem>>, vector<16xf32>,
        tpu.vector_store %arg10[%swap3A_1571, %swap3A_1572], %mul3A_1566 {strides = array<i32>} : memref<128x128xf32, #tpu.memory_space<vmem>>, vector<16xf32>,
        %mul3A_1574 = arith.constant 16 : i32
        %mul3A_1575 = arith.muli %scan3A_171, %mul3A_1574 : i32
        %add3A_1576 = arith.constant 10 : i32
        %add3A_1577 = arith.addi %mul3A_1575, %add3A_1576 : i32
        %get3A_1578 = arith.index_cast %add3A_1577 : i32 to index
        %get3A_1579 = arith.constant 96 : index
        %get3A_1580 = tpu.vector_load %arg10[%get3A_1578, %get3A_1579] {strides = array<i32>} : memref<128x128xf32, #tpu.memory_space<vmem>>, vector<16xf32>,
        %mul3A_1581 = vector.broadcast %squeeze3A_1477 : f32 to vector<16xf32>
        %mul3A_1582 = arith.mulf %get3A_1580, %mul3A_1581 : vector<16xf32>
        %mul3A_1583 = arith.constant 16 : i32
        %mul3A_1584 = arith.muli %scan3A_171, %mul3A_1583 : i32
        %add3A_1585 = arith.constant 10 : i32
        %add3A_1586 = arith.addi %mul3A_1584, %add3A_1585 : i32
        %swap3A_1587 = arith.index_cast %add3A_1586 : i32 to index
        %swap3A_1588 = arith.constant 96 : index
        %swap3A_1589 = tpu.vector_load %arg10[%swap3A_1587, %swap3A_1588] {strides = array<i32>} : memref<128x128xf32, #tpu.memory_space<vmem>>, vector<16xf32>,
        tpu.vector_store %arg10[%swap3A_1587, %swap3A_1588], %mul3A_1582 {strides = array<i32>} : memref<128x128xf32, #tpu.memory_space<vmem>>, vector<16xf32>,
        %mul3A_1590 = arith.constant 16 : i32
        %mul3A_1591 = arith.muli %scan3A_171, %mul3A_1590 : i32
        %add3A_1592 = arith.constant 10 : i32
        %add3A_1593 = arith.addi %mul3A_1591, %add3A_1592 : i32
        %get3A_1594 = arith.index_cast %add3A_1593 : i32 to index
        %get3A_1595 = arith.constant 112 : index
        %get3A_1596 = tpu.vector_load %arg10[%get3A_1594, %get3A_1595] {strides = array<i32>} : memref<128x128xf32, #tpu.memory_space<vmem>>, vector<16xf32>,
        %mul3A_1597 = vector.broadcast %squeeze3A_1477 : f32 to vector<16xf32>
        %mul3A_1598 = arith.mulf %get3A_1596, %mul3A_1597 : vector<16xf32>
        %mul3A_1599 = arith.constant 16 : i32
        %mul3A_1600 = arith.muli %scan3A_171, %mul3A_1599 : i32
        %add3A_1601 = arith.constant 10 : i32
        %add3A_1602 = arith.addi %mul3A_1600, %add3A_1601 : i32
        %swap3A_1603 = arith.index_cast %add3A_1602 : i32 to index
        %swap3A_1604 = arith.constant 112 : index
        %swap3A_1605 = tpu.vector_load %arg10[%swap3A_1603, %swap3A_1604] {strides = array<i32>} : memref<128x128xf32, #tpu.memory_space<vmem>>, vector<16xf32>,
        tpu.vector_store %arg10[%swap3A_1603, %swap3A_1604], %mul3A_1598 {strides = array<i32>} : memref<128x128xf32, #tpu.memory_space<vmem>>, vector<16xf32>,
        %slice3A_1606 = vector.extract_strided_slice %get3A_178 {offsets = [11], sizes = [1], strides = [1]} : vector<16xf32> to vector<1xf32>
        %squeeze3A_1607 = vector.extract %slice3A_1606[0] : f32 from vector<1xf32>
        %mul3A_1608 = arith.constant 16 : i32
        %mul3A_1609 = arith.muli %scan3A_171, %mul3A_1608 : i32
        %add3A_1610 = arith.constant 11 : i32
        %add3A_1611 = arith.addi %mul3A_1609, %add3A_1610 : i32
        %get3A_1612 = arith.index_cast %add3A_1611 : i32 to index
        %get3A_1613 = arith.constant 0 : index
        %get3A_1614 = tpu.vector_load %arg10[%get3A_1612, %get3A_1613] {strides = array<i32>} : memref<128x128xf32, #tpu.memory_space<vmem>>, vector<16xf32>,
        %mul3A_1615 = vector.broadcast %squeeze3A_1607 : f32 to vector<16xf32>
        %mul3A_1616 = arith.mulf %get3A_1614, %mul3A_1615 : vector<16xf32>
        %mul3A_1617 = arith.constant 16 : i32
        %mul3A_1618 = arith.muli %scan3A_171, %mul3A_1617 : i32
        %add3A_1619 = arith.constant 11 : i32
        %add3A_1620 = arith.addi %mul3A_1618, %add3A_1619 : i32
        %swap3A_1621 = arith.index_cast %add3A_1620 : i32 to index
        %swap3A_1622 = arith.constant 0 : index
        %swap3A_1623 = tpu.vector_load %arg10[%swap3A_1621, %swap3A_1622] {strides = array<i32>} : memref<128x128xf32, #tpu.memory_space<vmem>>, vector<16xf32>,
        tpu.vector_store %arg10[%swap3A_1621, %swap3A_1622], %mul3A_1616 {strides = array<i32>} : memref<128x128xf32, #tpu.memory_space<vmem>>, vector<16xf32>,
        %mul3A_1624 = arith.constant 16 : i32
        %mul3A_1625 = arith.muli %scan3A_171, %mul3A_1624 : i32
        %add3A_1626 = arith.constant 11 : i32
        %add3A_1627 = arith.addi %mul3A_1625, %add3A_1626 : i32
        %get3A_1628 = arith.index_cast %add3A_1627 : i32 to index
        %get3A_1629 = arith.constant 16 : index
        %get3A_1630 = tpu.vector_load %arg10[%get3A_1628, %get3A_1629] {strides = array<i32>} : memref<128x128xf32, #tpu.memory_space<vmem>>, vector<16xf32>,
        %mul3A_1631 = vector.broadcast %squeeze3A_1607 : f32 to vector<16xf32>
        %mul3A_1632 = arith.mulf %get3A_1630, %mul3A_1631 : vector<16xf32>
        %mul3A_1633 = arith.constant 16 : i32
        %mul3A_1634 = arith.muli %scan3A_171, %mul3A_1633 : i32
        %add3A_1635 = arith.constant 11 : i32
        %add3A_1636 = arith.addi %mul3A_1634, %add3A_1635 : i32
        %swap3A_1637 = arith.index_cast %add3A_1636 : i32 to index
        %swap3A_1638 = arith.constant 16 : index
        %swap3A_1639 = tpu.vector_load %arg10[%swap3A_1637, %swap3A_1638] {strides = array<i32>} : memref<128x128xf32, #tpu.memory_space<vmem>>, vector<16xf32>,
        tpu.vector_store %arg10[%swap3A_1637, %swap3A_1638], %mul3A_1632 {strides = array<i32>} : memref<128x128xf32, #tpu.memory_space<vmem>>, vector<16xf32>,
        %mul3A_1640 = arith.constant 16 : i32
        %mul3A_1641 = arith.muli %scan3A_171, %mul3A_1640 : i32
        %add3A_1642 = arith.constant 11 : i32
        %add3A_1643 = arith.addi %mul3A_1641, %add3A_1642 : i32
        %get3A_1644 = arith.index_cast %add3A_1643 : i32 to index
        %get3A_1645 = arith.constant 32 : index
        %get3A_1646 = tpu.vector_load %arg10[%get3A_1644, %get3A_1645] {strides = array<i32>} : memref<128x128xf32, #tpu.memory_space<vmem>>, vector<16xf32>,
        %mul3A_1647 = vector.broadcast %squeeze3A_1607 : f32 to vector<16xf32>
        %mul3A_1648 = arith.mulf %get3A_1646, %mul3A_1647 : vector<16xf32>
        %mul3A_1649 = arith.constant 16 : i32
        %mul3A_1650 = arith.muli %scan3A_171, %mul3A_1649 : i32
        %add3A_1651 = arith.constant 11 : i32
        %add3A_1652 = arith.addi %mul3A_1650, %add3A_1651 : i32
        %swap3A_1653 = arith.index_cast %add3A_1652 : i32 to index
        %swap3A_1654 = arith.constant 32 : index
        %swap3A_1655 = tpu.vector_load %arg10[%swap3A_1653, %swap3A_1654] {strides = array<i32>} : memref<128x128xf32, #tpu.memory_space<vmem>>, vector<16xf32>,
        tpu.vector_store %arg10[%swap3A_1653, %swap3A_1654], %mul3A_1648 {strides = array<i32>} : memref<128x128xf32, #tpu.memory_space<vmem>>, vector<16xf32>,
        %mul3A_1656 = arith.constant 16 : i32
        %mul3A_1657 = arith.muli %scan3A_171, %mul3A_1656 : i32
        %add3A_1658 = arith.constant 11 : i32
        %add3A_1659 = arith.addi %mul3A_1657, %add3A_1658 : i32
        %get3A_1660 = arith.index_cast %add3A_1659 : i32 to index
        %get3A_1661 = arith.constant 48 : index
        %get3A_1662 = tpu.vector_load %arg10[%get3A_1660, %get3A_1661] {strides = array<i32>} : memref<128x128xf32, #tpu.memory_space<vmem>>, vector<16xf32>,
        %mul3A_1663 = vector.broadcast %squeeze3A_1607 : f32 to vector<16xf32>
        %mul3A_1664 = arith.mulf %get3A_1662, %mul3A_1663 : vector<16xf32>
        %mul3A_1665 = arith.constant 16 : i32
        %mul3A_1666 = arith.muli %scan3A_171, %mul3A_1665 : i32
        %add3A_1667 = arith.constant 11 : i32
        %add3A_1668 = arith.addi %mul3A_1666, %add3A_1667 : i32
        %swap3A_1669 = arith.index_cast %add3A_1668 : i32 to index
        %swap3A_1670 = arith.constant 48 : index
        %swap3A_1671 = tpu.vector_load %arg10[%swap3A_1669, %swap3A_1670] {strides = array<i32>} : memref<128x128xf32, #tpu.memory_space<vmem>>, vector<16xf32>,
        tpu.vector_store %arg10[%swap3A_1669, %swap3A_1670], %mul3A_1664 {strides = array<i32>} : memref<128x128xf32, #tpu.memory_space<vmem>>, vector<16xf32>,
        %mul3A_1672 = arith.constant 16 : i32
        %mul3A_1673 = arith.muli %scan3A_171, %mul3A_1672 : i32
        %add3A_1674 = arith.constant 11 : i32
        %add3A_1675 = arith.addi %mul3A_1673, %add3A_1674 : i32
        %get3A_1676 = arith.index_cast %add3A_1675 : i32 to index
        %get3A_1677 = arith.constant 64 : index
        %get3A_1678 = tpu.vector_load %arg10[%get3A_1676, %get3A_1677] {strides = array<i32>} : memref<128x128xf32, #tpu.memory_space<vmem>>, vector<16xf32>,
        %mul3A_1679 = vector.broadcast %squeeze3A_1607 : f32 to vector<16xf32>
        %mul3A_1680 = arith.mulf %get3A_1678, %mul3A_1679 : vector<16xf32>
        %mul3A_1681 = arith.constant 16 : i32
        %mul3A_1682 = arith.muli %scan3A_171, %mul3A_1681 : i32
        %add3A_1683 = arith.constant 11 : i32
        %add3A_1684 = arith.addi %mul3A_1682, %add3A_1683 : i32
        %swap3A_1685 = arith.index_cast %add3A_1684 : i32 to index
        %swap3A_1686 = arith.constant 64 : index
        %swap3A_1687 = tpu.vector_load %arg10[%swap3A_1685, %swap3A_1686] {strides = array<i32>} : memref<128x128xf32, #tpu.memory_space<vmem>>, vector<16xf32>,
        tpu.vector_store %arg10[%swap3A_1685, %swap3A_1686], %mul3A_1680 {strides = array<i32>} : memref<128x128xf32, #tpu.memory_space<vmem>>, vector<16xf32>,
        %mul3A_1688 = arith.constant 16 : i32
        %mul3A_1689 = arith.muli %scan3A_171, %mul3A_1688 : i32
        %add3A_1690 = arith.constant 11 : i32
        %add3A_1691 = arith.addi %mul3A_1689, %add3A_1690 : i32
        %get3A_1692 = arith.index_cast %add3A_1691 : i32 to index
        %get3A_1693 = arith.constant 80 : index
        %get3A_1694 = tpu.vector_load %arg10[%get3A_1692, %get3A_1693] {strides = array<i32>} : memref<128x128xf32, #tpu.memory_space<vmem>>, vector<16xf32>,
        %mul3A_1695 = vector.broadcast %squeeze3A_1607 : f32 to vector<16xf32>
        %mul3A_1696 = arith.mulf %get3A_1694, %mul3A_1695 : vector<16xf32>
        %mul3A_1697 = arith.constant 16 : i32
        %mul3A_1698 = arith.muli %scan3A_171, %mul3A_1697 : i32
        %add3A_1699 = arith.constant 11 : i32
        %add3A_1700 = arith.addi %mul3A_1698, %add3A_1699 : i32
        %swap3A_1701 = arith.index_cast %add3A_1700 : i32 to index
        %swap3A_1702 = arith.constant 80 : index
        %swap3A_1703 = tpu.vector_load %arg10[%swap3A_1701, %swap3A_1702] {strides = array<i32>} : memref<128x128xf32, #tpu.memory_space<vmem>>, vector<16xf32>,
        tpu.vector_store %arg10[%swap3A_1701, %swap3A_1702], %mul3A_1696 {strides = array<i32>} : memref<128x128xf32, #tpu.memory_space<vmem>>, vector<16xf32>,
        %mul3A_1704 = arith.constant 16 : i32
        %mul3A_1705 = arith.muli %scan3A_171, %mul3A_1704 : i32
        %add3A_1706 = arith.constant 11 : i32
        %add3A_1707 = arith.addi %mul3A_1705, %add3A_1706 : i32
        %get3A_1708 = arith.index_cast %add3A_1707 : i32 to index
        %get3A_1709 = arith.constant 96 : index
        %get3A_1710 = tpu.vector_load %arg10[%get3A_1708, %get3A_1709] {strides = array<i32>} : memref<128x128xf32, #tpu.memory_space<vmem>>, vector<16xf32>,
        %mul3A_1711 = vector.broadcast %squeeze3A_1607 : f32 to vector<16xf32>
        %mul3A_1712 = arith.mulf %get3A_1710, %mul3A_1711 : vector<16xf32>
        %mul3A_1713 = arith.constant 16 : i32
        %mul3A_1714 = arith.muli %scan3A_171, %mul3A_1713 : i32
        %add3A_1715 = arith.constant 11 : i32
        %add3A_1716 = arith.addi %mul3A_1714, %add3A_1715 : i32
        %swap3A_1717 = arith.index_cast %add3A_1716 : i32 to index
        %swap3A_1718 = arith.constant 96 : index
        %swap3A_1719 = tpu.vector_load %arg10[%swap3A_1717, %swap3A_1718] {strides = array<i32>} : memref<128x128xf32, #tpu.memory_space<vmem>>, vector<16xf32>,
        tpu.vector_store %arg10[%swap3A_1717, %swap3A_1718], %mul3A_1712 {strides = array<i32>} : memref<128x128xf32, #tpu.memory_space<vmem>>, vector<16xf32>,
        %mul3A_1720 = arith.constant 16 : i32
        %mul3A_1721 = arith.muli %scan3A_171, %mul3A_1720 : i32
        %add3A_1722 = arith.constant 11 : i32
        %add3A_1723 = arith.addi %mul3A_1721, %add3A_1722 : i32
        %get3A_1724 = arith.index_cast %add3A_1723 : i32 to index
        %get3A_1725 = arith.constant 112 : index
        %get3A_1726 = tpu.vector_load %arg10[%get3A_1724, %get3A_1725] {strides = array<i32>} : memref<128x128xf32, #tpu.memory_space<vmem>>, vector<16xf32>,
        %mul3A_1727 = vector.broadcast %squeeze3A_1607 : f32 to vector<16xf32>
        %mul3A_1728 = arith.mulf %get3A_1726, %mul3A_1727 : vector<16xf32>
        %mul3A_1729 = arith.constant 16 : i32
        %mul3A_1730 = arith.muli %scan3A_171, %mul3A_1729 : i32
        %add3A_1731 = arith.constant 11 : i32
        %add3A_1732 = arith.addi %mul3A_1730, %add3A_1731 : i32
        %swap3A_1733 = arith.index_cast %add3A_1732 : i32 to index
        %swap3A_1734 = arith.constant 112 : index
        %swap3A_1735 = tpu.vector_load %arg10[%swap3A_1733, %swap3A_1734] {strides = array<i32>} : memref<128x128xf32, #tpu.memory_space<vmem>>, vector<16xf32>,
        tpu.vector_store %arg10[%swap3A_1733, %swap3A_1734], %mul3A_1728 {strides = array<i32>} : memref<128x128xf32, #tpu.memory_space<vmem>>, vector<16xf32>,
        %slice3A_1736 = vector.extract_strided_slice %get3A_178 {offsets = [12], sizes = [1], strides = [1]} : vector<16xf32> to vector<1xf32>
        %squeeze3A_1737 = vector.extract %slice3A_1736[0] : f32 from vector<1xf32>
        %mul3A_1738 = arith.constant 16 : i32
        %mul3A_1739 = arith.muli %scan3A_171, %mul3A_1738 : i32
        %add3A_1740 = arith.constant 12 : i32
        %add3A_1741 = arith.addi %mul3A_1739, %add3A_1740 : i32
        %get3A_1742 = arith.index_cast %add3A_1741 : i32 to index
        %get3A_1743 = arith.constant 0 : index
        %get3A_1744 = tpu.vector_load %arg10[%get3A_1742, %get3A_1743] {strides = array<i32>} : memref<128x128xf32, #tpu.memory_space<vmem>>, vector<16xf32>,
        %mul3A_1745 = vector.broadcast %squeeze3A_1737 : f32 to vector<16xf32>
        %mul3A_1746 = arith.mulf %get3A_1744, %mul3A_1745 : vector<16xf32>
        %mul3A_1747 = arith.constant 16 : i32
        %mul3A_1748 = arith.muli %scan3A_171, %mul3A_1747 : i32
        %add3A_1749 = arith.constant 12 : i32
        %add3A_1750 = arith.addi %mul3A_1748, %add3A_1749 : i32
        %swap3A_1751 = arith.index_cast %add3A_1750 : i32 to index
        %swap3A_1752 = arith.constant 0 : index
        %swap3A_1753 = tpu.vector_load %arg10[%swap3A_1751, %swap3A_1752] {strides = array<i32>} : memref<128x128xf32, #tpu.memory_space<vmem>>, vector<16xf32>,
        tpu.vector_store %arg10[%swap3A_1751, %swap3A_1752], %mul3A_1746 {strides = array<i32>} : memref<128x128xf32, #tpu.memory_space<vmem>>, vector<16xf32>,
        %mul3A_1754 = arith.constant 16 : i32
        %mul3A_1755 = arith.muli %scan3A_171, %mul3A_1754 : i32
        %add3A_1756 = arith.constant 12 : i32
        %add3A_1757 = arith.addi %mul3A_1755, %add3A_1756 : i32
        %get3A_1758 = arith.index_cast %add3A_1757 : i32 to index
        %get3A_1759 = arith.constant 16 : index
        %get3A_1760 = tpu.vector_load %arg10[%get3A_1758, %get3A_1759] {strides = array<i32>} : memref<128x128xf32, #tpu.memory_space<vmem>>, vector<16xf32>,
        %mul3A_1761 = vector.broadcast %squeeze3A_1737 : f32 to vector<16xf32>
        %mul3A_1762 = arith.mulf %get3A_1760, %mul3A_1761 : vector<16xf32>
        %mul3A_1763 = arith.constant 16 : i32
        %mul3A_1764 = arith.muli %scan3A_171, %mul3A_1763 : i32
        %add3A_1765 = arith.constant 12 : i32
        %add3A_1766 = arith.addi %mul3A_1764, %add3A_1765 : i32
        %swap3A_1767 = arith.index_cast %add3A_1766 : i32 to index
        %swap3A_1768 = arith.constant 16 : index
        %swap3A_1769 = tpu.vector_load %arg10[%swap3A_1767, %swap3A_1768] {strides = array<i32>} : memref<128x128xf32, #tpu.memory_space<vmem>>, vector<16xf32>,
        tpu.vector_store %arg10[%swap3A_1767, %swap3A_1768], %mul3A_1762 {strides = array<i32>} : memref<128x128xf32, #tpu.memory_space<vmem>>, vector<16xf32>,
        %mul3A_1770 = arith.constant 16 : i32
        %mul3A_1771 = arith.muli %scan3A_171, %mul3A_1770 : i32
        %add3A_1772 = arith.constant 12 : i32
        %add3A_1773 = arith.addi %mul3A_1771, %add3A_1772 : i32
        %get3A_1774 = arith.index_cast %add3A_1773 : i32 to index
        %get3A_1775 = arith.constant 32 : index
        %get3A_1776 = tpu.vector_load %arg10[%get3A_1774, %get3A_1775] {strides = array<i32>} : memref<128x128xf32, #tpu.memory_space<vmem>>, vector<16xf32>,
        %mul3A_1777 = vector.broadcast %squeeze3A_1737 : f32 to vector<16xf32>
        %mul3A_1778 = arith.mulf %get3A_1776, %mul3A_1777 : vector<16xf32>
        %mul3A_1779 = arith.constant 16 : i32
        %mul3A_1780 = arith.muli %scan3A_171, %mul3A_1779 : i32
        %add3A_1781 = arith.constant 12 : i32
        %add3A_1782 = arith.addi %mul3A_1780, %add3A_1781 : i32
        %swap3A_1783 = arith.index_cast %add3A_1782 : i32 to index
        %swap3A_1784 = arith.constant 32 : index
        %swap3A_1785 = tpu.vector_load %arg10[%swap3A_1783, %swap3A_1784] {strides = array<i32>} : memref<128x128xf32, #tpu.memory_space<vmem>>, vector<16xf32>,
        tpu.vector_store %arg10[%swap3A_1783, %swap3A_1784], %mul3A_1778 {strides = array<i32>} : memref<128x128xf32, #tpu.memory_space<vmem>>, vector<16xf32>,
        %mul3A_1786 = arith.constant 16 : i32
        %mul3A_1787 = arith.muli %scan3A_171, %mul3A_1786 : i32
        %add3A_1788 = arith.constant 12 : i32
        %add3A_1789 = arith.addi %mul3A_1787, %add3A_1788 : i32
        %get3A_1790 = arith.index_cast %add3A_1789 : i32 to index
        %get3A_1791 = arith.constant 48 : index
        %get3A_1792 = tpu.vector_load %arg10[%get3A_1790, %get3A_1791] {strides = array<i32>} : memref<128x128xf32, #tpu.memory_space<vmem>>, vector<16xf32>,
        %mul3A_1793 = vector.broadcast %squeeze3A_1737 : f32 to vector<16xf32>
        %mul3A_1794 = arith.mulf %get3A_1792, %mul3A_1793 : vector<16xf32>
        %mul3A_1795 = arith.constant 16 : i32
        %mul3A_1796 = arith.muli %scan3A_171, %mul3A_1795 : i32
        %add3A_1797 = arith.constant 12 : i32
        %add3A_1798 = arith.addi %mul3A_1796, %add3A_1797 : i32
        %swap3A_1799 = arith.index_cast %add3A_1798 : i32 to index
        %swap3A_1800 = arith.constant 48 : index
        %swap3A_1801 = tpu.vector_load %arg10[%swap3A_1799, %swap3A_1800] {strides = array<i32>} : memref<128x128xf32, #tpu.memory_space<vmem>>, vector<16xf32>,
        tpu.vector_store %arg10[%swap3A_1799, %swap3A_1800], %mul3A_1794 {strides = array<i32>} : memref<128x128xf32, #tpu.memory_space<vmem>>, vector<16xf32>,
        %mul3A_1802 = arith.constant 16 : i32
        %mul3A_1803 = arith.muli %scan3A_171, %mul3A_1802 : i32
        %add3A_1804 = arith.constant 12 : i32
        %add3A_1805 = arith.addi %mul3A_1803, %add3A_1804 : i32
        %get3A_1806 = arith.index_cast %add3A_1805 : i32 to index
        %get3A_1807 = arith.constant 64 : index
        %get3A_1808 = tpu.vector_load %arg10[%get3A_1806, %get3A_1807] {strides = array<i32>} : memref<128x128xf32, #tpu.memory_space<vmem>>, vector<16xf32>,
        %mul3A_1809 = vector.broadcast %squeeze3A_1737 : f32 to vector<16xf32>
        %mul3A_1810 = arith.mulf %get3A_1808, %mul3A_1809 : vector<16xf32>
        %mul3A_1811 = arith.constant 16 : i32
        %mul3A_1812 = arith.muli %scan3A_171, %mul3A_1811 : i32
        %add3A_1813 = arith.constant 12 : i32
        %add3A_1814 = arith.addi %mul3A_1812, %add3A_1813 : i32
        %swap3A_1815 = arith.index_cast %add3A_1814 : i32 to index
        %swap3A_1816 = arith.constant 64 : index
        %swap3A_1817 = tpu.vector_load %arg10[%swap3A_1815, %swap3A_1816] {strides = array<i32>} : memref<128x128xf32, #tpu.memory_space<vmem>>, vector<16xf32>,
        tpu.vector_store %arg10[%swap3A_1815, %swap3A_1816], %mul3A_1810 {strides = array<i32>} : memref<128x128xf32, #tpu.memory_space<vmem>>, vector<16xf32>,
        %mul3A_1818 = arith.constant 16 : i32
        %mul3A_1819 = arith.muli %scan3A_171, %mul3A_1818 : i32
        %add3A_1820 = arith.constant 12 : i32
        %add3A_1821 = arith.addi %mul3A_1819, %add3A_1820 : i32
        %get3A_1822 = arith.index_cast %add3A_1821 : i32 to index
        %get3A_1823 = arith.constant 80 : index
        %get3A_1824 = tpu.vector_load %arg10[%get3A_1822, %get3A_1823] {strides = array<i32>} : memref<128x128xf32, #tpu.memory_space<vmem>>, vector<16xf32>,
        %mul3A_1825 = vector.broadcast %squeeze3A_1737 : f32 to vector<16xf32>
        %mul3A_1826 = arith.mulf %get3A_1824, %mul3A_1825 : vector<16xf32>
        %mul3A_1827 = arith.constant 16 : i32
        %mul3A_1828 = arith.muli %scan3A_171, %mul3A_1827 : i32
        %add3A_1829 = arith.constant 12 : i32
        %add3A_1830 = arith.addi %mul3A_1828, %add3A_1829 : i32
        %swap3A_1831 = arith.index_cast %add3A_1830 : i32 to index
        %swap3A_1832 = arith.constant 80 : index
        %swap3A_1833 = tpu.vector_load %arg10[%swap3A_1831, %swap3A_1832] {strides = array<i32>} : memref<128x128xf32, #tpu.memory_space<vmem>>, vector<16xf32>,
        tpu.vector_store %arg10[%swap3A_1831, %swap3A_1832], %mul3A_1826 {strides = array<i32>} : memref<128x128xf32, #tpu.memory_space<vmem>>, vector<16xf32>,
        %mul3A_1834 = arith.constant 16 : i32
        %mul3A_1835 = arith.muli %scan3A_171, %mul3A_1834 : i32
        %add3A_1836 = arith.constant 12 : i32
        %add3A_1837 = arith.addi %mul3A_1835, %add3A_1836 : i32
        %get3A_1838 = arith.index_cast %add3A_1837 : i32 to index
        %get3A_1839 = arith.constant 96 : index
        %get3A_1840 = tpu.vector_load %arg10[%get3A_1838, %get3A_1839] {strides = array<i32>} : memref<128x128xf32, #tpu.memory_space<vmem>>, vector<16xf32>,
        %mul3A_1841 = vector.broadcast %squeeze3A_1737 : f32 to vector<16xf32>
        %mul3A_1842 = arith.mulf %get3A_1840, %mul3A_1841 : vector<16xf32>
        %mul3A_1843 = arith.constant 16 : i32
        %mul3A_1844 = arith.muli %scan3A_171, %mul3A_1843 : i32
        %add3A_1845 = arith.constant 12 : i32
        %add3A_1846 = arith.addi %mul3A_1844, %add3A_1845 : i32
        %swap3A_1847 = arith.index_cast %add3A_1846 : i32 to index
        %swap3A_1848 = arith.constant 96 : index
        %swap3A_1849 = tpu.vector_load %arg10[%swap3A_1847, %swap3A_1848] {strides = array<i32>} : memref<128x128xf32, #tpu.memory_space<vmem>>, vector<16xf32>,
        tpu.vector_store %arg10[%swap3A_1847, %swap3A_1848], %mul3A_1842 {strides = array<i32>} : memref<128x128xf32, #tpu.memory_space<vmem>>, vector<16xf32>,
        %mul3A_1850 = arith.constant 16 : i32
        %mul3A_1851 = arith.muli %scan3A_171, %mul3A_1850 : i32
        %add3A_1852 = arith.constant 12 : i32
        %add3A_1853 = arith.addi %mul3A_1851, %add3A_1852 : i32
        %get3A_1854 = arith.index_cast %add3A_1853 : i32 to index
        %get3A_1855 = arith.constant 112 : index
        %get3A_1856 = tpu.vector_load %arg10[%get3A_1854, %get3A_1855] {strides = array<i32>} : memref<128x128xf32, #tpu.memory_space<vmem>>, vector<16xf32>,
        %mul3A_1857 = vector.broadcast %squeeze3A_1737 : f32 to vector<16xf32>
        %mul3A_1858 = arith.mulf %get3A_1856, %mul3A_1857 : vector<16xf32>
        %mul3A_1859 = arith.constant 16 : i32
        %mul3A_1860 = arith.muli %scan3A_171, %mul3A_1859 : i32
        %add3A_1861 = arith.constant 12 : i32
        %add3A_1862 = arith.addi %mul3A_1860, %add3A_1861 : i32
        %swap3A_1863 = arith.index_cast %add3A_1862 : i32 to index
        %swap3A_1864 = arith.constant 112 : index
        %swap3A_1865 = tpu.vector_load %arg10[%swap3A_1863, %swap3A_1864] {strides = array<i32>} : memref<128x128xf32, #tpu.memory_space<vmem>>, vector<16xf32>,
        tpu.vector_store %arg10[%swap3A_1863, %swap3A_1864], %mul3A_1858 {strides = array<i32>} : memref<128x128xf32, #tpu.memory_space<vmem>>, vector<16xf32>,
        %slice3A_1866 = vector.extract_strided_slice %get3A_178 {offsets = [13], sizes = [1], strides = [1]} : vector<16xf32> to vector<1xf32>
        %squeeze3A_1867 = vector.extract %slice3A_1866[0] : f32 from vector<1xf32>
        %mul3A_1868 = arith.constant 16 : i32
        %mul3A_1869 = arith.muli %scan3A_171, %mul3A_1868 : i32
        %add3A_1870 = arith.constant 13 : i32
        %add3A_1871 = arith.addi %mul3A_1869, %add3A_1870 : i32
        %get3A_1872 = arith.index_cast %add3A_1871 : i32 to index
        %get3A_1873 = arith.constant 0 : index
        %get3A_1874 = tpu.vector_load %arg10[%get3A_1872, %get3A_1873] {strides = array<i32>} : memref<128x128xf32, #tpu.memory_space<vmem>>, vector<16xf32>,
        %mul3A_1875 = vector.broadcast %squeeze3A_1867 : f32 to vector<16xf32>
        %mul3A_1876 = arith.mulf %get3A_1874, %mul3A_1875 : vector<16xf32>
        %mul3A_1877 = arith.constant 16 : i32
        %mul3A_1878 = arith.muli %scan3A_171, %mul3A_1877 : i32
        %add3A_1879 = arith.constant 13 : i32
        %add3A_1880 = arith.addi %mul3A_1878, %add3A_1879 : i32
        %swap3A_1881 = arith.index_cast %add3A_1880 : i32 to index
        %swap3A_1882 = arith.constant 0 : index
        %swap3A_1883 = tpu.vector_load %arg10[%swap3A_1881, %swap3A_1882] {strides = array<i32>} : memref<128x128xf32, #tpu.memory_space<vmem>>, vector<16xf32>,
        tpu.vector_store %arg10[%swap3A_1881, %swap3A_1882], %mul3A_1876 {strides = array<i32>} : memref<128x128xf32, #tpu.memory_space<vmem>>, vector<16xf32>,
        %mul3A_1884 = arith.constant 16 : i32
        %mul3A_1885 = arith.muli %scan3A_171, %mul3A_1884 : i32
        %add3A_1886 = arith.constant 13 : i32
        %add3A_1887 = arith.addi %mul3A_1885, %add3A_1886 : i32
        %get3A_1888 = arith.index_cast %add3A_1887 : i32 to index
        %get3A_1889 = arith.constant 16 : index
        %get3A_1890 = tpu.vector_load %arg10[%get3A_1888, %get3A_1889] {strides = array<i32>} : memref<128x128xf32, #tpu.memory_space<vmem>>, vector<16xf32>,
        %mul3A_1891 = vector.broadcast %squeeze3A_1867 : f32 to vector<16xf32>
        %mul3A_1892 = arith.mulf %get3A_1890, %mul3A_1891 : vector<16xf32>
        %mul3A_1893 = arith.constant 16 : i32
        %mul3A_1894 = arith.muli %scan3A_171, %mul3A_1893 : i32
        %add3A_1895 = arith.constant 13 : i32
        %add3A_1896 = arith.addi %mul3A_1894, %add3A_1895 : i32
        %swap3A_1897 = arith.index_cast %add3A_1896 : i32 to index
        %swap3A_1898 = arith.constant 16 : index
        %swap3A_1899 = tpu.vector_load %arg10[%swap3A_1897, %swap3A_1898] {strides = array<i32>} : memref<128x128xf32, #tpu.memory_space<vmem>>, vector<16xf32>,
        tpu.vector_store %arg10[%swap3A_1897, %swap3A_1898], %mul3A_1892 {strides = array<i32>} : memref<128x128xf32, #tpu.memory_space<vmem>>, vector<16xf32>,
        %mul3A_1900 = arith.constant 16 : i32
        %mul3A_1901 = arith.muli %scan3A_171, %mul3A_1900 : i32
        %add3A_1902 = arith.constant 13 : i32
        %add3A_1903 = arith.addi %mul3A_1901, %add3A_1902 : i32
        %get3A_1904 = arith.index_cast %add3A_1903 : i32 to index
        %get3A_1905 = arith.constant 32 : index
        %get3A_1906 = tpu.vector_load %arg10[%get3A_1904, %get3A_1905] {strides = array<i32>} : memref<128x128xf32, #tpu.memory_space<vmem>>, vector<16xf32>,
        %mul3A_1907 = vector.broadcast %squeeze3A_1867 : f32 to vector<16xf32>
        %mul3A_1908 = arith.mulf %get3A_1906, %mul3A_1907 : vector<16xf32>
        %mul3A_1909 = arith.constant 16 : i32
        %mul3A_1910 = arith.muli %scan3A_171, %mul3A_1909 : i32
        %add3A_1911 = arith.constant 13 : i32
        %add3A_1912 = arith.addi %mul3A_1910, %add3A_1911 : i32
        %swap3A_1913 = arith.index_cast %add3A_1912 : i32 to index
        %swap3A_1914 = arith.constant 32 : index
        %swap3A_1915 = tpu.vector_load %arg10[%swap3A_1913, %swap3A_1914] {strides = array<i32>} : memref<128x128xf32, #tpu.memory_space<vmem>>, vector<16xf32>,
        tpu.vector_store %arg10[%swap3A_1913, %swap3A_1914], %mul3A_1908 {strides = array<i32>} : memref<128x128xf32, #tpu.memory_space<vmem>>, vector<16xf32>,
        %mul3A_1916 = arith.constant 16 : i32
        %mul3A_1917 = arith.muli %scan3A_171, %mul3A_1916 : i32
        %add3A_1918 = arith.constant 13 : i32
        %add3A_1919 = arith.addi %mul3A_1917, %add3A_1918 : i32
        %get3A_1920 = arith.index_cast %add3A_1919 : i32 to index
        %get3A_1921 = arith.constant 48 : index
        %get3A_1922 = tpu.vector_load %arg10[%get3A_1920, %get3A_1921] {strides = array<i32>} : memref<128x128xf32, #tpu.memory_space<vmem>>, vector<16xf32>,
        %mul3A_1923 = vector.broadcast %squeeze3A_1867 : f32 to vector<16xf32>
        %mul3A_1924 = arith.mulf %get3A_1922, %mul3A_1923 : vector<16xf32>
        %mul3A_1925 = arith.constant 16 : i32
        %mul3A_1926 = arith.muli %scan3A_171, %mul3A_1925 : i32
        %add3A_1927 = arith.constant 13 : i32
        %add3A_1928 = arith.addi %mul3A_1926, %add3A_1927 : i32
        %swap3A_1929 = arith.index_cast %add3A_1928 : i32 to index
        %swap3A_1930 = arith.constant 48 : index
        %swap3A_1931 = tpu.vector_load %arg10[%swap3A_1929, %swap3A_1930] {strides = array<i32>} : memref<128x128xf32, #tpu.memory_space<vmem>>, vector<16xf32>,
        tpu.vector_store %arg10[%swap3A_1929, %swap3A_1930], %mul3A_1924 {strides = array<i32>} : memref<128x128xf32, #tpu.memory_space<vmem>>, vector<16xf32>,
        %mul3A_1932 = arith.constant 16 : i32
        %mul3A_1933 = arith.muli %scan3A_171, %mul3A_1932 : i32
        %add3A_1934 = arith.constant 13 : i32
        %add3A_1935 = arith.addi %mul3A_1933, %add3A_1934 : i32
        %get3A_1936 = arith.index_cast %add3A_1935 : i32 to index
        %get3A_1937 = arith.constant 64 : index
        %get3A_1938 = tpu.vector_load %arg10[%get3A_1936, %get3A_1937] {strides = array<i32>} : memref<128x128xf32, #tpu.memory_space<vmem>>, vector<16xf32>,
        %mul3A_1939 = vector.broadcast %squeeze3A_1867 : f32 to vector<16xf32>
        %mul3A_1940 = arith.mulf %get3A_1938, %mul3A_1939 : vector<16xf32>
        %mul3A_1941 = arith.constant 16 : i32
        %mul3A_1942 = arith.muli %scan3A_171, %mul3A_1941 : i32
        %add3A_1943 = arith.constant 13 : i32
        %add3A_1944 = arith.addi %mul3A_1942, %add3A_1943 : i32
        %swap3A_1945 = arith.index_cast %add3A_1944 : i32 to index
        %swap3A_1946 = arith.constant 64 : index
        %swap3A_1947 = tpu.vector_load %arg10[%swap3A_1945, %swap3A_1946] {strides = array<i32>} : memref<128x128xf32, #tpu.memory_space<vmem>>, vector<16xf32>,
        tpu.vector_store %arg10[%swap3A_1945, %swap3A_1946], %mul3A_1940 {strides = array<i32>} : memref<128x128xf32, #tpu.memory_space<vmem>>, vector<16xf32>,
        %mul3A_1948 = arith.constant 16 : i32
        %mul3A_1949 = arith.muli %scan3A_171, %mul3A_1948 : i32
        %add3A_1950 = arith.constant 13 : i32
        %add3A_1951 = arith.addi %mul3A_1949, %add3A_1950 : i32
        %get3A_1952 = arith.index_cast %add3A_1951 : i32 to index
        %get3A_1953 = arith.constant 80 : index
        %get3A_1954 = tpu.vector_load %arg10[%get3A_1952, %get3A_1953] {strides = array<i32>} : memref<128x128xf32, #tpu.memory_space<vmem>>, vector<16xf32>,
        %mul3A_1955 = vector.broadcast %squeeze3A_1867 : f32 to vector<16xf32>
        %mul3A_1956 = arith.mulf %get3A_1954, %mul3A_1955 : vector<16xf32>
        %mul3A_1957 = arith.constant 16 : i32
        %mul3A_1958 = arith.muli %scan3A_171, %mul3A_1957 : i32
        %add3A_1959 = arith.constant 13 : i32
        %add3A_1960 = arith.addi %mul3A_1958, %add3A_1959 : i32
        %swap3A_1961 = arith.index_cast %add3A_1960 : i32 to index
        %swap3A_1962 = arith.constant 80 : index
        %swap3A_1963 = tpu.vector_load %arg10[%swap3A_1961, %swap3A_1962] {strides = array<i32>} : memref<128x128xf32, #tpu.memory_space<vmem>>, vector<16xf32>,
        tpu.vector_store %arg10[%swap3A_1961, %swap3A_1962], %mul3A_1956 {strides = array<i32>} : memref<128x128xf32, #tpu.memory_space<vmem>>, vector<16xf32>,
        %mul3A_1964 = arith.constant 16 : i32
        %mul3A_1965 = arith.muli %scan3A_171, %mul3A_1964 : i32
        %add3A_1966 = arith.constant 13 : i32
        %add3A_1967 = arith.addi %mul3A_1965, %add3A_1966 : i32
        %get3A_1968 = arith.index_cast %add3A_1967 : i32 to index
        %get3A_1969 = arith.constant 96 : index
        %get3A_1970 = tpu.vector_load %arg10[%get3A_1968, %get3A_1969] {strides = array<i32>} : memref<128x128xf32, #tpu.memory_space<vmem>>, vector<16xf32>,
        %mul3A_1971 = vector.broadcast %squeeze3A_1867 : f32 to vector<16xf32>
        %mul3A_1972 = arith.mulf %get3A_1970, %mul3A_1971 : vector<16xf32>
        %mul3A_1973 = arith.constant 16 : i32
        %mul3A_1974 = arith.muli %scan3A_171, %mul3A_1973 : i32
        %add3A_1975 = arith.constant 13 : i32
        %add3A_1976 = arith.addi %mul3A_1974, %add3A_1975 : i32
        %swap3A_1977 = arith.index_cast %add3A_1976 : i32 to index
        %swap3A_1978 = arith.constant 96 : index
        %swap3A_1979 = tpu.vector_load %arg10[%swap3A_1977, %swap3A_1978] {strides = array<i32>} : memref<128x128xf32, #tpu.memory_space<vmem>>, vector<16xf32>,
        tpu.vector_store %arg10[%swap3A_1977, %swap3A_1978], %mul3A_1972 {strides = array<i32>} : memref<128x128xf32, #tpu.memory_space<vmem>>, vector<16xf32>,
        %mul3A_1980 = arith.constant 16 : i32
        %mul3A_1981 = arith.muli %scan3A_171, %mul3A_1980 : i32
        %add3A_1982 = arith.constant 13 : i32
        %add3A_1983 = arith.addi %mul3A_1981, %add3A_1982 : i32
        %get3A_1984 = arith.index_cast %add3A_1983 : i32 to index
        %get3A_1985 = arith.constant 112 : index
        %get3A_1986 = tpu.vector_load %arg10[%get3A_1984, %get3A_1985] {strides = array<i32>} : memref<128x128xf32, #tpu.memory_space<vmem>>, vector<16xf32>,
        %mul3A_1987 = vector.broadcast %squeeze3A_1867 : f32 to vector<16xf32>
        %mul3A_1988 = arith.mulf %get3A_1986, %mul3A_1987 : vector<16xf32>
        %mul3A_1989 = arith.constant 16 : i32
        %mul3A_1990 = arith.muli %scan3A_171, %mul3A_1989 : i32
        %add3A_1991 = arith.constant 13 : i32
        %add3A_1992 = arith.addi %mul3A_1990, %add3A_1991 : i32
        %swap3A_1993 = arith.index_cast %add3A_1992 : i32 to index
        %swap3A_1994 = arith.constant 112 : index
        %swap3A_1995 = tpu.vector_load %arg10[%swap3A_1993, %swap3A_1994] {strides = array<i32>} : memref<128x128xf32, #tpu.memory_space<vmem>>, vector<16xf32>,
        tpu.vector_store %arg10[%swap3A_1993, %swap3A_1994], %mul3A_1988 {strides = array<i32>} : memref<128x128xf32, #tpu.memory_space<vmem>>, vector<16xf32>,
        %slice3A_1996 = vector.extract_strided_slice %get3A_178 {offsets = [14], sizes = [1], strides = [1]} : vector<16xf32> to vector<1xf32>
        %squeeze3A_1997 = vector.extract %slice3A_1996[0] : f32 from vector<1xf32>
        %mul3A_1998 = arith.constant 16 : i32
        %mul3A_1999 = arith.muli %scan3A_171, %mul3A_1998 : i32
        %add3A_2000 = arith.constant 14 : i32
        %add3A_2001 = arith.addi %mul3A_1999, %add3A_2000 : i32
        %get3A_2002 = arith.index_cast %add3A_2001 : i32 to index
        %get3A_2003 = arith.constant 0 : index
        %get3A_2004 = tpu.vector_load %arg10[%get3A_2002, %get3A_2003] {strides = array<i32>} : memref<128x128xf32, #tpu.memory_space<vmem>>, vector<16xf32>,
        %mul3A_2005 = vector.broadcast %squeeze3A_1997 : f32 to vector<16xf32>
        %mul3A_2006 = arith.mulf %get3A_2004, %mul3A_2005 : vector<16xf32>
        %mul3A_2007 = arith.constant 16 : i32
        %mul3A_2008 = arith.muli %scan3A_171, %mul3A_2007 : i32
        %add3A_2009 = arith.constant 14 : i32
        %add3A_2010 = arith.addi %mul3A_2008, %add3A_2009 : i32
        %swap3A_2011 = arith.index_cast %add3A_2010 : i32 to index
        %swap3A_2012 = arith.constant 0 : index
        %swap3A_2013 = tpu.vector_load %arg10[%swap3A_2011, %swap3A_2012] {strides = array<i32>} : memref<128x128xf32, #tpu.memory_space<vmem>>, vector<16xf32>,
        tpu.vector_store %arg10[%swap3A_2011, %swap3A_2012], %mul3A_2006 {strides = array<i32>} : memref<128x128xf32, #tpu.memory_space<vmem>>, vector<16xf32>,
        %mul3A_2014 = arith.constant 16 : i32
        %mul3A_2015 = arith.muli %scan3A_171, %mul3A_2014 : i32
        %add3A_2016 = arith.constant 14 : i32
        %add3A_2017 = arith.addi %mul3A_2015, %add3A_2016 : i32
        %get3A_2018 = arith.index_cast %add3A_2017 : i32 to index
        %get3A_2019 = arith.constant 16 : index
        %get3A_2020 = tpu.vector_load %arg10[%get3A_2018, %get3A_2019] {strides = array<i32>} : memref<128x128xf32, #tpu.memory_space<vmem>>, vector<16xf32>,
        %mul3A_2021 = vector.broadcast %squeeze3A_1997 : f32 to vector<16xf32>
        %mul3A_2022 = arith.mulf %get3A_2020, %mul3A_2021 : vector<16xf32>
        %mul3A_2023 = arith.constant 16 : i32
        %mul3A_2024 = arith.muli %scan3A_171, %mul3A_2023 : i32
        %add3A_2025 = arith.constant 14 : i32
        %add3A_2026 = arith.addi %mul3A_2024, %add3A_2025 : i32
        %swap3A_2027 = arith.index_cast %add3A_2026 : i32 to index
        %swap3A_2028 = arith.constant 16 : index
        %swap3A_2029 = tpu.vector_load %arg10[%swap3A_2027, %swap3A_2028] {strides = array<i32>} : memref<128x128xf32, #tpu.memory_space<vmem>>, vector<16xf32>,
        tpu.vector_store %arg10[%swap3A_2027, %swap3A_2028], %mul3A_2022 {strides = array<i32>} : memref<128x128xf32, #tpu.memory_space<vmem>>, vector<16xf32>,
        %mul3A_2030 = arith.constant 16 : i32
        %mul3A_2031 = arith.muli %scan3A_171, %mul3A_2030 : i32
        %add3A_2032 = arith.constant 14 : i32
        %add3A_2033 = arith.addi %mul3A_2031, %add3A_2032 : i32
        %get3A_2034 = arith.index_cast %add3A_2033 : i32 to index
        %get3A_2035 = arith.constant 32 : index
        %get3A_2036 = tpu.vector_load %arg10[%get3A_2034, %get3A_2035] {strides = array<i32>} : memref<128x128xf32, #tpu.memory_space<vmem>>, vector<16xf32>,
        %mul3A_2037 = vector.broadcast %squeeze3A_1997 : f32 to vector<16xf32>
        %mul3A_2038 = arith.mulf %get3A_2036, %mul3A_2037 : vector<16xf32>
        %mul3A_2039 = arith.constant 16 : i32
        %mul3A_2040 = arith.muli %scan3A_171, %mul3A_2039 : i32
        %add3A_2041 = arith.constant 14 : i32
        %add3A_2042 = arith.addi %mul3A_2040, %add3A_2041 : i32
        %swap3A_2043 = arith.index_cast %add3A_2042 : i32 to index
        %swap3A_2044 = arith.constant 32 : index
        %swap3A_2045 = tpu.vector_load %arg10[%swap3A_2043, %swap3A_2044] {strides = array<i32>} : memref<128x128xf32, #tpu.memory_space<vmem>>, vector<16xf32>,
        tpu.vector_store %arg10[%swap3A_2043, %swap3A_2044], %mul3A_2038 {strides = array<i32>} : memref<128x128xf32, #tpu.memory_space<vmem>>, vector<16xf32>,
        %mul3A_2046 = arith.constant 16 : i32
        %mul3A_2047 = arith.muli %scan3A_171, %mul3A_2046 : i32
        %add3A_2048 = arith.constant 14 : i32
        %add3A_2049 = arith.addi %mul3A_2047, %add3A_2048 : i32
        %get3A_2050 = arith.index_cast %add3A_2049 : i32 to index
        %get3A_2051 = arith.constant 48 : index
        %get3A_2052 = tpu.vector_load %arg10[%get3A_2050, %get3A_2051] {strides = array<i32>} : memref<128x128xf32, #tpu.memory_space<vmem>>, vector<16xf32>,
        %mul3A_2053 = vector.broadcast %squeeze3A_1997 : f32 to vector<16xf32>
        %mul3A_2054 = arith.mulf %get3A_2052, %mul3A_2053 : vector<16xf32>
        %mul3A_2055 = arith.constant 16 : i32
        %mul3A_2056 = arith.muli %scan3A_171, %mul3A_2055 : i32
        %add3A_2057 = arith.constant 14 : i32
        %add3A_2058 = arith.addi %mul3A_2056, %add3A_2057 : i32
        %swap3A_2059 = arith.index_cast %add3A_2058 : i32 to index
        %swap3A_2060 = arith.constant 48 : index
        %swap3A_2061 = tpu.vector_load %arg10[%swap3A_2059, %swap3A_2060] {strides = array<i32>} : memref<128x128xf32, #tpu.memory_space<vmem>>, vector<16xf32>,
        tpu.vector_store %arg10[%swap3A_2059, %swap3A_2060], %mul3A_2054 {strides = array<i32>} : memref<128x128xf32, #tpu.memory_space<vmem>>, vector<16xf32>,
        %mul3A_2062 = arith.constant 16 : i32
        %mul3A_2063 = arith.muli %scan3A_171, %mul3A_2062 : i32
        %add3A_2064 = arith.constant 14 : i32
        %add3A_2065 = arith.addi %mul3A_2063, %add3A_2064 : i32
        %get3A_2066 = arith.index_cast %add3A_2065 : i32 to index
        %get3A_2067 = arith.constant 64 : index
        %get3A_2068 = tpu.vector_load %arg10[%get3A_2066, %get3A_2067] {strides = array<i32>} : memref<128x128xf32, #tpu.memory_space<vmem>>, vector<16xf32>,
        %mul3A_2069 = vector.broadcast %squeeze3A_1997 : f32 to vector<16xf32>
        %mul3A_2070 = arith.mulf %get3A_2068, %mul3A_2069 : vector<16xf32>
        %mul3A_2071 = arith.constant 16 : i32
        %mul3A_2072 = arith.muli %scan3A_171, %mul3A_2071 : i32
        %add3A_2073 = arith.constant 14 : i32
        %add3A_2074 = arith.addi %mul3A_2072, %add3A_2073 : i32
        %swap3A_2075 = arith.index_cast %add3A_2074 : i32 to index
        %swap3A_2076 = arith.constant 64 : index
        %swap3A_2077 = tpu.vector_load %arg10[%swap3A_2075, %swap3A_2076] {strides = array<i32>} : memref<128x128xf32, #tpu.memory_space<vmem>>, vector<16xf32>,
        tpu.vector_store %arg10[%swap3A_2075, %swap3A_2076], %mul3A_2070 {strides = array<i32>} : memref<128x128xf32, #tpu.memory_space<vmem>>, vector<16xf32>,
        %mul3A_2078 = arith.constant 16 : i32
        %mul3A_2079 = arith.muli %scan3A_171, %mul3A_2078 : i32
        %add3A_2080 = arith.constant 14 : i32
        %add3A_2081 = arith.addi %mul3A_2079, %add3A_2080 : i32
        %get3A_2082 = arith.index_cast %add3A_2081 : i32 to index
        %get3A_2083 = arith.constant 80 : index
        %get3A_2084 = tpu.vector_load %arg10[%get3A_2082, %get3A_2083] {strides = array<i32>} : memref<128x128xf32, #tpu.memory_space<vmem>>, vector<16xf32>,
        %mul3A_2085 = vector.broadcast %squeeze3A_1997 : f32 to vector<16xf32>
        %mul3A_2086 = arith.mulf %get3A_2084, %mul3A_2085 : vector<16xf32>
        %mul3A_2087 = arith.constant 16 : i32
        %mul3A_2088 = arith.muli %scan3A_171, %mul3A_2087 : i32
        %add3A_2089 = arith.constant 14 : i32
        %add3A_2090 = arith.addi %mul3A_2088, %add3A_2089 : i32
        %swap3A_2091 = arith.index_cast %add3A_2090 : i32 to index
        %swap3A_2092 = arith.constant 80 : index
        %swap3A_2093 = tpu.vector_load %arg10[%swap3A_2091, %swap3A_2092] {strides = array<i32>} : memref<128x128xf32, #tpu.memory_space<vmem>>, vector<16xf32>,
        tpu.vector_store %arg10[%swap3A_2091, %swap3A_2092], %mul3A_2086 {strides = array<i32>} : memref<128x128xf32, #tpu.memory_space<vmem>>, vector<16xf32>,
        %mul3A_2094 = arith.constant 16 : i32
        %mul3A_2095 = arith.muli %scan3A_171, %mul3A_2094 : i32
        %add3A_2096 = arith.constant 14 : i32
        %add3A_2097 = arith.addi %mul3A_2095, %add3A_2096 : i32
        %get3A_2098 = arith.index_cast %add3A_2097 : i32 to index
        %get3A_2099 = arith.constant 96 : index
        %get3A_2100 = tpu.vector_load %arg10[%get3A_2098, %get3A_2099] {strides = array<i32>} : memref<128x128xf32, #tpu.memory_space<vmem>>, vector<16xf32>,
        %mul3A_2101 = vector.broadcast %squeeze3A_1997 : f32 to vector<16xf32>
        %mul3A_2102 = arith.mulf %get3A_2100, %mul3A_2101 : vector<16xf32>
        %mul3A_2103 = arith.constant 16 : i32
        %mul3A_2104 = arith.muli %scan3A_171, %mul3A_2103 : i32
        %add3A_2105 = arith.constant 14 : i32
        %add3A_2106 = arith.addi %mul3A_2104, %add3A_2105 : i32
        %swap3A_2107 = arith.index_cast %add3A_2106 : i32 to index
        %swap3A_2108 = arith.constant 96 : index
        %swap3A_2109 = tpu.vector_load %arg10[%swap3A_2107, %swap3A_2108] {strides = array<i32>} : memref<128x128xf32, #tpu.memory_space<vmem>>, vector<16xf32>,
        tpu.vector_store %arg10[%swap3A_2107, %swap3A_2108], %mul3A_2102 {strides = array<i32>} : memref<128x128xf32, #tpu.memory_space<vmem>>, vector<16xf32>,
        %mul3A_2110 = arith.constant 16 : i32
        %mul3A_2111 = arith.muli %scan3A_171, %mul3A_2110 : i32
        %add3A_2112 = arith.constant 14 : i32
        %add3A_2113 = arith.addi %mul3A_2111, %add3A_2112 : i32
        %get3A_2114 = arith.index_cast %add3A_2113 : i32 to index
        %get3A_2115 = arith.constant 112 : index
        %get3A_2116 = tpu.vector_load %arg10[%get3A_2114, %get3A_2115] {strides = array<i32>} : memref<128x128xf32, #tpu.memory_space<vmem>>, vector<16xf32>,
        %mul3A_2117 = vector.broadcast %squeeze3A_1997 : f32 to vector<16xf32>
        %mul3A_2118 = arith.mulf %get3A_2116, %mul3A_2117 : vector<16xf32>
        %mul3A_2119 = arith.constant 16 : i32
        %mul3A_2120 = arith.muli %scan3A_171, %mul3A_2119 : i32
        %add3A_2121 = arith.constant 14 : i32
        %add3A_2122 = arith.addi %mul3A_2120, %add3A_2121 : i32
        %swap3A_2123 = arith.index_cast %add3A_2122 : i32 to index
        %swap3A_2124 = arith.constant 112 : index
        %swap3A_2125 = tpu.vector_load %arg10[%swap3A_2123, %swap3A_2124] {strides = array<i32>} : memref<128x128xf32, #tpu.memory_space<vmem>>, vector<16xf32>,
        tpu.vector_store %arg10[%swap3A_2123, %swap3A_2124], %mul3A_2118 {strides = array<i32>} : memref<128x128xf32, #tpu.memory_space<vmem>>, vector<16xf32>,
        %slice3A_2126 = vector.extract_strided_slice %get3A_178 {offsets = [15], sizes = [1], strides = [1]} : vector<16xf32> to vector<1xf32>
        %squeeze3A_2127 = vector.extract %slice3A_2126[0] : f32 from vector<1xf32>
        %mul3A_2128 = arith.constant 16 : i32
        %mul3A_2129 = arith.muli %scan3A_171, %mul3A_2128 : i32
        %add3A_2130 = arith.constant 15 : i32
        %add3A_2131 = arith.addi %mul3A_2129, %add3A_2130 : i32
        %get3A_2132 = arith.index_cast %add3A_2131 : i32 to index
        %get3A_2133 = arith.constant 0 : index
        %get3A_2134 = tpu.vector_load %arg10[%get3A_2132, %get3A_2133] {strides = array<i32>} : memref<128x128xf32, #tpu.memory_space<vmem>>, vector<16xf32>,
        %mul3A_2135 = vector.broadcast %squeeze3A_2127 : f32 to vector<16xf32>
        %mul3A_2136 = arith.mulf %get3A_2134, %mul3A_2135 : vector<16xf32>
        %mul3A_2137 = arith.constant 16 : i32
        %mul3A_2138 = arith.muli %scan3A_171, %mul3A_2137 : i32
        %add3A_2139 = arith.constant 15 : i32
        %add3A_2140 = arith.addi %mul3A_2138, %add3A_2139 : i32
        %swap3A_2141 = arith.index_cast %add3A_2140 : i32 to index
        %swap3A_2142 = arith.constant 0 : index
        %swap3A_2143 = tpu.vector_load %arg10[%swap3A_2141, %swap3A_2142] {strides = array<i32>} : memref<128x128xf32, #tpu.memory_space<vmem>>, vector<16xf32>,
        tpu.vector_store %arg10[%swap3A_2141, %swap3A_2142], %mul3A_2136 {strides = array<i32>} : memref<128x128xf32, #tpu.memory_space<vmem>>, vector<16xf32>,
        %mul3A_2144 = arith.constant 16 : i32
        %mul3A_2145 = arith.muli %scan3A_171, %mul3A_2144 : i32
        %add3A_2146 = arith.constant 15 : i32
        %add3A_2147 = arith.addi %mul3A_2145, %add3A_2146 : i32
        %get3A_2148 = arith.index_cast %add3A_2147 : i32 to index
        %get3A_2149 = arith.constant 16 : index
        %get3A_2150 = tpu.vector_load %arg10[%get3A_2148, %get3A_2149] {strides = array<i32>} : memref<128x128xf32, #tpu.memory_space<vmem>>, vector<16xf32>,
        %mul3A_2151 = vector.broadcast %squeeze3A_2127 : f32 to vector<16xf32>
        %mul3A_2152 = arith.mulf %get3A_2150, %mul3A_2151 : vector<16xf32>
        %mul3A_2153 = arith.constant 16 : i32
        %mul3A_2154 = arith.muli %scan3A_171, %mul3A_2153 : i32
        %add3A_2155 = arith.constant 15 : i32
        %add3A_2156 = arith.addi %mul3A_2154, %add3A_2155 : i32
        %swap3A_2157 = arith.index_cast %add3A_2156 : i32 to index
        %swap3A_2158 = arith.constant 16 : index
        %swap3A_2159 = tpu.vector_load %arg10[%swap3A_2157, %swap3A_2158] {strides = array<i32>} : memref<128x128xf32, #tpu.memory_space<vmem>>, vector<16xf32>,
        tpu.vector_store %arg10[%swap3A_2157, %swap3A_2158], %mul3A_2152 {strides = array<i32>} : memref<128x128xf32, #tpu.memory_space<vmem>>, vector<16xf32>,
        %mul3A_2160 = arith.constant 16 : i32
        %mul3A_2161 = arith.muli %scan3A_171, %mul3A_2160 : i32
        %add3A_2162 = arith.constant 15 : i32
        %add3A_2163 = arith.addi %mul3A_2161, %add3A_2162 : i32
        %get3A_2164 = arith.index_cast %add3A_2163 : i32 to index
        %get3A_2165 = arith.constant 32 : index
        %get3A_2166 = tpu.vector_load %arg10[%get3A_2164, %get3A_2165] {strides = array<i32>} : memref<128x128xf32, #tpu.memory_space<vmem>>, vector<16xf32>,
        %mul3A_2167 = vector.broadcast %squeeze3A_2127 : f32 to vector<16xf32>
        %mul3A_2168 = arith.mulf %get3A_2166, %mul3A_2167 : vector<16xf32>
        %mul3A_2169 = arith.constant 16 : i32
        %mul3A_2170 = arith.muli %scan3A_171, %mul3A_2169 : i32
        %add3A_2171 = arith.constant 15 : i32
        %add3A_2172 = arith.addi %mul3A_2170, %add3A_2171 : i32
        %swap3A_2173 = arith.index_cast %add3A_2172 : i32 to index
        %swap3A_2174 = arith.constant 32 : index
        %swap3A_2175 = tpu.vector_load %arg10[%swap3A_2173, %swap3A_2174] {strides = array<i32>} : memref<128x128xf32, #tpu.memory_space<vmem>>, vector<16xf32>,
        tpu.vector_store %arg10[%swap3A_2173, %swap3A_2174], %mul3A_2168 {strides = array<i32>} : memref<128x128xf32, #tpu.memory_space<vmem>>, vector<16xf32>,
        %mul3A_2176 = arith.constant 16 : i32
        %mul3A_2177 = arith.muli %scan3A_171, %mul3A_2176 : i32
        %add3A_2178 = arith.constant 15 : i32
        %add3A_2179 = arith.addi %mul3A_2177, %add3A_2178 : i32
        %get3A_2180 = arith.index_cast %add3A_2179 : i32 to index
        %get3A_2181 = arith.constant 48 : index
        %get3A_2182 = tpu.vector_load %arg10[%get3A_2180, %get3A_2181] {strides = array<i32>} : memref<128x128xf32, #tpu.memory_space<vmem>>, vector<16xf32>,
        %mul3A_2183 = vector.broadcast %squeeze3A_2127 : f32 to vector<16xf32>
        %mul3A_2184 = arith.mulf %get3A_2182, %mul3A_2183 : vector<16xf32>
        %mul3A_2185 = arith.constant 16 : i32
        %mul3A_2186 = arith.muli %scan3A_171, %mul3A_2185 : i32
        %add3A_2187 = arith.constant 15 : i32
        %add3A_2188 = arith.addi %mul3A_2186, %add3A_2187 : i32
        %swap3A_2189 = arith.index_cast %add3A_2188 : i32 to index
        %swap3A_2190 = arith.constant 48 : index
        %swap3A_2191 = tpu.vector_load %arg10[%swap3A_2189, %swap3A_2190] {strides = array<i32>} : memref<128x128xf32, #tpu.memory_space<vmem>>, vector<16xf32>,
        tpu.vector_store %arg10[%swap3A_2189, %swap3A_2190], %mul3A_2184 {strides = array<i32>} : memref<128x128xf32, #tpu.memory_space<vmem>>, vector<16xf32>,
        %mul3A_2192 = arith.constant 16 : i32
        %mul3A_2193 = arith.muli %scan3A_171, %mul3A_2192 : i32
        %add3A_2194 = arith.constant 15 : i32
        %add3A_2195 = arith.addi %mul3A_2193, %add3A_2194 : i32
        %get3A_2196 = arith.index_cast %add3A_2195 : i32 to index
        %get3A_2197 = arith.constant 64 : index
        %get3A_2198 = tpu.vector_load %arg10[%get3A_2196, %get3A_2197] {strides = array<i32>} : memref<128x128xf32, #tpu.memory_space<vmem>>, vector<16xf32>,
        %mul3A_2199 = vector.broadcast %squeeze3A_2127 : f32 to vector<16xf32>
        %mul3A_2200 = arith.mulf %get3A_2198, %mul3A_2199 : vector<16xf32>
        %mul3A_2201 = arith.constant 16 : i32
        %mul3A_2202 = arith.muli %scan3A_171, %mul3A_2201 : i32
        %add3A_2203 = arith.constant 15 : i32
        %add3A_2204 = arith.addi %mul3A_2202, %add3A_2203 : i32
        %swap3A_2205 = arith.index_cast %add3A_2204 : i32 to index
        %swap3A_2206 = arith.constant 64 : index
        %swap3A_2207 = tpu.vector_load %arg10[%swap3A_2205, %swap3A_2206] {strides = array<i32>} : memref<128x128xf32, #tpu.memory_space<vmem>>, vector<16xf32>,
        tpu.vector_store %arg10[%swap3A_2205, %swap3A_2206], %mul3A_2200 {strides = array<i32>} : memref<128x128xf32, #tpu.memory_space<vmem>>, vector<16xf32>,
        %mul3A_2208 = arith.constant 16 : i32
        %mul3A_2209 = arith.muli %scan3A_171, %mul3A_2208 : i32
        %add3A_2210 = arith.constant 15 : i32
        %add3A_2211 = arith.addi %mul3A_2209, %add3A_2210 : i32
        %get3A_2212 = arith.index_cast %add3A_2211 : i32 to index
        %get3A_2213 = arith.constant 80 : index
        %get3A_2214 = tpu.vector_load %arg10[%get3A_2212, %get3A_2213] {strides = array<i32>} : memref<128x128xf32, #tpu.memory_space<vmem>>, vector<16xf32>,
        %mul3A_2215 = vector.broadcast %squeeze3A_2127 : f32 to vector<16xf32>
        %mul3A_2216 = arith.mulf %get3A_2214, %mul3A_2215 : vector<16xf32>
        %mul3A_2217 = arith.constant 16 : i32
        %mul3A_2218 = arith.muli %scan3A_171, %mul3A_2217 : i32
        %add3A_2219 = arith.constant 15 : i32
        %add3A_2220 = arith.addi %mul3A_2218, %add3A_2219 : i32
        %swap3A_2221 = arith.index_cast %add3A_2220 : i32 to index
        %swap3A_2222 = arith.constant 80 : index
        %swap3A_2223 = tpu.vector_load %arg10[%swap3A_2221, %swap3A_2222] {strides = array<i32>} : memref<128x128xf32, #tpu.memory_space<vmem>>, vector<16xf32>,
        tpu.vector_store %arg10[%swap3A_2221, %swap3A_2222], %mul3A_2216 {strides = array<i32>} : memref<128x128xf32, #tpu.memory_space<vmem>>, vector<16xf32>,
        %mul3A_2224 = arith.constant 16 : i32
        %mul3A_2225 = arith.muli %scan3A_171, %mul3A_2224 : i32
        %add3A_2226 = arith.constant 15 : i32
        %add3A_2227 = arith.addi %mul3A_2225, %add3A_2226 : i32
        %get3A_2228 = arith.index_cast %add3A_2227 : i32 to index
        %get3A_2229 = arith.constant 96 : index
        %get3A_2230 = tpu.vector_load %arg10[%get3A_2228, %get3A_2229] {strides = array<i32>} : memref<128x128xf32, #tpu.memory_space<vmem>>, vector<16xf32>,
        %mul3A_2231 = vector.broadcast %squeeze3A_2127 : f32 to vector<16xf32>
        %mul3A_2232 = arith.mulf %get3A_2230, %mul3A_2231 : vector<16xf32>
        %mul3A_2233 = arith.constant 16 : i32
        %mul3A_2234 = arith.muli %scan3A_171, %mul3A_2233 : i32
        %add3A_2235 = arith.constant 15 : i32
        %add3A_2236 = arith.addi %mul3A_2234, %add3A_2235 : i32
        %swap3A_2237 = arith.index_cast %add3A_2236 : i32 to index
        %swap3A_2238 = arith.constant 96 : index
        %swap3A_2239 = tpu.vector_load %arg10[%swap3A_2237, %swap3A_2238] {strides = array<i32>} : memref<128x128xf32, #tpu.memory_space<vmem>>, vector<16xf32>,
        tpu.vector_store %arg10[%swap3A_2237, %swap3A_2238], %mul3A_2232 {strides = array<i32>} : memref<128x128xf32, #tpu.memory_space<vmem>>, vector<16xf32>,
        %mul3A_2240 = arith.constant 16 : i32
        %mul3A_2241 = arith.muli %scan3A_171, %mul3A_2240 : i32
        %add3A_2242 = arith.constant 15 : i32
        %add3A_2243 = arith.addi %mul3A_2241, %add3A_2242 : i32
        %get3A_2244 = arith.index_cast %add3A_2243 : i32 to index
        %get3A_2245 = arith.constant 112 : index
        %get3A_2246 = tpu.vector_load %arg10[%get3A_2244, %get3A_2245] {strides = array<i32>} : memref<128x128xf32, #tpu.memory_space<vmem>>, vector<16xf32>,
        %mul3A_2247 = vector.broadcast %squeeze3A_2127 : f32 to vector<16xf32>
        %mul3A_2248 = arith.mulf %get3A_2246, %mul3A_2247 : vector<16xf32>
        %mul3A_2249 = arith.constant 16 : i32
        %mul3A_2250 = arith.muli %scan3A_171, %mul3A_2249 : i32
        %add3A_2251 = arith.constant 15 : i32
        %add3A_2252 = arith.addi %mul3A_2250, %add3A_2251 : i32
        %swap3A_2253 = arith.index_cast %add3A_2252 : i32 to index
        %swap3A_2254 = arith.constant 112 : index
        %swap3A_2255 = tpu.vector_load %arg10[%swap3A_2253, %swap3A_2254] {strides = array<i32>} : memref<128x128xf32, #tpu.memory_space<vmem>>, vector<16xf32>,
        tpu.vector_store %arg10[%swap3A_2253, %swap3A_2254], %mul3A_2248 {strides = array<i32>} : memref<128x128xf32, #tpu.memory_space<vmem>>, vector<16xf32>,
        %scan3A_2256 = arith.constant 0 : i32
        scf.yield %scan3A_2256 : i32
      }
      %scan3A_169 = arith.constant 8 : i32
      "tpu.region"() ({
        %run_scoped3A = tpu.sem_alloc : memref<!tpu.dma_semaphore, #tpu.memory_space<semaphore_mem>>
        %dma_start3A_171 = arith.constant 0 : i32
        %dma_start3A_172 = tpu.memref_slice %arg8[%scan3A_151, %dma_start3A_171] : memref<79x128xi32, #tpu.memory_space<vmem>> -> memref<1x128xi32, #tpu.memory_space<vmem>>
        %dma_start3A_173 = tpu.memref_squeeze %dma_start3A_172 : memref<1x128xi32, #tpu.memory_space<vmem>> -> memref<128xi32, #tpu.memory_space<vmem>>
        %dma_start3A_174 = arith.constant 0 : i32
        %dma_start3A_175 = arith.constant 0 : i32
        %dma_start3A_176 = tpu.memref_slice %arg11[%dma_start3A_174, %dma_start3A_175] : memref<10000x128xf32, #tpu.memory_space<vmem_shared>> -> memref<10000x128xf32, #tpu.memory_space<vmem_shared>>
        tpu.enqueue_indirect_dma source(%arg10 : memref<128x128xf32, #tpu.memory_space<vmem>>) target(%dma_start3A_176 : memref<10000x128xf32, #tpu.memory_space<vmem_shared>>) offsets(%dma_start3A_173 : memref<128xi32, #tpu.memory_space<vmem>>) semaphore(%run_scoped3A : memref<!tpu.dma_semaphore, #tpu.memory_space<semaphore_mem>>) {add = true}
        %dma_wait3A_177 = arith.constant 0 : i32
        %dma_wait3A_178 = tpu.memref_slice %arg8[%scan3A_151, %dma_wait3A_177] : memref<79x128xi32, #tpu.memory_space<vmem>> -> memref<1x128xi32, #tpu.memory_space<vmem>>
        %dma_wait3A_179 = tpu.memref_squeeze %dma_wait3A_178 : memref<1x128xi32, #tpu.memory_space<vmem>> -> memref<128xi32, #tpu.memory_space<vmem>>
        %dma_wait3A_180 = arith.constant 0 : i32
        %dma_wait3A_181 = arith.constant 0 : i32
        %dma_wait3A_182 = tpu.memref_slice %arg11[%dma_wait3A_180, %dma_wait3A_181] : memref<10000x128xf32, #tpu.memory_space<vmem_shared>> -> memref<10000x128xf32, #tpu.memory_space<vmem_shared>>
        tpu.wait_indirect_dma semaphore(%run_scoped3A : memref<!tpu.dma_semaphore, #tpu.memory_space<semaphore_mem>>) src(%arg10 : memref<128x128xf32, #tpu.memory_space<vmem>>) dst(%dma_wait3A_182 : memref<10000x128xf32, #tpu.memory_space<vmem_shared>>)
        tpu.yield
      }) : () -> ()
      %scan3A_170 = arith.constant 0 : i32
      scf.yield %scan3A_170 : i32
    }
    %scan3A_79 = arith.constant 79 : i32
    %barrier3A_80 = arith.constant 0 : index
    tpu.barrier barrier_id(%barrier3A_80)
    %mul3A_81 = arith.constant 5 : i32
    %mul3A_82 = arith.muli %arg1, %mul3A_81 : i32
    %add3A_83 = arith.constant 0 : i32
    %add3A_84 = arith.addi %mul3A_82, %add3A_83 : i32
    %lt3A_85 = arith.constant 78 : i32
    %lt3A_86 = arith.cmpi slt, %add3A_84, %lt3A_85 : i32
    %convert_element_type3A_87 = arith.extui %lt3A_86 : i1 to i32
    %cond3A_88 = arith.constant 0 : i32
    %cond3A_89 = arith.cmpi ne, %convert_element_type3A_87, %cond3A_88 : i32
    scf.if %cond3A_89 {
      %mul3A_151 = arith.constant 128 : i32
      %mul3A_152 = arith.muli %add3A_84, %mul3A_151 : i32
      %mul3A_153 = arith.constant 128 : i32
      %mul3A_154 = arith.muli %add3A_84, %mul3A_153 : i32
      "tpu.region"() ({
        %run_scoped3A = tpu.sem_alloc : memref<!tpu.dma_semaphore, #tpu.memory_space<semaphore_mem>>
        %dma_start3A = arith.constant 0 : i32
        %dma_start3A_155 = tpu.memref_slice %arg6[%arg0, %mul3A_154, %dma_start3A] : memref<2x10000x128xf32, #tpu.memory_space<hbm>> -> memref<1x128x128xf32, #tpu.memory_space<hbm>>
        %dma_start3A_156 = tpu.memref_squeeze %dma_start3A_155 : memref<1x128x128xf32, #tpu.memory_space<hbm>> -> memref<128x128xf32, #tpu.memory_space<hbm>>
        %dma_start3A_157 = arith.constant 0 : i32
        %dma_start3A_158 = tpu.memref_slice %arg11[%mul3A_152, %dma_start3A_157] : memref<10000x128xf32, #tpu.memory_space<vmem_shared>> -> memref<128x128xf32, #tpu.memory_space<vmem_shared>>
        tpu.enqueue_dma source(%dma_start3A_158 : memref<128x128xf32, #tpu.memory_space<vmem_shared>>) target(%dma_start3A_156 : memref<128x128xf32, #tpu.memory_space<hbm>>) target_semaphore(%run_scoped3A : memref<!tpu.dma_semaphore, #tpu.memory_space<semaphore_mem>>)
        %dma_wait3A = arith.constant 0 : i32
        %dma_wait3A_159 = tpu.memref_slice %arg6[%arg0, %mul3A_154, %dma_wait3A] : memref<2x10000x128xf32, #tpu.memory_space<hbm>> -> memref<1x128x128xf32, #tpu.memory_space<hbm>>
        %dma_wait3A_160 = tpu.memref_squeeze %dma_wait3A_159 : memref<1x128x128xf32, #tpu.memory_space<hbm>> -> memref<128x128xf32, #tpu.memory_space<hbm>>
        %dma_wait3A_161 = arith.constant 0 : i32
        %dma_wait3A_162 = tpu.memref_slice %arg11[%mul3A_152, %dma_wait3A_161] : memref<10000x128xf32, #tpu.memory_space<vmem_shared>> -> memref<128x128xf32, #tpu.memory_space<vmem_shared>>
        tpu.wait_dma2 semaphore(%run_scoped3A : memref<!tpu.dma_semaphore, #tpu.memory_space<semaphore_mem>>) src(%dma_wait3A_162 : memref<128x128xf32, #tpu.memory_space<vmem_shared>>) dst(%dma_wait3A_160 : memref<128x128xf32, #tpu.memory_space<hbm>>)
        tpu.yield
      }) : () -> ()
    } else {
    }
    %eq3A_90 = arith.constant 78 : i32
    %eq3A_91 = arith.cmpi eq, %add3A_84, %eq3A_90 : i32
    %convert_element_type3A_92 = arith.extui %eq3A_91 : i1 to i32
    %cond3A_93 = arith.constant 0 : i32
    %cond3A_94 = arith.cmpi ne, %convert_element_type3A_92, %cond3A_93 : i32
    scf.if %cond3A_94 {
      "tpu.region"() ({
        %run_scoped3A = tpu.sem_alloc : memref<!tpu.dma_semaphore, #tpu.memory_space<semaphore_mem>>
        %dma_start3A = arith.constant 9984 : i32
        %dma_start3A_151 = arith.constant 0 : i32
        %dma_start3A_152 = tpu.memref_slice %arg6[%arg0, %dma_start3A, %dma_start3A_151] : memref<2x10000x128xf32, #tpu.memory_space<hbm>> -> memref<1x16x128xf32, #tpu.memory_space<hbm>>
        %dma_start3A_153 = tpu.memref_squeeze %dma_start3A_152 : memref<1x16x128xf32, #tpu.memory_space<hbm>> -> memref<16x128xf32, #tpu.memory_space<hbm>>
        %dma_start3A_154 = arith.constant 9984 : i32
        %dma_start3A_155 = arith.constant 0 : i32
        %dma_start3A_156 = tpu.memref_slice %arg11[%dma_start3A_154, %dma_start3A_155] : memref<10000x128xf32, #tpu.memory_space<vmem_shared>> -> memref<16x128xf32, #tpu.memory_space<vmem_shared>>
        tpu.enqueue_dma source(%dma_start3A_156 : memref<16x128xf32, #tpu.memory_space<vmem_shared>>) target(%dma_start3A_153 : memref<16x128xf32, #tpu.memory_space<hbm>>) target_semaphore(%run_scoped3A : memref<!tpu.dma_semaphore, #tpu.memory_space<semaphore_mem>>)
        %dma_wait3A = arith.constant 9984 : i32
        %dma_wait3A_157 = arith.constant 0 : i32
        %dma_wait3A_158 = tpu.memref_slice %arg6[%arg0, %dma_wait3A, %dma_wait3A_157] : memref<2x10000x128xf32, #tpu.memory_space<hbm>> -> memref<1x16x128xf32, #tpu.memory_space<hbm>>
        %dma_wait3A_159 = tpu.memref_squeeze %dma_wait3A_158 : memref<1x16x128xf32, #tpu.memory_space<hbm>> -> memref<16x128xf32, #tpu.memory_space<hbm>>
        %dma_wait3A_160 = arith.constant 9984 : i32
        %dma_wait3A_161 = arith.constant 0 : i32
        %dma_wait3A_162 = tpu.memref_slice %arg11[%dma_wait3A_160, %dma_wait3A_161] : memref<10000x128xf32, #tpu.memory_space<vmem_shared>> -> memref<16x128xf32, #tpu.memory_space<vmem_shared>>
        tpu.wait_dma2 semaphore(%run_scoped3A : memref<!tpu.dma_semaphore, #tpu.memory_space<semaphore_mem>>) src(%dma_wait3A_162 : memref<16x128xf32, #tpu.memory_space<vmem_shared>>) dst(%dma_wait3A_159 : memref<16x128xf32, #tpu.memory_space<hbm>>)
        tpu.yield
      }) : () -> ()
    } else {
    }
    %mul3A_95 = arith.constant 5 : i32
    %mul3A_96 = arith.muli %arg1, %mul3A_95 : i32
    %add3A_97 = arith.constant 1 : i32
    %add3A_98 = arith.addi %mul3A_96, %add3A_97 : i32
    %lt3A_99 = arith.constant 78 : i32
    %lt3A_100 = arith.cmpi slt, %add3A_98, %lt3A_99 : i32
    %convert_element_type3A_101 = arith.extui %lt3A_100 : i1 to i32
    %cond3A_102 = arith.constant 0 : i32
    %cond3A_103 = arith.cmpi ne, %convert_element_type3A_101, %cond3A_102 : i32
    scf.if %cond3A_103 {
      %mul3A_151 = arith.constant 128 : i32
      %mul3A_152 = arith.muli %add3A_98, %mul3A_151 : i32
      %mul3A_153 = arith.constant 128 : i32
      %mul3A_154 = arith.muli %add3A_98, %mul3A_153 : i32
      "tpu.region"() ({
        %run_scoped3A = tpu.sem_alloc : memref<!tpu.dma_semaphore, #tpu.memory_space<semaphore_mem>>
        %dma_start3A = arith.constant 0 : i32
        %dma_start3A_155 = tpu.memref_slice %arg6[%arg0, %mul3A_154, %dma_start3A] : memref<2x10000x128xf32, #tpu.memory_space<hbm>> -> memref<1x128x128xf32, #tpu.memory_space<hbm>>
        %dma_start3A_156 = tpu.memref_squeeze %dma_start3A_155 : memref<1x128x128xf32, #tpu.memory_space<hbm>> -> memref<128x128xf32, #tpu.memory_space<hbm>>
        %dma_start3A_157 = arith.constant 0 : i32
        %dma_start3A_158 = tpu.memref_slice %arg11[%mul3A_152, %dma_start3A_157] : memref<10000x128xf32, #tpu.memory_space<vmem_shared>> -> memref<128x128xf32, #tpu.memory_space<vmem_shared>>
        tpu.enqueue_dma source(%dma_start3A_158 : memref<128x128xf32, #tpu.memory_space<vmem_shared>>) target(%dma_start3A_156 : memref<128x128xf32, #tpu.memory_space<hbm>>) target_semaphore(%run_scoped3A : memref<!tpu.dma_semaphore, #tpu.memory_space<semaphore_mem>>)
        %dma_wait3A = arith.constant 0 : i32
        %dma_wait3A_159 = tpu.memref_slice %arg6[%arg0, %mul3A_154, %dma_wait3A] : memref<2x10000x128xf32, #tpu.memory_space<hbm>> -> memref<1x128x128xf32, #tpu.memory_space<hbm>>
        %dma_wait3A_160 = tpu.memref_squeeze %dma_wait3A_159 : memref<1x128x128xf32, #tpu.memory_space<hbm>> -> memref<128x128xf32, #tpu.memory_space<hbm>>
        %dma_wait3A_161 = arith.constant 0 : i32
        %dma_wait3A_162 = tpu.memref_slice %arg11[%mul3A_152, %dma_wait3A_161] : memref<10000x128xf32, #tpu.memory_space<vmem_shared>> -> memref<128x128xf32, #tpu.memory_space<vmem_shared>>
        tpu.wait_dma2 semaphore(%run_scoped3A : memref<!tpu.dma_semaphore, #tpu.memory_space<semaphore_mem>>) src(%dma_wait3A_162 : memref<128x128xf32, #tpu.memory_space<vmem_shared>>) dst(%dma_wait3A_160 : memref<128x128xf32, #tpu.memory_space<hbm>>)
        tpu.yield
      }) : () -> ()
    } else {
    }
    %eq3A_104 = arith.constant 78 : i32
    %eq3A_105 = arith.cmpi eq, %add3A_98, %eq3A_104 : i32
    %convert_element_type3A_106 = arith.extui %eq3A_105 : i1 to i32
    %cond3A_107 = arith.constant 0 : i32
    %cond3A_108 = arith.cmpi ne, %convert_element_type3A_106, %cond3A_107 : i32
    scf.if %cond3A_108 {
      "tpu.region"() ({
        %run_scoped3A = tpu.sem_alloc : memref<!tpu.dma_semaphore, #tpu.memory_space<semaphore_mem>>
        %dma_start3A = arith.constant 9984 : i32
        %dma_start3A_151 = arith.constant 0 : i32
        %dma_start3A_152 = tpu.memref_slice %arg6[%arg0, %dma_start3A, %dma_start3A_151] : memref<2x10000x128xf32, #tpu.memory_space<hbm>> -> memref<1x16x128xf32, #tpu.memory_space<hbm>>
        %dma_start3A_153 = tpu.memref_squeeze %dma_start3A_152 : memref<1x16x128xf32, #tpu.memory_space<hbm>> -> memref<16x128xf32, #tpu.memory_space<hbm>>
        %dma_start3A_154 = arith.constant 9984 : i32
        %dma_start3A_155 = arith.constant 0 : i32
        %dma_start3A_156 = tpu.memref_slice %arg11[%dma_start3A_154, %dma_start3A_155] : memref<10000x128xf32, #tpu.memory_space<vmem_shared>> -> memref<16x128xf32, #tpu.memory_space<vmem_shared>>
        tpu.enqueue_dma source(%dma_start3A_156 : memref<16x128xf32, #tpu.memory_space<vmem_shared>>) target(%dma_start3A_153 : memref<16x128xf32, #tpu.memory_space<hbm>>) target_semaphore(%run_scoped3A : memref<!tpu.dma_semaphore, #tpu.memory_space<semaphore_mem>>)
        %dma_wait3A = arith.constant 9984 : i32
        %dma_wait3A_157 = arith.constant 0 : i32
        %dma_wait3A_158 = tpu.memref_slice %arg6[%arg0, %dma_wait3A, %dma_wait3A_157] : memref<2x10000x128xf32, #tpu.memory_space<hbm>> -> memref<1x16x128xf32, #tpu.memory_space<hbm>>
        %dma_wait3A_159 = tpu.memref_squeeze %dma_wait3A_158 : memref<1x16x128xf32, #tpu.memory_space<hbm>> -> memref<16x128xf32, #tpu.memory_space<hbm>>
        %dma_wait3A_160 = arith.constant 9984 : i32
        %dma_wait3A_161 = arith.constant 0 : i32
        %dma_wait3A_162 = tpu.memref_slice %arg11[%dma_wait3A_160, %dma_wait3A_161] : memref<10000x128xf32, #tpu.memory_space<vmem_shared>> -> memref<16x128xf32, #tpu.memory_space<vmem_shared>>
        tpu.wait_dma2 semaphore(%run_scoped3A : memref<!tpu.dma_semaphore, #tpu.memory_space<semaphore_mem>>) src(%dma_wait3A_162 : memref<16x128xf32, #tpu.memory_space<vmem_shared>>) dst(%dma_wait3A_159 : memref<16x128xf32, #tpu.memory_space<hbm>>)
        tpu.yield
      }) : () -> ()
    } else {
    }
    %mul3A_109 = arith.constant 5 : i32
    %mul3A_110 = arith.muli %arg1, %mul3A_109 : i32
    %add3A_111 = arith.constant 2 : i32
    %add3A_112 = arith.addi %mul3A_110, %add3A_111 : i32
    %lt3A_113 = arith.constant 78 : i32
    %lt3A_114 = arith.cmpi slt, %add3A_112, %lt3A_113 : i32
    %convert_element_type3A_115 = arith.extui %lt3A_114 : i1 to i32
    %cond3A_116 = arith.constant 0 : i32
    %cond3A_117 = arith.cmpi ne, %convert_element_type3A_115, %cond3A_116 : i32
    scf.if %cond3A_117 {
      %mul3A_151 = arith.constant 128 : i32
      %mul3A_152 = arith.muli %add3A_112, %mul3A_151 : i32
      %mul3A_153 = arith.constant 128 : i32
      %mul3A_154 = arith.muli %add3A_112, %mul3A_153 : i32
      "tpu.region"() ({
        %run_scoped3A = tpu.sem_alloc : memref<!tpu.dma_semaphore, #tpu.memory_space<semaphore_mem>>
        %dma_start3A = arith.constant 0 : i32
        %dma_start3A_155 = tpu.memref_slice %arg6[%arg0, %mul3A_154, %dma_start3A] : memref<2x10000x128xf32, #tpu.memory_space<hbm>> -> memref<1x128x128xf32, #tpu.memory_space<hbm>>
        %dma_start3A_156 = tpu.memref_squeeze %dma_start3A_155 : memref<1x128x128xf32, #tpu.memory_space<hbm>> -> memref<128x128xf32, #tpu.memory_space<hbm>>
        %dma_start3A_157 = arith.constant 0 : i32
        %dma_start3A_158 = tpu.memref_slice %arg11[%mul3A_152, %dma_start3A_157] : memref<10000x128xf32, #tpu.memory_space<vmem_shared>> -> memref<128x128xf32, #tpu.memory_space<vmem_shared>>
        tpu.enqueue_dma source(%dma_start3A_158 : memref<128x128xf32, #tpu.memory_space<vmem_shared>>) target(%dma_start3A_156 : memref<128x128xf32, #tpu.memory_space<hbm>>) target_semaphore(%run_scoped3A : memref<!tpu.dma_semaphore, #tpu.memory_space<semaphore_mem>>)
        %dma_wait3A = arith.constant 0 : i32
        %dma_wait3A_159 = tpu.memref_slice %arg6[%arg0, %mul3A_154, %dma_wait3A] : memref<2x10000x128xf32, #tpu.memory_space<hbm>> -> memref<1x128x128xf32, #tpu.memory_space<hbm>>
        %dma_wait3A_160 = tpu.memref_squeeze %dma_wait3A_159 : memref<1x128x128xf32, #tpu.memory_space<hbm>> -> memref<128x128xf32, #tpu.memory_space<hbm>>
        %dma_wait3A_161 = arith.constant 0 : i32
        %dma_wait3A_162 = tpu.memref_slice %arg11[%mul3A_152, %dma_wait3A_161] : memref<10000x128xf32, #tpu.memory_space<vmem_shared>> -> memref<128x128xf32, #tpu.memory_space<vmem_shared>>
        tpu.wait_dma2 semaphore(%run_scoped3A : memref<!tpu.dma_semaphore, #tpu.memory_space<semaphore_mem>>) src(%dma_wait3A_162 : memref<128x128xf32, #tpu.memory_space<vmem_shared>>) dst(%dma_wait3A_160 : memref<128x128xf32, #tpu.memory_space<hbm>>)
        tpu.yield
      }) : () -> ()
    } else {
    }
    %eq3A_118 = arith.constant 78 : i32
    %eq3A_119 = arith.cmpi eq, %add3A_112, %eq3A_118 : i32
    %convert_element_type3A_120 = arith.extui %eq3A_119 : i1 to i32
    %cond3A_121 = arith.constant 0 : i32
    %cond3A_122 = arith.cmpi ne, %convert_element_type3A_120, %cond3A_121 : i32
    scf.if %cond3A_122 {
      "tpu.region"() ({
        %run_scoped3A = tpu.sem_alloc : memref<!tpu.dma_semaphore, #tpu.memory_space<semaphore_mem>>
        %dma_start3A = arith.constant 9984 : i32
        %dma_start3A_151 = arith.constant 0 : i32
        %dma_start3A_152 = tpu.memref_slice %arg6[%arg0, %dma_start3A, %dma_start3A_151] : memref<2x10000x128xf32, #tpu.memory_space<hbm>> -> memref<1x16x128xf32, #tpu.memory_space<hbm>>
        %dma_start3A_153 = tpu.memref_squeeze %dma_start3A_152 : memref<1x16x128xf32, #tpu.memory_space<hbm>> -> memref<16x128xf32, #tpu.memory_space<hbm>>
        %dma_start3A_154 = arith.constant 9984 : i32
        %dma_start3A_155 = arith.constant 0 : i32
        %dma_start3A_156 = tpu.memref_slice %arg11[%dma_start3A_154, %dma_start3A_155] : memref<10000x128xf32, #tpu.memory_space<vmem_shared>> -> memref<16x128xf32, #tpu.memory_space<vmem_shared>>
        tpu.enqueue_dma source(%dma_start3A_156 : memref<16x128xf32, #tpu.memory_space<vmem_shared>>) target(%dma_start3A_153 : memref<16x128xf32, #tpu.memory_space<hbm>>) target_semaphore(%run_scoped3A : memref<!tpu.dma_semaphore, #tpu.memory_space<semaphore_mem>>)
        %dma_wait3A = arith.constant 9984 : i32
        %dma_wait3A_157 = arith.constant 0 : i32
        %dma_wait3A_158 = tpu.memref_slice %arg6[%arg0, %dma_wait3A, %dma_wait3A_157] : memref<2x10000x128xf32, #tpu.memory_space<hbm>> -> memref<1x16x128xf32, #tpu.memory_space<hbm>>
        %dma_wait3A_159 = tpu.memref_squeeze %dma_wait3A_158 : memref<1x16x128xf32, #tpu.memory_space<hbm>> -> memref<16x128xf32, #tpu.memory_space<hbm>>
        %dma_wait3A_160 = arith.constant 9984 : i32
        %dma_wait3A_161 = arith.constant 0 : i32
        %dma_wait3A_162 = tpu.memref_slice %arg11[%dma_wait3A_160, %dma_wait3A_161] : memref<10000x128xf32, #tpu.memory_space<vmem_shared>> -> memref<16x128xf32, #tpu.memory_space<vmem_shared>>
        tpu.wait_dma2 semaphore(%run_scoped3A : memref<!tpu.dma_semaphore, #tpu.memory_space<semaphore_mem>>) src(%dma_wait3A_162 : memref<16x128xf32, #tpu.memory_space<vmem_shared>>) dst(%dma_wait3A_159 : memref<16x128xf32, #tpu.memory_space<hbm>>)
        tpu.yield
      }) : () -> ()
    } else {
    }
    %mul3A_123 = arith.constant 5 : i32
    %mul3A_124 = arith.muli %arg1, %mul3A_123 : i32
    %add3A_125 = arith.constant 3 : i32
    %add3A_126 = arith.addi %mul3A_124, %add3A_125 : i32
    %lt3A_127 = arith.constant 78 : i32
    %lt3A_128 = arith.cmpi slt, %add3A_126, %lt3A_127 : i32
    %convert_element_type3A_129 = arith.extui %lt3A_128 : i1 to i32
    %cond3A_130 = arith.constant 0 : i32
    %cond3A_131 = arith.cmpi ne, %convert_element_type3A_129, %cond3A_130 : i32
    scf.if %cond3A_131 {
      %mul3A_151 = arith.constant 128 : i32
      %mul3A_152 = arith.muli %add3A_126, %mul3A_151 : i32
      %mul3A_153 = arith.constant 128 : i32
      %mul3A_154 = arith.muli %add3A_126, %mul3A_153 : i32
      "tpu.region"() ({
        %run_scoped3A = tpu.sem_alloc : memref<!tpu.dma_semaphore, #tpu.memory_space<semaphore_mem>>
        %dma_start3A = arith.constant 0 : i32
        %dma_start3A_155 = tpu.memref_slice %arg6[%arg0, %mul3A_154, %dma_start3A] : memref<2x10000x128xf32, #tpu.memory_space<hbm>> -> memref<1x128x128xf32, #tpu.memory_space<hbm>>
        %dma_start3A_156 = tpu.memref_squeeze %dma_start3A_155 : memref<1x128x128xf32, #tpu.memory_space<hbm>> -> memref<128x128xf32, #tpu.memory_space<hbm>>
        %dma_start3A_157 = arith.constant 0 : i32
        %dma_start3A_158 = tpu.memref_slice %arg11[%mul3A_152, %dma_start3A_157] : memref<10000x128xf32, #tpu.memory_space<vmem_shared>> -> memref<128x128xf32, #tpu.memory_space<vmem_shared>>
        tpu.enqueue_dma source(%dma_start3A_158 : memref<128x128xf32, #tpu.memory_space<vmem_shared>>) target(%dma_start3A_156 : memref<128x128xf32, #tpu.memory_space<hbm>>) target_semaphore(%run_scoped3A : memref<!tpu.dma_semaphore, #tpu.memory_space<semaphore_mem>>)
        %dma_wait3A = arith.constant 0 : i32
        %dma_wait3A_159 = tpu.memref_slice %arg6[%arg0, %mul3A_154, %dma_wait3A] : memref<2x10000x128xf32, #tpu.memory_space<hbm>> -> memref<1x128x128xf32, #tpu.memory_space<hbm>>
        %dma_wait3A_160 = tpu.memref_squeeze %dma_wait3A_159 : memref<1x128x128xf32, #tpu.memory_space<hbm>> -> memref<128x128xf32, #tpu.memory_space<hbm>>
        %dma_wait3A_161 = arith.constant 0 : i32
        %dma_wait3A_162 = tpu.memref_slice %arg11[%mul3A_152, %dma_wait3A_161] : memref<10000x128xf32, #tpu.memory_space<vmem_shared>> -> memref<128x128xf32, #tpu.memory_space<vmem_shared>>
        tpu.wait_dma2 semaphore(%run_scoped3A : memref<!tpu.dma_semaphore, #tpu.memory_space<semaphore_mem>>) src(%dma_wait3A_162 : memref<128x128xf32, #tpu.memory_space<vmem_shared>>) dst(%dma_wait3A_160 : memref<128x128xf32, #tpu.memory_space<hbm>>)
        tpu.yield
      }) : () -> ()
    } else {
    }
    %eq3A_132 = arith.constant 78 : i32
    %eq3A_133 = arith.cmpi eq, %add3A_126, %eq3A_132 : i32
    %convert_element_type3A_134 = arith.extui %eq3A_133 : i1 to i32
    %cond3A_135 = arith.constant 0 : i32
    %cond3A_136 = arith.cmpi ne, %convert_element_type3A_134, %cond3A_135 : i32
    scf.if %cond3A_136 {
      "tpu.region"() ({
        %run_scoped3A = tpu.sem_alloc : memref<!tpu.dma_semaphore, #tpu.memory_space<semaphore_mem>>
        %dma_start3A = arith.constant 9984 : i32
        %dma_start3A_151 = arith.constant 0 : i32
        %dma_start3A_152 = tpu.memref_slice %arg6[%arg0, %dma_start3A, %dma_start3A_151] : memref<2x10000x128xf32, #tpu.memory_space<hbm>> -> memref<1x16x128xf32, #tpu.memory_space<hbm>>
        %dma_start3A_153 = tpu.memref_squeeze %dma_start3A_152 : memref<1x16x128xf32, #tpu.memory_space<hbm>> -> memref<16x128xf32, #tpu.memory_space<hbm>>
        %dma_start3A_154 = arith.constant 9984 : i32
        %dma_start3A_155 = arith.constant 0 : i32
        %dma_start3A_156 = tpu.memref_slice %arg11[%dma_start3A_154, %dma_start3A_155] : memref<10000x128xf32, #tpu.memory_space<vmem_shared>> -> memref<16x128xf32, #tpu.memory_space<vmem_shared>>
        tpu.enqueue_dma source(%dma_start3A_156 : memref<16x128xf32, #tpu.memory_space<vmem_shared>>) target(%dma_start3A_153 : memref<16x128xf32, #tpu.memory_space<hbm>>) target_semaphore(%run_scoped3A : memref<!tpu.dma_semaphore, #tpu.memory_space<semaphore_mem>>)
        %dma_wait3A = arith.constant 9984 : i32
        %dma_wait3A_157 = arith.constant 0 : i32
        %dma_wait3A_158 = tpu.memref_slice %arg6[%arg0, %dma_wait3A, %dma_wait3A_157] : memref<2x10000x128xf32, #tpu.memory_space<hbm>> -> memref<1x16x128xf32, #tpu.memory_space<hbm>>
        %dma_wait3A_159 = tpu.memref_squeeze %dma_wait3A_158 : memref<1x16x128xf32, #tpu.memory_space<hbm>> -> memref<16x128xf32, #tpu.memory_space<hbm>>
        %dma_wait3A_160 = arith.constant 9984 : i32
        %dma_wait3A_161 = arith.constant 0 : i32
        %dma_wait3A_162 = tpu.memref_slice %arg11[%dma_wait3A_160, %dma_wait3A_161] : memref<10000x128xf32, #tpu.memory_space<vmem_shared>> -> memref<16x128xf32, #tpu.memory_space<vmem_shared>>
        tpu.wait_dma2 semaphore(%run_scoped3A : memref<!tpu.dma_semaphore, #tpu.memory_space<semaphore_mem>>) src(%dma_wait3A_162 : memref<16x128xf32, #tpu.memory_space<vmem_shared>>) dst(%dma_wait3A_159 : memref<16x128xf32, #tpu.memory_space<hbm>>)
        tpu.yield
      }) : () -> ()
    } else {
    }
    %mul3A_137 = arith.constant 5 : i32
    %mul3A_138 = arith.muli %arg1, %mul3A_137 : i32
    %add3A_139 = arith.constant 4 : i32
    %add3A_140 = arith.addi %mul3A_138, %add3A_139 : i32
    %lt3A_141 = arith.constant 78 : i32
    %lt3A_142 = arith.cmpi slt, %add3A_140, %lt3A_141 : i32
    %convert_element_type3A_143 = arith.extui %lt3A_142 : i1 to i32
    %cond3A_144 = arith.constant 0 : i32
    %cond3A_145 = arith.cmpi ne, %convert_element_type3A_143, %cond3A_144 : i32
    scf.if %cond3A_145 {
      %mul3A_151 = arith.constant 128 : i32
      %mul3A_152 = arith.muli %add3A_140, %mul3A_151 : i32
      %mul3A_153 = arith.constant 128 : i32
      %mul3A_154 = arith.muli %add3A_140, %mul3A_153 : i32
      "tpu.region"() ({
        %run_scoped3A = tpu.sem_alloc : memref<!tpu.dma_semaphore, #tpu.memory_space<semaphore_mem>>
        %dma_start3A = arith.constant 0 : i32
        %dma_start3A_155 = tpu.memref_slice %arg6[%arg0, %mul3A_154, %dma_start3A] : memref<2x10000x128xf32, #tpu.memory_space<hbm>> -> memref<1x128x128xf32, #tpu.memory_space<hbm>>
        %dma_start3A_156 = tpu.memref_squeeze %dma_start3A_155 : memref<1x128x128xf32, #tpu.memory_space<hbm>> -> memref<128x128xf32, #tpu.memory_space<hbm>>
        %dma_start3A_157 = arith.constant 0 : i32
        %dma_start3A_158 = tpu.memref_slice %arg11[%mul3A_152, %dma_start3A_157] : memref<10000x128xf32, #tpu.memory_space<vmem_shared>> -> memref<128x128xf32, #tpu.memory_space<vmem_shared>>
        tpu.enqueue_dma source(%dma_start3A_158 : memref<128x128xf32, #tpu.memory_space<vmem_shared>>) target(%dma_start3A_156 : memref<128x128xf32, #tpu.memory_space<hbm>>) target_semaphore(%run_scoped3A : memref<!tpu.dma_semaphore, #tpu.memory_space<semaphore_mem>>)
        %dma_wait3A = arith.constant 0 : i32
        %dma_wait3A_159 = tpu.memref_slice %arg6[%arg0, %mul3A_154, %dma_wait3A] : memref<2x10000x128xf32, #tpu.memory_space<hbm>> -> memref<1x128x128xf32, #tpu.memory_space<hbm>>
        %dma_wait3A_160 = tpu.memref_squeeze %dma_wait3A_159 : memref<1x128x128xf32, #tpu.memory_space<hbm>> -> memref<128x128xf32, #tpu.memory_space<hbm>>
        %dma_wait3A_161 = arith.constant 0 : i32
        %dma_wait3A_162 = tpu.memref_slice %arg11[%mul3A_152, %dma_wait3A_161] : memref<10000x128xf32, #tpu.memory_space<vmem_shared>> -> memref<128x128xf32, #tpu.memory_space<vmem_shared>>
        tpu.wait_dma2 semaphore(%run_scoped3A : memref<!tpu.dma_semaphore, #tpu.memory_space<semaphore_mem>>) src(%dma_wait3A_162 : memref<128x128xf32, #tpu.memory_space<vmem_shared>>) dst(%dma_wait3A_160 : memref<128x128xf32, #tpu.memory_space<hbm>>)
        tpu.yield
      }) : () -> ()
    } else {
    }
    %eq3A_146 = arith.constant 78 : i32
    %eq3A_147 = arith.cmpi eq, %add3A_140, %eq3A_146 : i32
    %convert_element_type3A_148 = arith.extui %eq3A_147 : i1 to i32
    %cond3A_149 = arith.constant 0 : i32
    %cond3A_150 = arith.cmpi ne, %convert_element_type3A_148, %cond3A_149 : i32
    scf.if %cond3A_150 {
      "tpu.region"() ({
        %run_scoped3A = tpu.sem_alloc : memref<!tpu.dma_semaphore, #tpu.memory_space<semaphore_mem>>
        %dma_start3A = arith.constant 9984 : i32
        %dma_start3A_151 = arith.constant 0 : i32
        %dma_start3A_152 = tpu.memref_slice %arg6[%arg0, %dma_start3A, %dma_start3A_151] : memref<2x10000x128xf32, #tpu.memory_space<hbm>> -> memref<1x16x128xf32, #tpu.memory_space<hbm>>
        %dma_start3A_153 = tpu.memref_squeeze %dma_start3A_152 : memref<1x16x128xf32, #tpu.memory_space<hbm>> -> memref<16x128xf32, #tpu.memory_space<hbm>>
        %dma_start3A_154 = arith.constant 9984 : i32
        %dma_start3A_155 = arith.constant 0 : i32
        %dma_start3A_156 = tpu.memref_slice %arg11[%dma_start3A_154, %dma_start3A_155] : memref<10000x128xf32, #tpu.memory_space<vmem_shared>> -> memref<16x128xf32, #tpu.memory_space<vmem_shared>>
        tpu.enqueue_dma source(%dma_start3A_156 : memref<16x128xf32, #tpu.memory_space<vmem_shared>>) target(%dma_start3A_153 : memref<16x128xf32, #tpu.memory_space<hbm>>) target_semaphore(%run_scoped3A : memref<!tpu.dma_semaphore, #tpu.memory_space<semaphore_mem>>)
        %dma_wait3A = arith.constant 9984 : i32
        %dma_wait3A_157 = arith.constant 0 : i32
        %dma_wait3A_158 = tpu.memref_slice %arg6[%arg0, %dma_wait3A, %dma_wait3A_157] : memref<2x10000x128xf32, #tpu.memory_space<hbm>> -> memref<1x16x128xf32, #tpu.memory_space<hbm>>
        %dma_wait3A_159 = tpu.memref_squeeze %dma_wait3A_158 : memref<1x16x128xf32, #tpu.memory_space<hbm>> -> memref<16x128xf32, #tpu.memory_space<hbm>>
        %dma_wait3A_160 = arith.constant 9984 : i32
        %dma_wait3A_161 = arith.constant 0 : i32
        %dma_wait3A_162 = tpu.memref_slice %arg11[%dma_wait3A_160, %dma_wait3A_161] : memref<10000x128xf32, #tpu.memory_space<vmem_shared>> -> memref<16x128xf32, #tpu.memory_space<vmem_shared>>
        tpu.wait_dma2 semaphore(%run_scoped3A : memref<!tpu.dma_semaphore, #tpu.memory_space<semaphore_mem>>) src(%dma_wait3A_162 : memref<16x128xf32, #tpu.memory_space<vmem_shared>>) dst(%dma_wait3A_159 : memref<16x128xf32, #tpu.memory_space<hbm>>)
        tpu.yield
      }) : () -> ()
    } else {
    }
    return
  }
}

module attributes {stable_mosaic.version = 14 : i64} {
  func.func @_matmul_body(%arg0: i32, %arg1: memref<2000x128xf32, #tpu.memory_space<vmem>>, %arg2: memref<128x128xf32, #tpu.memory_space<vmem>>, %arg3: memref<2000x128xf32, #tpu.memory_space<vmem>>) attributes {dimension_semantics = [#tpu.dimension_semantics<arbitrary>], iteration_bounds = array<i64: 5>, scalar_prefetch = 0 : i64, scratch_operands = 0 : i64, tpu.core_type = #tpu.core_type<tc>, window_params = [{transform_indices = @transform_0, window_bounds = array<i64: 2000, 128>}, {pipeline_mode = #tpu.pipeline_mode<synchronous>, transform_indices = @transform_1, window_bounds = array<i64: 128, 128>}, {transform_indices = @transform_2, window_bounds = array<i64: 2000, 128>}]} {
    %get3A = arith.constant 0 : index
    %get3A_0 = arith.constant 0 : index
    %get3A_1 = vector.load %arg1[%get3A, %get3A_0] : memref<2000x128xf32, #tpu.memory_space<vmem>>, vector<2000x128xf32>
    %get3A_2 = arith.constant 0 : index
    %get3A_3 = arith.constant 0 : index
    %get3A_4 = vector.load %arg2[%get3A_2, %get3A_3] : memref<128x128xf32, #tpu.memory_space<vmem>>, vector<128x128xf32>
    %dot_general3A = arith.constant dense<0.000000e+00> : vector<2000x128xf32>
    %dot_general3A_5 = tpu.matmul %get3A_1, %get3A_4, %dot_general3A {dimension_numbers = #tpu.dot_dimension_numbers<[1], [0], [0], [1], [0, 0, 1, 1], [], []>, transpose_lhs_hint = false} : vector<2000x128xf32>, vector<128x128xf32>, vector<2000x128xf32> -> vector<2000x128xf32>
    %swap3A = arith.constant 0 : index
    %swap3A_6 = arith.constant 0 : index
    %swap3A_7 = vector.load %arg3[%swap3A, %swap3A_6] : memref<2000x128xf32, #tpu.memory_space<vmem>>, vector<2000x128xf32>
    tpu.vector_store %arg3[%swap3A, %swap3A_6], %dot_general3A_5 {strides = array<i32>} : memref<2000x128xf32, #tpu.memory_space<vmem>>, vector<2000x128xf32>,
    return
  }
  func.func @transform_0(%arg0: i32) -> (i32, i32) {
    %c0_i32 = arith.constant 0 : i32
    %c0_i32_0 = arith.constant 0 : i32
    return %arg0, %c0_i32 : i32, i32
  }
  func.func @transform_1(%arg0: i32) -> (i32, i32) {
    %c0_i32 = arith.constant 0 : i32
    %c0_i32_0 = arith.constant 0 : i32
    %c0_i32_1 = arith.constant 0 : i32
    return %c0_i32, %c0_i32_0 : i32, i32
  }
  func.func @transform_2(%arg0: i32) -> (i32, i32) {
    %c0_i32 = arith.constant 0 : i32
    %c0_i32_0 = arith.constant 0 : i32
    return %arg0, %c0_i32 : i32, i32
  }
}

module attributes {stable_mosaic.version = 14 : i64} {
  func.func @_combine_body(%arg0: i32, %arg1: memref<2000x128xf32, #tpu.memory_space<vmem>>, %arg2: memref<2x2000x128xf32, #tpu.memory_space<vmem>>, %arg3: memref<1x1xf32, #tpu.memory_space<smem>>, %arg4: memref<2000x128xf32, #tpu.memory_space<vmem>>) attributes {dimension_semantics = [#tpu.dimension_semantics<arbitrary>], iteration_bounds = array<i64: 5>, scalar_prefetch = 0 : i64, scratch_operands = 0 : i64, tpu.core_type = #tpu.core_type<tc>, window_params = [{transform_indices = @transform_0, window_bounds = array<i64: 2000, 128>}, {transform_indices = @transform_1, window_bounds = array<i64: 2, 2000, 128>}, {transform_indices = @transform_2, window_bounds = array<i64: 1, 1>}, {transform_indices = @transform_3, window_bounds = array<i64: 2000, 128>}]} {
    %get3A = arith.constant 0 : index
    %get3A_0 = arith.constant 0 : index
    %get3A_1 = memref.load %arg3[%get3A, %get3A_0] : memref<1x1xf32, #tpu.memory_space<smem>>
    %sub3A = arith.constant 1.000000e+00 : f32
    %sub3A_2 = arith.subf %sub3A, %get3A_1 : f32
    %get3A_3 = arith.constant 0 : index
    %get3A_4 = arith.constant 0 : index
    %get3A_5 = vector.load %arg1[%get3A_3, %get3A_4] : memref<2000x128xf32, #tpu.memory_space<vmem>>, vector<2000x128xf32>
    %mul3A = vector.broadcast %sub3A_2 : f32 to vector<2000x128xf32>
    %mul3A_6 = arith.mulf %mul3A, %get3A_5 : vector<2000x128xf32>
    %get3A_7 = arith.constant 0 : index
    %get3A_8 = arith.constant 0 : index
    %get3A_9 = arith.constant 0 : index
    %get3A_10 = vector.load %arg2[%get3A_7, %get3A_8, %get3A_9] : memref<2x2000x128xf32, #tpu.memory_space<vmem>>, vector<1x2000x128xf32>
    %get3A_11 = vector.shape_cast %get3A_10 : vector<1x2000x128xf32> to vector<2000x128xf32>
    %get3A_12 = arith.constant 1 : index
    %get3A_13 = arith.constant 0 : index
    %get3A_14 = arith.constant 0 : index
    %get3A_15 = vector.load %arg2[%get3A_12, %get3A_13, %get3A_14] : memref<2x2000x128xf32, #tpu.memory_space<vmem>>, vector<1x2000x128xf32>
    %get3A_16 = vector.shape_cast %get3A_15 : vector<1x2000x128xf32> to vector<2000x128xf32>
    %add3A = arith.addf %get3A_11, %get3A_16 : vector<2000x128xf32>
    %mul3A_17 = vector.broadcast %get3A_1 : f32 to vector<2000x128xf32>
    %mul3A_18 = arith.mulf %mul3A_17, %add3A : vector<2000x128xf32>
    %add3A_19 = arith.addf %mul3A_6, %mul3A_18 : vector<2000x128xf32>
    %swap3A = arith.constant 0 : index
    %swap3A_20 = arith.constant 0 : index
    %swap3A_21 = vector.load %arg4[%swap3A, %swap3A_20] : memref<2000x128xf32, #tpu.memory_space<vmem>>, vector<2000x128xf32>
    tpu.vector_store %arg4[%swap3A, %swap3A_20], %add3A_19 {strides = array<i32>} : memref<2000x128xf32, #tpu.memory_space<vmem>>, vector<2000x128xf32>,
    return
  }
  func.func @transform_0(%arg0: i32) -> (i32, i32) {
    %c0_i32 = arith.constant 0 : i32
    %c0_i32_0 = arith.constant 0 : i32
    return %arg0, %c0_i32 : i32, i32
  }
  func.func @transform_1(%arg0: i32) -> (i32, i32, i32) {
    %c0_i32 = arith.constant 0 : i32
    %c0_i32_0 = arith.constant 0 : i32
    %c0_i32_1 = arith.constant 0 : i32
    return %c0_i32, %arg0, %c0_i32_0 : i32, i32, i32
  }
  func.func @transform_2(%arg0: i32) -> (i32, i32) {
    %c0_i32 = arith.constant 0 : i32
    %c0_i32_0 = arith.constant 0 : i32
    %c0_i32_1 = arith.constant 0 : i32
    return %c0_i32, %c0_i32_0 : i32, i32
  }
  func.func @transform_3(%arg0: i32) -> (i32, i32) {
    %c0_i32 = arith.constant 0 : i32
    %c0_i32_0 = arith.constant 0 : i32
    return %arg0, %c0_i32 : i32, i32
  }
}

</mosaic_0001>

<sc_bundles>
// kernel: kernel.5.cloned.1.call-start
scs
__scs_entry_jumppad:
0x0: {  	(pc) =	sbr.rel $0x88, $3  }
0x1: {  	(tag) =	ssettag $0x0;
	lr =	simm.s32 $0x1  }
0x2: {  	[smem:$0x3F9C] =	sst lr;
	_ =	strace $0xD0000000  }
0x3: {  	_ = 	snop  }
0x4: {  	_ = 	snop  }
0x5: {  	_ = 	snop  }
0x6: {  	_ = 	snop  }
0x7: {  	_ = 	snop  }
__scs_overlays_trampoline_lowered:
0x8: {  	[smem:$0x3FAB] =	sst s0  }
0x9: {  	[smem:$0x3FAC] =	sst s1  }
0xa: {  	[smem:$0x3FAD] =	sst s2  }
0xb: {  	[smem:$0x3FAE] =	sst s3  }
0xc: {  	[smem:$0x3FAF] =	sst s4  }
0xd: {  	[smem:$0x3FB0] =	sst s5  }
0xe: {  	[smem:$0x3FB1] =	sst s6  }
0xf: {  	[smem:$0x3FB2] =	sst s7  }
0x10: {  	[smem:$0x3FB3] =	sst s8  }
0x11: {  	[smem:$0x3FB4] =	sst s9;
	s0 =	simm.s32 @!p0 $0x0  }
0x12: {  	s1 =	sld [smem:$0x3F9A];
	s0 =	simm.s32 @p0 $0x1  }
0x13: {  	[smem:$0x3FB5] =	sst s0;
	s0 =	simm.s32 @!p1 $0x0  }
0x14: {  	s2 =	sld [smem:$0x3F99];
	s0 =	simm.s32 @p1 $0x1  }
0x15: {  	[smem:$0x3FB6] =	sst s0;
	s0 =	simm.s32 @!p2 $0x0  }
0x16: {  	s3 =	sld [smem:$0x3FDB];
	s0 =	simm.s32 @p2 $0x1  }
0x17: {  	s4 =	simm.s32 $0x1BF5;
	[smem:$0x3FB8] =	sst s0  }
0x18: {  	s0 =	sld [smem:$0x3F9B];
	_ =	swait.ge [sflag:s4], $0x0  }
0x19: {  	s7 =	sld [smem:$0x3F9C]  }
0x1a: {  	s8 =	sadd.s32 $0xFFFFE003, lr  }
0x1b: {  	s9 =	sadd.s32 $0xFFFFFEF7, lr;
	s5 =	simm.s32 $0xFFFFFFFF;
	p2 =	slt.u32 s8, $0xFFFFF086  }
0x1c: {  	p1 =	slt.u32 s9, $0xF7A;
	s5 =	simm.s32 @!p2 $0x0  }
0x1d: {  	s5 =	simm.s32 @p1 $0x1;
	p0 =	seq.s32 s7, s2  }
0x1e: {  	s7 =	smul.u32 @!p0 $0xF7A, s2;
	p2 =	seq.s32 @!p0 s5, $0x0  }
0x1f: {  	s9 =	smul.u32 $0xF7A, s1;
	s8 =	simm.s32 @!p0 $0x1BF5;
	p2 =	por !p2, p0  }
0x20: {  	[sflag:s8] =	ssyncset.s32 @!p0 $0xFFFFF086;
	s6 =	sadd.s32 @!p0 s3, s7;
	s7 =	simm.s32 @!p0 $0x108  }
0x21: {  	s3 =	sadd.s32 s3, s9;
	s6 =	sadd.s32 @!p0 $0x88, s6;
	s7 =	simm.s32 @p2 $0x1082  }
0x22: {  	[simem:s7], [sflag:s8] =	dma.local @!p0 [hbm:s6], $0xF7A  }
0x23: {  	s9 =	sor.u32 $0xD0000000, s2;
	s6 =	simm.s32 $0x108;
	_ =	swait.ge @!p0 [sflag:s8], $0x0  }
0x24: {  	s3 =	sadd.s32 $0x88, s3;
	s6 =	simm.s32 @!p1 $0x1082;
	[sflag:s4] =	ssyncset.s32 $0xFFFFF086  }
0x25: {  	[simem:s6], [sflag:s4] =	dma.local [hbm:s3], $0xF7A  }
0x26: {  	[smem:$0x3F9C] =	sst s1;
	(tag) =	ssettag s2;
	_ =	strace s9  }
0x27: {  	s1 =	sld [smem:$0x3FAC]  }
0x28: {  	s2 =	sld [smem:$0x3FAD]  }
0x29: {  	s4 =	sld [smem:$0x3FAF]  }
0x2a: {  	p0 =	seq.s32 s5, $0x0;
	s5 =	sld [smem:$0x3FB0]  }
0x2b: {  	s6 =	sld [smem:$0x3FB1]  }
0x2c: {  	s7 =	sld [smem:$0x3FB2]  }
0x2d: {  	s3 =	simm.s32 $0x108;
	s8 =	sld [smem:$0x3FB3]  }
0x2e: {  	s3 =	simm.s32 @!p0 $0x1082;
	s9 =	sld [smem:$0x3FB4]  }
0x2f: {  	lr =	sadd.s32 s0, s3;
	s0 =	sld [smem:$0x3FAB]  }
0x30: {  	s3 =	sld [smem:$0x3FAE]  }
0x31: {  	[smem:$0x3FB7] =	sst s10  }
0x32: {  	s10 =	sld [smem:$0x3FB5];
	_ =	sdelay $0x3  }
0x33: {  	p0 =	seq.s32 s10, $0x1;
	s10 =	sld [smem:$0x3FB7];
	_ =	sdelay $0x3  }
0x34: {  	[smem:$0x3FB7] =	sst s10  }
0x35: {  	s10 =	sld [smem:$0x3FB6];
	_ =	sdelay $0x3  }
0x36: {  	p1 =	seq.s32 s10, $0x1;
	s10 =	sld [smem:$0x3FB7];
	_ =	sdelay $0x3  }
0x37: {  	[smem:$0x3FB7] =	sst s10  }
0x38: {  	s10 =	sld [smem:$0x3FB8]  }
0x39: {  	_ = 	snop;
	(pc) =	sbr.ind lr, $3  }
0x3a: {  	_ = 	snop  }
0x3b: {  	_ = 	snop  }
0x3c: {  	p2 =	seq.s32 s10, $0x1;
	s10 =	sld [smem:$0x3FB7]  }
0x3d: {  	_ =	shalt  }
0x3e: {  	_ =	shalt  }
0x3f: {  	_ =	shalt  }
0x40: {  	_ =	shalt  }
0x41: {  	_ =	shalt  }
0x42: {  	_ =	shalt  }
0x43: {  	_ =	shalt  }
0x44: {  	_ =	shalt  }
0x45: {  	_ =	shalt  }
0x46: {  	_ =	shalt  }
0x47: {  	_ =	shalt  }
0x48: {  	_ =	shalt  }
0x49: {  	_ =	shalt  }
0x4a: {  	_ =	shalt  }
0x4b: {  	_ =	shalt  }
0x4c: {  	_ =	shalt  }
0x4d: {  	_ =	shalt  }
0x4e: {  	_ =	shalt  }
0x4f: {  	_ =	shalt  }
0x50: {  	_ =	shalt  }
0x51: {  	_ =	shalt  }
0x52: {  	_ =	shalt  }
0x53: {  	_ =	shalt  }
0x54: {  	_ =	shalt  }
0x55: {  	_ =	shalt  }
0x56: {  	_ =	shalt  }
0x57: {  	_ =	shalt  }
0x58: {  	_ =	shalt  }
0x59: {  	_ =	shalt  }
0x5a: {  	_ =	shalt  }
0x5b: {  	_ =	shalt  }
0x5c: {  	_ =	shalt  }
0x5d: {  	_ =	shalt  }
0x5e: {  	_ =	shalt  }
0x5f: {  	_ =	shalt  }
0x60: {  	_ =	shalt  }
0x61: {  	_ =	shalt  }
0x62: {  	_ =	shalt  }
0x63: {  	_ =	shalt  }
0x64: {  	_ =	shalt  }
0x65: {  	_ =	shalt  }
0x66: {  	_ =	shalt  }
0x67: {  	_ =	shalt  }
0x68: {  	_ =	shalt  }
0x69: {  	_ =	shalt  }
0x6a: {  	_ =	shalt  }
0x6b: {  	_ =	shalt  }
0x6c: {  	_ =	shalt  }
0x6d: {  	_ =	shalt  }
0x6e: {  	_ =	shalt  }
0x6f: {  	_ =	shalt  }
0x70: {  	_ =	shalt  }
0x71: {  	_ =	shalt  }
0x72: {  	_ =	shalt  }
0x73: {  	_ =	shalt  }
0x74: {  	_ =	shalt  }
0x75: {  	_ =	shalt  }
0x76: {  	_ =	shalt  }
0x77: {  	_ =	shalt  }
0x78: {  	_ =	shalt  }
0x79: {  	_ =	shalt  }
0x7a: {  	_ =	shalt  }
0x7b: {  	_ =	shalt  }
0x7c: {  	_ =	shalt  }
0x7d: {  	_ =	shalt  }
0x7e: {  	_ =	shalt  }
0x7f: {  	_ =	shalt  }
0x80: {  	_ =	shalt  }
0x81: {  	_ =	shalt  }
0x82: {  	_ =	shalt  }
0x83: {  	_ =	shalt  }
0x84: {  	_ =	shalt  }
0x85: {  	_ =	shalt  }
0x86: {  	_ =	shalt  }
0x87: {  	_ =	shalt  }
.Lfunc_end0:
.L_simem_size_0:
called_computation_lowered:
.L_overlay_start_0:
0x88: {  	s2 =	sld [smem:$0x3FD9]  }
0x89: {  	s3 =	sld [smem:$0x3FFE];
	_ =	sdelay $0x1  }
0x8a: {  	s1 =	srdreg.scid  }
0x8b: {  	s0 =	sand.u32 $0x1, s1  }
0x8c: {  	s17 =	sshll.u32 s0, $0xA;
	s2 =	sadd.s32 s3, s2  }
0x8d: {  	s2 =	sadd.s32 s2, s17  }
0x8e: {  	[smem:$0x3FC3] =	sst s2  }
0x8f: {  	_ = 	snop  }
0x90: {  	s2 =	sld [smem:$0x3FD0];
	(tm) =	ssettm $0x1  }
0x91: {  	s18 =	sld [smem:$0x3FFB];
	_ =	sdelay $0x3  }
0x92: {  	_ =	strace s18  }
0x93: {  	s3 =	sld [smem:$0x3FFC];
	_ =	sdelay $0x3  }
0x94: {  	_ =	strace s3  }
0x95: {  	s3 =	sld [smem:$0x3FFD];
	_ =	sdelay $0x3  }
0x96: {  	_ =	strace s3  }
0x97: {  	_ =	strace $0x8FFFFFFF  }
0x98: {  	s19 =	sld [smem:$0x3FDB];
	_ =	sdelay $0x1  }
0x99: {  	s4 =	simm.s32 $_scs_section_size  }
0x9a: {  	s5 =	simm.s32 $_size__tile_overlayer_lowered;
	s6 =	simm.s32 $_tile_overlayer_lowered  }
0x9b: {  	s22 =	simm.s32 $0x1BFF;
	s21 =	sshll.u32 s6, $0x1;
	s3 =	sadd.s32 s4, s19  }
0x9c: {  	s7 =	simm.s32 $0x0;
	s20 =	sshll.u32 s5, $0x1;
	s5 =	sadd.s32 s21, s3  }
0x9d: {  	[timem:s7], [sflag:s22] =	dma.local [hbm:s5], s20  }
0x9e: {  	_ =	swait.ge [sflag:s22], s20  }
0x9f: {  	s4 =	ssub.s32 $0x0, s20;
	[sflag:s22] =	ssyncset.done $0x0  }
0xa0: {  	[sflag:s22] =	ssyncadd.s32 s4;
	_ =	sdelay $0x1  }
0xa1: {  	s23 =	simm.s32 $0x1B8B  }
0xa2: {  	_ =	swait.ge [sflag:s23], $0x1  }
0xa3: {  	[sflag:s23] =	ssyncset.done $0x0  }
0xa4: {  	s25 =	simm.s32 $0x1B8E;
	s24 =	sld [smem:$0x3FFE];
	[sflag:s23] =	ssyncadd.s32 $0xFFFFFFFF  }
0xa5: {  	s26 =	simm.s32 $execute0_lowered;
	[smem:$0x3FD2] =	sst s25  }
0xa6: {  	s5 =	sshll.u32 s26, $0x1;
	_ =	strace $0x80000046;
	[dreg:$0x1] =	wrdreg $0xFFFFFFFF  }
0xa7: {  	s28 =	simm.s32 $_size_execute0_lowered;
	s3 =	sadd.s32 s3, s5;
	[dreg:$0x0] =	wrdreg $0x0  }
0xa8: {  	s5 =	sshll.u32 s28, $0x1;
	[dreg:$0x2] =	wrdreg s3  }
0xa9: {  	[dreg:$0x3] =	wrdreg s5  }
0xaa: {  	[dreg:$0x4] =	wrdreg $0xC0  }
0xab: {  	_ =	task [dreg:s7], $0x5FFFF  }
0xac: {  	[dreg:$0x1] =	wrdreg $0xFFFFFFFF  }
0xad: {  	[dreg:$0x0] =	wrdreg $0x60  }
0xae: {  	[dreg:$0x2] =	wrdreg s2  }
0xaf: {  	[dreg:$0x3] =	wrdreg s24  }
0xb0: {  	[dreg:$0x4] =	wrdreg $0xB7800  }
0xb1: {  	[dreg:$0x5] =	wrdreg $0x9  }
0xb2: {  	_ =	task.clear_ibuf [dreg:s7], $0x6FFFF;
	_ =	strace $0x90000046  }
0xb3: {  	s29 =	simm.s32 $0x9;
	_ =	strace $0x80000048  }
0xb4: {  	_ =	swait.ge [sflag:s29], $0x1  }
0xb5: {  	[sflag:s29] =	ssyncadd.s32 $0xFFFFFFFF  }
0xb6: {  	_ =	strace $0x90000048  }
0xb7: {  	_ =	sfence  }
0xb8: {  	s30 =	sld [smem:$0x0];
	_ =	sdelay $0x2  }
0xb9: {  	s31 =	sshll.u32 s1, $0xD;
	s1 =	sshrl.u32 s1, $0x2  }
0xba: {  	s3 =	sand.u32 $0x4000, s31;
	s1 =	sadd.s32 s1, s30  }
0xbb: {  	s0 =	sor.u32 s3, s0;
	s1 =	sshll.u32 s1, $0x11  }
0xbc: {  	s0 =	sor.u32 s1, s0  }
0xbd: {  	s0 =	sadd.s32 $0x8F2B, s0  }
0xbe: {  	[sflag:s0] =	ssyncadd.remote.s32 $0x1  }
0xbf: {  	_ =	sfence.sel $0xFFFF  }
0xc0: {  	[dreg:$0x0] =	wrdreg $0xFFFFFFFF;
	(pc) =	sbr.abs _section_cstart, $3  }
0xc1: {  	[dreg:$0x1] =	wrdreg $0xFFFFFFFF  }
0xc2: {  	_ =	task.clear_ibuf [dreg:s7], $0x2FFFF;
	_ =	strace $0x9FFFFFFF  }
0xc3: {  	(tm) =	ssettm $0x7FFFFFFF  }
tec
execute0_lowered:
.L_overlay_start_1:
0x0: {  	(tag) =	ssettag $0x1  }
0x1: {  	s1 =	rddreg [dreg:$0x0]  }
0x2: {  	s2 =	rddreg [dreg:$0x1]  }
0x3: {  	s4 =	srdreg.scid;
	s0 =	stileid.u32  }
0x4: {  	s3 =	rddreg [dreg:$0x2];
	s28 =	simm.s32 $0x1;
	s24 =	smul.u32 $0x50000, s0  }
0x5: {  	s9 =	sand.u32 $0x1, s4;
	s22 =	sshll.u32 s0, $0x1;
	s10 =	smul.u32 $0x5, s0  }
0x6: {  	s6 =	sshrl.u32 s0, $0x2;
	s4 =	simm.s32 $0x0;
	s16 =	smul.u32 $0x14000, s0  }
0x7: {  	p0 =	seq.s32 s0, $0xF;
	s5 =	sor.u32 s9, s22;
	s6 =	smul.u32 $0x13C00, s6  }
0x8: {  	[smem:$0x7FF] =	sst s4;
	s25 =	ssub.s32 $0x2, s9;
	s18 =	smul.u32 $0x138800, s9  }
0x9: {  	s9 =	sadd.s32 $0x138000, s3;
	s7 =	sshll.u32 s5, $0x7;
	s5 =	smul.u32 $0x500, s5  }
0xa: {  	_ =	strace $0x80000047;
	s26 =	sshrl.u32 s25, $0x1;
	s29 =	sshll.u32 s10, $0xE  }
0xb: {  	s7 =	sand.u32 $0x380, s7;
	s20 =	ssub.s32 s25, s26;
	s14 =	sadd.s32 $0x4000, s29  }
0xc: {  	s15 =	sadd.s32 $0x8000, s29;
	s16 =	sadd.s32 s16, s18;
	s31 =	sshrl.u32 s18, $0x3  }
0xd: {  	s25 =	simm.s32 $0x400;
	s26 =	simm.s32 $0x5000;
	s6 =	sor.u32 s6, s7  }
0xe: {  	s12 =	sadd.s32 s5, s2;
	s7 =	sadd.s32 s15, s3;
	s16 =	sshrl.u32 s16, $0x3  }
0xf: {  	s22 =	sadd.s32 s18, s15;
	s20 =	smax.u32 s20, $0x1;
	s23 =	sshrl.u32 s6, $0x3  }
0x10: {  	s6 =	sshrl.u32 s24, $0x2;
	s24 =	sadd.s32 $0x4, s10;
	s11 =	sadd.s32 $0xAC00, s12  }
0x11: {  	s12 =	sadd.s32 $0x14C00, s12;
	s30 =	sshrl.u32 s22, $0x3;
	s22 =	simm.s32 $0x2  }
0x12: {  	s13 =	sadd.s32 s23, s2;
	s2 =	sadd.s32 $0x1EC00, s2;
	s5 =	sadd.s32 s6, s3  }
0x13: {  	s23 =	sadd.s32 $0x3, s10;
	s6 =	sadd.s32 s14, s3;
	s19 =	sshll.u32 s24, $0xE  }
0x14: {  	s14 =	sadd.s32 s18, s14;
	p2 =	sne.s32 s24, $0x4E;
	s24 =	simm.s32 $0x80  }
0x15: {  	s17 =	sshll.u32 s23, $0xE;
	s10 =	sadd.s32 s19, s3;
	s13 =	sadd.s32 $0xE00, s13  }
0x16: {  	s21 =	sshrl.u32 s14, $0x3;
	s14 =	sadd.s32 s2, s16;
	s16 =	sadd.s32 s2, s30  }
0x17: {  	s19 =	sadd.s32 s18, s19;
	p1 =	sne.s32 s23, $0x4E;
	s8 =	sadd.s32 s17, s3  }
0x18: {  	s15 =	sadd.s32 s2, s21;
	s17 =	sadd.s32 s18, s17;
	s21 =	sadd.s32 s2, s31  }
0x19: {  	s19 =	sshrl.u32 s19, $0x3;
	s17 =	sshrl.u32 s17, $0x3;
	s18 =	sadd.s32 $0x27000, s21  }
0x1a: {  	v0 =	vimm.f32 $0.0e+00;
	s19 =	sadd.s32 s2, s19;
	s21 =	simm.s32 $0x7780;
	s17 =	sadd.s32 s2, s17  }
.LBB2_1:
0x1b: {  	s2 =	simm.s32 $0x0;
	s29 =	simm.s32 $0x200  }
.LBB2_2:
0x1c: {  	p3 =	sne.s32 s29, $0xFE00;
	[tilespmem:s2+$0x77F0] =	vst v0  }
0x1d: {  	[tilespmem:s2+$0x7780] =	vst v0  }
0x1e: {  	[tilespmem:s2+$0x7790] =	vst v0  }
.Ltmp0:
0x1f: {  	[tilespmem:s2+$0x77A0] =	vst v0;
	(pc) =	sbr.rel @p3 .LBB2_2-.Ltmp0, $4  }
0x20: {  	[tilespmem:s2+$0x77B0] =	vst v0  }
0x21: {  	[tilespmem:s2+$0x77C0] =	vst v0  }
0x22: {  	[tilespmem:s2+$0x77D0] =	vst v0  }
0x23: {  	[tilespmem:s2+$0x77E0] =	vst v0;
	s2 =	sshra.s32 s29, $0x2;
	s29 =	sadd.s32 $0x200, s29  }
0x24: {  	[tilespmem:s2+$0x77F0] =	vst v0  }
0x25: {  	[tilespmem:s2+$0x7780] =	vst v0  }
0x26: {  	[tilespmem:s2+$0x7790] =	vst v0  }
0x27: {  	[tilespmem:s2+$0x77A0] =	vst v0  }
0x28: {  	[tilespmem:s2+$0x77B0] =	vst v0  }
0x29: {  	[tilespmem:s2+$0x77C0] =	vst v0  }
0x2a: {  	[tilespmem:s2+$0x77D0] =	vst v0  }
0x2b: {  	[tilespmem:s2+$0x77E0] =	vst v0  }
0x2c: {  	[spmem:s5] =	stream.linear.scatter [tilespmem:s21], [sflag:$0x2], $0x4000, $0x38;
	[tilespmem:$0x1F000] =	vst v63  }
0x2d: {  	_ =	swait.ge [sflag:s22], $0x4000  }
0x2e: {  	[sflag:s22] =	ssyncset.done $0x0  }
0x2f: {  	[sflag:s22] =	ssyncadd.s32 $0xFFFFC000  }
0x30: {  	[spmem:s6] =	stream.linear.scatter [tilespmem:s21], [sflag:$0x2], $0x4000, $0x38;
	[tilespmem:$0x1F000] =	vst v63  }
0x31: {  	_ =	swait.ge [sflag:s22], $0x4000  }
0x32: {  	[sflag:s22] =	ssyncset.done $0x0  }
0x33: {  	[sflag:s22] =	ssyncadd.s32 $0xFFFFC000  }
0x34: {  	[spmem:s7] =	stream.linear.scatter [tilespmem:s21], [sflag:$0x2], $0x4000, $0x38;
	[tilespmem:$0x1F000] =	vst v63  }
0x35: {  	_ =	swait.ge [sflag:s22], $0x4000  }
0x36: {  	[sflag:s22] =	ssyncset.done $0x0  }
0x37: {  	s2 =	simm.s32 @!p0 $0x7780;
	s29 =	simm.s32 @!p0 $0x2;
	[sflag:s22] =	ssyncadd.s32 $0xFFFFC000  }
0x38: {  	[spmem:s8] =	stream.linear.scatter @!p0 [tilespmem:s2], [sflag:$0x2], $0x4000, $0x38;
	[tilespmem:$0x1F000] =	vst v63  }
0x39: {  	_ =	swait.ge @!p0 [sflag:s29], $0x4000  }
0x3a: {  	[sflag:s29] =	ssyncset.done @!p0 $0x0  }
0x3b: {  	s30 =	simm.s32 @!p1 $0x7780;
	[sflag:s29] =	ssyncadd.s32 @!p0 $0xFFFFC000  }
0x3c: {  	[spmem:s9] =	stream.linear.scatter @!p1 [tilespmem:s30], [sflag:$0x2], $0x800, $0x38;
	[tilespmem:$0x1F000] =	vst v63  }
0x3d: {  	s30 =	simm.s32 @!p1 $0x2  }
0x3e: {  	_ =	swait.ge @!p1 [sflag:s30], $0x800  }
0x3f: {  	[sflag:s30] =	ssyncset.done @!p1 $0x0  }
0x40: {  	[sflag:s30] =	ssyncadd.s32 @!p1 $0xFFFFF800  }
0x41: {  	[spmem:s10] =	stream.linear.scatter @!p0 [tilespmem:s2], [sflag:$0x2], $0x4000, $0x38;
	[tilespmem:$0x1F000] =	vst v63  }
0x42: {  	_ =	swait.ge @!p0 [sflag:s29], $0x4000  }
0x43: {  	[sflag:s29] =	ssyncset.done @!p0 $0x0  }
0x44: {  	s2 =	simm.s32 @!p2 $0x7780;
	[sflag:s29] =	ssyncadd.s32 @!p0 $0xFFFFC000  }
0x45: {  	[spmem:s9] =	stream.linear.scatter @!p2 [tilespmem:s2], [sflag:$0x2], $0x800, $0x38;
	[tilespmem:$0x1F000] =	vst v63  }
0x46: {  	s2 =	simm.s32 @!p2 $0x2  }
0x47: {  	_ =	swait.ge @!p2 [sflag:s2], $0x800  }
0x48: {  	[sflag:s2] =	ssyncset.done @!p2 $0x0  }
0x49: {  	s29 =	simm.s32 $0x0;
	[sflag:s2] =	ssyncadd.s32 @!p2 $0xFFFFF800  }
0x4a: {  	[tilespmem:s29], [sflag:$0x2] =	stream.linear.gather [hbm4b:s11+s29], $0x2780, $0x38;
	[tilespmem:$0x1F000] =	vst v63  }
0x4b: {  	_ =	swait.ge [sflag:s22], $0x2780  }
0x4c: {  	[sflag:s22] =	ssyncset.done $0x0  }
0x4d: {  	s31 =	simm.s32 $0x2800;
	[sflag:s22] =	ssyncadd.s32 $0xFFFFD880  }
0x4e: {  	[tilespmem:s31], [sflag:$0x2] =	stream.linear.gather [hbm4b:s12+s29], $0x2780, $0x38;
	[tilespmem:$0x1F000] =	vst v63  }
0x4f: {  	_ =	swait.ge [sflag:s22], $0x2780  }
0x50: {  	[sflag:s22] =	ssyncset.done $0x0  }
0x51: {  	[sflag:s22] =	ssyncadd.s32 $0xFFFFD880  }
0x52: {  	[tilespmem:s26], [sflag:$0x2] =	stream.strided.gather [hbm4b:s13+s24], $0x2780, s25, s24, $0x38;
	[tilespmem:$0x1F000] =	vst v63  }
0x53: {  	_ =	swait.ge [sflag:s22], $0x2780  }
0x54: {  	[sflag:s22] =	ssyncset.done $0x0  }
0x55: {  	[sflag:s22] =	ssyncadd.s32 $0xFFFFD880  }
0x56: {  	[bflag:$0x0] =	sbarrier.arrive $0xFFFF  }
.LBB2_4:
0x57: {  	s30 =	sshll.u32 s29, $0x7  }
0x58: {  	s2 =	sadd.s32 $0x5000, s30  }
0x59: {  	v1 =	vmov s2  }
0x5a: {  	[tilespmem:s21], [sflag:$0x1] =	stream.indirect.gather [hbm4b:s1+s24], $0x80, s30, s24, $0xb8;
	[tilespmem:$0x1F000] =	vst v63  }
0x5b: {  	_ =	swait.ge [sflag:s28], $0x4000  }
0x5c: {  	s23 =	simm.s32 $0x0;
	[sflag:s28] =	ssyncset.done $0x0  }
0x5d: {  	s31 =	simm.s32 $0x0;
	s2 =	sand.u32 $0x3FFFFFF0, s23;
	[sflag:s28] =	ssyncadd.s32 $0xFFFFC000  }
0x5e: {  	s31 =	sand.u32 $0x3FFFF800, s31;
	v2 =	vld.idx.msk [tilespmem:v1+s2+$0x0 ss:$0x1], $0xffff  }
0x5f: {  	v8 =	vld [tilespmem:s31+$0x7840]  }
0x60: {  	v4 =	vld [tilespmem:s31+$0x77A0]  }
0x61: {  	v5 =	vld [tilespmem:s31+$0x77B0]  }
0x62: {  	v11 =	vld [tilespmem:s31+$0x77E0]  }
0x63: {  	v12 =	vld [tilespmem:s31+$0x77F0];
	v3 =	vbroadcast v2, $0x0  }
0x64: {  	v13 =	vld [tilespmem:s31+$0x7800]  }
0x65: {  	v14 =	vld [tilespmem:s31+$0x7810];
	v4 =	vmul.f32 v4, v3  }
0x66: {  	v15 =	vld [tilespmem:s31+$0x7820];
	v5 =	vmul.f32 v5, v3  }
0x67: {  	v10 =	vld [tilespmem:s31+$0x7830];
	v21 =	vbroadcast v2, $0x1;
	v20 =	vmul.f32 v11, v3;
	[tilespmem:s31+$0x77A0] =	vst v4  }
0x68: {  	v9 =	vld [tilespmem:s31+$0x7850];
	v12 =	vmul.f32 v12, v3;
	[tilespmem:s31+$0x77B0] =	vst v5  }
0x69: {  	v7 =	vld [tilespmem:s31+$0x7CF0];
	v13 =	vmul.f32 v13, v21;
	[tilespmem:s31+$0x77E0] =	vst v20  }
0x6a: {  	v23 =	vld [tilespmem:s31+$0x7870];
	v14 =	vmul.f32 v14, v21;
	[tilespmem:s31+$0x77F0] =	vst v12  }
0x6b: {  	v24 =	vld [tilespmem:s31+$0x7880];
	v15 =	vmul.f32 v15, v21;
	[tilespmem:s31+$0x7800] =	vst v13  }
0x6c: {  	v25 =	vld [tilespmem:s31+$0x7890];
	v10 =	vmul.f32 v10, v21;
	[tilespmem:s31+$0x7810] =	vst v14  }
0x6d: {  	v22 =	vld [tilespmem:s31+$0x7860];
	v8 =	vmul.f32 v8, v21;
	[tilespmem:s31+$0x7820] =	vst v15  }
0x6e: {  	v26 =	vld [tilespmem:s31+$0x78A0];
	v16 =	vbroadcast v2, $0x2;
	v9 =	vmul.f32 v9, v21;
	[tilespmem:s31+$0x7830] =	vst v10  }
0x6f: {  	v27 =	vld [tilespmem:s31+$0x78B0];
	v11 =	vmul.f32 v23, v21;
	[tilespmem:s31+$0x7840] =	vst v8  }
0x70: {  	v28 =	vld [tilespmem:s31+$0x78C0];
	v6 =	vbroadcast v2, $0xA;
	v30 =	vmul.f32 v24, v16;
	[tilespmem:s31+$0x7850] =	vst v9  }
0x71: {  	v29 =	vld [tilespmem:s31+$0x78D0];
	v32 =	vmul.f32 v25, v16;
	[tilespmem:s31+$0x7870] =	vst v11  }
0x72: {  	v31 =	vld [tilespmem:s31+$0x78E0];
	v4 =	vmul.f32 v7, v6;
	[tilespmem:s31+$0x7880] =	vst v30  }
0x73: {  	v33 =	vld [tilespmem:s31+$0x78F0];
	v12 =	vmul.f32 v22, v21;
	[tilespmem:s31+$0x7890] =	vst v32  }
0x74: {  	v34 =	vld [tilespmem:s31+$0x7900];
	v10 =	vmul.f32 v26, v16;
	[tilespmem:s31+$0x7CF0] =	vst v4  }
0x75: {  	v35 =	vld [tilespmem:s31+$0x7910];
	v8 =	vmul.f32 v27, v16;
	[tilespmem:s31+$0x7860] =	vst v12  }
0x76: {  	v36 =	vld [tilespmem:s31+$0x7920];
	v9 =	vmul.f32 v28, v16;
	[tilespmem:s31+$0x78A0] =	vst v10  }
0x77: {  	v37 =	vld [tilespmem:s31+$0x7930];
	v39 =	vbroadcast v2, $0x3;
	v11 =	vmul.f32 v31, v16;
	[tilespmem:s31+$0x78B0] =	vst v8  }
0x78: {  	v38 =	vld [tilespmem:s31+$0x7940];
	v13 =	vmul.f32 v33, v16;
	[tilespmem:s31+$0x78C0] =	vst v9  }
0x79: {  	v40 =	vld [tilespmem:s31+$0x7950];
	v14 =	vmul.f32 v34, v39;
	[tilespmem:s31+$0x78E0] =	vst v11  }
0x7a: {  	v41 =	vld [tilespmem:s31+$0x7960];
	v12 =	vmul.f32 v29, v16;
	[tilespmem:s31+$0x78F0] =	vst v13  }
0x7b: {  	v42 =	vld [tilespmem:s31+$0x7970];
	v10 =	vmul.f32 v35, v39;
	[tilespmem:s31+$0x7900] =	vst v14  }
0x7c: {  	v43 =	vld [tilespmem:s31+$0x7980];
	v8 =	vmul.f32 v36, v39;
	[tilespmem:s31+$0x78D0] =	vst v12  }
0x7d: {  	v44 =	vld [tilespmem:s31+$0x7990];
	v9 =	vmul.f32 v37, v39;
	[tilespmem:s31+$0x7910] =	vst v10  }
0x7e: {  	v45 =	vld [tilespmem:s31+$0x79A0];
	v11 =	vmul.f32 v40, v39;
	[tilespmem:s31+$0x7920] =	vst v8  }
0x7f: {  	v46 =	vld [tilespmem:s31+$0x79B0];
	v13 =	vmul.f32 v41, v39;
	[tilespmem:s31+$0x7930] =	vst v9  }
0x80: {  	v47 =	vld [tilespmem:s31+$0x79C0];
	v48 =	vbroadcast v2, $0x4;
	v14 =	vmul.f32 v42, v39;
	[tilespmem:s31+$0x7950] =	vst v11  }
0x81: {  	v49 =	vld [tilespmem:s31+$0x79D0];
	v12 =	vmul.f32 v38, v39;
	[tilespmem:s31+$0x7960] =	vst v13  }
0x82: {  	v50 =	vld [tilespmem:s31+$0x79E0];
	v10 =	vmul.f32 v43, v48;
	[tilespmem:s31+$0x7970] =	vst v14  }
0x83: {  	v51 =	vld [tilespmem:s31+$0x79F0];
	v8 =	vmul.f32 v44, v48;
	[tilespmem:s31+$0x7940] =	vst v12  }
0x84: {  	v52 =	vld [tilespmem:s31+$0x7A00];
	v9 =	vmul.f32 v45, v48;
	[tilespmem:s31+$0x7980] =	vst v10  }
0x85: {  	v53 =	vld [tilespmem:s31+$0x7A10];
	v11 =	vmul.f32 v47, v48;
	[tilespmem:s31+$0x7990] =	vst v8  }
0x86: {  	v54 =	vld [tilespmem:s31+$0x7A20];
	v13 =	vmul.f32 v49, v48;
	[tilespmem:s31+$0x79A0] =	vst v9  }
0x87: {  	v55 =	vld [tilespmem:s31+$0x7A30];
	v14 =	vmul.f32 v50, v48;
	[tilespmem:s31+$0x79C0] =	vst v11  }
0x88: {  	v56 =	vld [tilespmem:s31+$0x7A40];
	v57 =	vbroadcast v2, $0x5;
	v12 =	vmul.f32 v46, v48;
	[tilespmem:s31+$0x79D0] =	vst v13  }
0x89: {  	v58 =	vld [tilespmem:s31+$0x7A50];
	v10 =	vmul.f32 v51, v48;
	[tilespmem:s31+$0x79E0] =	vst v14  }
0x8a: {  	v59 =	vld [tilespmem:s31+$0x7A60];
	v8 =	vmul.f32 v52, v57;
	[tilespmem:s31+$0x79B0] =	vst v12  }
0x8b: {  	v60 =	vld [tilespmem:s31+$0x7A70];
	v9 =	vmul.f32 v53, v57;
	[tilespmem:s31+$0x79F0] =	vst v10  }
0x8c: {  	v61 =	vld [tilespmem:s31+$0x7A80];
	v11 =	vmul.f32 v55, v57;
	[tilespmem:s31+$0x7A00] =	vst v8  }
0x8d: {  	v62 =	vld [tilespmem:s31+$0x7A90];
	v13 =	vmul.f32 v56, v57;
	[tilespmem:s31+$0x7A10] =	vst v9  }
0x8e: {  	v63 =	vld [tilespmem:s31+$0x7AA0];
	v14 =	vmul.f32 v58, v57;
	[tilespmem:s31+$0x7A30] =	vst v11  }
0x8f: {  	v20 =	vld [tilespmem:s31+$0x7AB0];
	v12 =	vmul.f32 v54, v57;
	[tilespmem:s31+$0x7A40] =	vst v13  }
0x90: {  	v21 =	vld [tilespmem:s31+$0x7AC0];
	v22 =	vbroadcast v2, $0x6;
	v10 =	vmul.f32 v59, v57;
	[tilespmem:s31+$0x7A50] =	vst v14  }
0x91: {  	v23 =	vld [tilespmem:s31+$0x7AD0];
	v8 =	vmul.f32 v60, v57;
	[tilespmem:s31+$0x7A20] =	vst v12  }
0x92: {  	v24 =	vld [tilespmem:s31+$0x7AE0];
	v9 =	vmul.f32 v61, v22;
	[tilespmem:s31+$0x7A60] =	vst v10  }
0x93: {  	v25 =	vld [tilespmem:s31+$0x7AF0];
	v11 =	vmul.f32 v63, v22;
	[tilespmem:s31+$0x7A70] =	vst v8  }
0x94: {  	v5 =	vld [tilespmem:s31+$0x7D00];
	v13 =	vmul.f32 v20, v22;
	[tilespmem:s31+$0x7A80] =	vst v9  }
0x95: {  	v27 =	vld [tilespmem:s31+$0x7B10];
	v14 =	vmul.f32 v21, v22;
	[tilespmem:s31+$0x7AA0] =	vst v11  }
0x96: {  	v28 =	vld [tilespmem:s31+$0x7B20];
	v12 =	vmul.f32 v62, v22;
	[tilespmem:s31+$0x7AB0] =	vst v13  }
0x97: {  	v29 =	vld [tilespmem:s31+$0x7B30];
	v10 =	vmul.f32 v23, v22;
	[tilespmem:s31+$0x7AC0] =	vst v14  }
0x98: {  	v31 =	vbroadcast v2, $0x7;
	v53 =	vld [tilespmem:s31+$0x7C80];
	v8 =	vmul.f32 v24, v22;
	[tilespmem:s31+$0x7A90] =	vst v12  }
0x99: {  	v58 =	vld [tilespmem:s31+$0x7CD0];
	v9 =	vmul.f32 v25, v22;
	[tilespmem:s31+$0x7AD0] =	vst v10  }
0x9a: {  	v26 =	vld [tilespmem:s31+$0x7B00];
	v11 =	vmul.f32 v27, v31;
	[tilespmem:s31+$0x7AE0] =	vst v8  }
0x9b: {  	v30 =	vld [tilespmem:s31+$0x7B40];
	v13 =	vmul.f32 v28, v31;
	[tilespmem:s31+$0x7AF0] =	vst v9  }
0x9c: {  	v32 =	vld [tilespmem:s31+$0x7B50];
	v14 =	vmul.f32 v29, v31;
	[tilespmem:s31+$0x7B10] =	vst v11  }
0x9d: {  	v33 =	vld [tilespmem:s31+$0x7B60];
	v59 =	vmul.f32 v53, v6;
	[tilespmem:s31+$0x7B20] =	vst v13  }
0x9e: {  	v35 =	vld [tilespmem:s31+$0x7B80];
	v21 =	vmul.f32 v58, v6;
	[tilespmem:s31+$0x7B30] =	vst v14  }
0x9f: {  	v36 =	vld [tilespmem:s31+$0x7B90];
	v12 =	vmul.f32 v26, v31;
	[tilespmem:s31+$0x7C80] =	vst v59  }
0xa0: {  	v37 =	vld [tilespmem:s31+$0x7BA0];
	v10 =	vmul.f32 v30, v31;
	[tilespmem:s31+$0x7CD0] =	vst v21  }
0xa1: {  	v7 =	vld [tilespmem:s31+$0x7D10];
	v40 =	vbroadcast v2, $0x8;
	v8 =	vmul.f32 v32, v31;
	[tilespmem:s31+$0x7B00] =	vst v12  }
0xa2: {  	v34 =	vld [tilespmem:s31+$0x7B70];
	v9 =	vmul.f32 v33, v31;
	[tilespmem:s31+$0x7B40] =	vst v10  }
0xa3: {  	v57 =	vld [tilespmem:s31+$0x7CC0];
	v11 =	vmul.f32 v35, v40;
	[tilespmem:s31+$0x7B50] =	vst v8  }
0xa4: {  	v61 =	vld [tilespmem:s31+$0x7780];
	v24 =	vbroadcast v2, $0xB;
	v13 =	vmul.f32 v36, v40;
	[tilespmem:s31+$0x7B60] =	vst v9  }
0xa5: {  	v4 =	vld [tilespmem:s31+$0x7F50];
	v14 =	vmul.f32 v37, v40;
	[tilespmem:s31+$0x7B80] =	vst v11  }
0xa6: {  	v38 =	vld [tilespmem:s31+$0x7BB0];
	v5 =	vmul.f32 v5, v24;
	[tilespmem:s31+$0x7B90] =	vst v13  }
0xa7: {  	v39 =	vld [tilespmem:s31+$0x7BC0];
	v7 =	vmul.f32 v7, v24;
	[tilespmem:s31+$0x7BA0] =	vst v14  }
0xa8: {  	v41 =	vld [tilespmem:s31+$0x7BD0];
	v19 =	vmul.f32 v57, v6;
	[tilespmem:s31+$0x7D00] =	vst v5  }
0xa9: {  	v43 =	vld [tilespmem:s31+$0x7BF0];
	v25 =	vmul.f32 v3, v61;
	[tilespmem:s31+$0x7D10] =	vst v7  }
0xaa: {  	v44 =	vld [tilespmem:s31+$0x7C00];
	v12 =	vmul.f32 v34, v31;
	[tilespmem:s31+$0x7CC0] =	vst v19  }
0xab: {  	v45 =	vld [tilespmem:s31+$0x7C10];
	v10 =	vmul.f32 v38, v40;
	[tilespmem:s31+$0x7780] =	vst v25  }
0xac: {  	v27 =	vld [tilespmem:s31+$0x7D50];
	v8 =	vmul.f32 v39, v40;
	[tilespmem:s31+$0x7B70] =	vst v12  }
0xad: {  	v49 =	vbroadcast v2, $0x9;
	v29 =	vld [tilespmem:s31+$0x7D70];
	v9 =	vmul.f32 v41, v40;
	[tilespmem:s31+$0x7BB0] =	vst v10  }
0xae: {  	v42 =	vld [tilespmem:s31+$0x7BE0];
	v11 =	vmul.f32 v43, v40;
	[tilespmem:s31+$0x7BC0] =	vst v8  }
0xaf: {  	v46 =	vld [tilespmem:s31+$0x7C20];
	v13 =	vmul.f32 v44, v49;
	[tilespmem:s31+$0x7BD0] =	vst v9  }
0xb0: {  	v47 =	vld [tilespmem:s31+$0x7C30];
	v14 =	vmul.f32 v45, v49;
	[tilespmem:s31+$0x7BF0] =	vst v11  }
0xb1: {  	v48 =	vld [tilespmem:s31+$0x7C40];
	v32 =	vmul.f32 v27, v24;
	[tilespmem:s31+$0x7C00] =	vst v13  }
0xb2: {  	v51 =	vld [tilespmem:s31+$0x7C60];
	v7 =	vmul.f32 v29, v24;
	[tilespmem:s31+$0x7C10] =	vst v14  }
0xb3: {  	v52 =	vld [tilespmem:s31+$0x7C70];
	v12 =	vmul.f32 v42, v40;
	[tilespmem:s31+$0x7D50] =	vst v32  }
0xb4: {  	v10 =	vmul.f32 v46, v49;
	[tilespmem:s31+$0x7D70] =	vst v7  }
0xb5: {  	v28 =	vld [tilespmem:s31+$0x7D60];
	v8 =	vmul.f32 v47, v49;
	[tilespmem:s31+$0x7BE0] =	vst v12  }
0xb6: {  	v30 =	vld [tilespmem:s31+$0x7D80];
	v9 =	vmul.f32 v48, v49;
	[tilespmem:s31+$0x7C20] =	vst v10  }
0xb7: {  	v50 =	vld [tilespmem:s31+$0x7C50];
	v5 =	vbroadcast v2, $0xF;
	v11 =	vmul.f32 v51, v49;
	[tilespmem:s31+$0x7C30] =	vst v8  }
0xb8: {  	v54 =	vld [tilespmem:s31+$0x7C90];
	v13 =	vmul.f32 v52, v49;
	[tilespmem:s31+$0x7C40] =	vst v9  }
0xb9: {  	v55 =	vld [tilespmem:s31+$0x7CA0];
	v35 =	vbroadcast v2, $0xC;
	v4 =	vmul.f32 v4, v5;
	[tilespmem:s31+$0x7C60] =	vst v11  }
0xba: {  	v56 =	vld [tilespmem:s31+$0x7CB0];
	v40 =	vmul.f32 v28, v24;
	[tilespmem:s31+$0x7C70] =	vst v13  }
0xbb: {  	v60 =	vld [tilespmem:s31+$0x7CE0];
	v16 =	vmul.f32 v30, v35;
	[tilespmem:s31+$0x7F50] =	vst v4  }
0xbc: {  	v62 =	vld [tilespmem:s31+$0x7790];
	v12 =	vmul.f32 v50, v49;
	[tilespmem:s31+$0x7D60] =	vst v40  }
0xbd: {  	v63 =	vld [tilespmem:s31+$0x77C0];
	v10 =	vmul.f32 v54, v6;
	[tilespmem:s31+$0x7D80] =	vst v16  }
0xbe: {  	v20 =	vld [tilespmem:s31+$0x77D0];
	v8 =	vmul.f32 v55, v6;
	[tilespmem:s31+$0x7C50] =	vst v12  }
0xbf: {  	v33 =	vld [tilespmem:s31+$0x7DB0];
	v9 =	vmul.f32 v56, v6;
	[tilespmem:s31+$0x7C90] =	vst v10  }
0xc0: {  	v61 =	vld [tilespmem:s31+$0x7F70];
	v6 =	vmul.f32 v60, v6;
	[tilespmem:s31+$0x7CA0] =	vst v8  }
0xc1: {  	v38 =	vld [tilespmem:s31+$0x7DF0];
	v13 =	vmul.f32 v62, v3;
	[tilespmem:s31+$0x7CB0] =	vst v9  }
0xc2: {  	v22 =	vld [tilespmem:s31+$0x7D20];
	v4 =	vmul.f32 v63, v3;
	[tilespmem:s31+$0x7CE0] =	vst v6  }
0xc3: {  	v23 =	vld [tilespmem:s31+$0x7D30];
	v3 =	vmul.f32 v20, v3;
	[tilespmem:s31+$0x7790] =	vst v13  }
0xc4: {  	v26 =	vld [tilespmem:s31+$0x7D40];
	v62 =	vmul.f32 v33, v35;
	[tilespmem:s31+$0x77C0] =	vst v4  }
0xc5: {  	v31 =	vld [tilespmem:s31+$0x7D90];
	v63 =	vmul.f32 v61, v5;
	[tilespmem:s31+$0x77D0] =	vst v3  }
0xc6: {  	v34 =	vld [tilespmem:s31+$0x7DC0];
	v16 =	vmul.f32 v38, v35;
	[tilespmem:s31+$0x7DB0] =	vst v62  }
0xc7: {  	v41 =	vld [tilespmem:s31+$0x7E20];
	v8 =	vmul.f32 v22, v24;
	[tilespmem:s31+$0x7F70] =	vst v63  }
0xc8: {  	v46 =	vld [tilespmem:s31+$0x7E60];
	v9 =	vmul.f32 v23, v24;
	[tilespmem:s31+$0x7DF0] =	vst v16  }
0xc9: {  	v6 =	vmul.f32 v26, v24;
	v3 =	vld [tilespmem:s31+$0x7E10];
	[tilespmem:s31+$0x7D20] =	vst v8  }
0xca: {  	v36 =	vld [tilespmem:s31+$0x7DD0];
	v44 =	vbroadcast v2, $0xD;
	v10 =	vmul.f32 v31, v35;
	[tilespmem:s31+$0x7D30] =	vst v9  }
0xcb: {  	v37 =	vld [tilespmem:s31+$0x7DE0];
	v13 =	vmul.f32 v34, v35;
	[tilespmem:s31+$0x7D40] =	vst v6  }
0xcc: {  	v39 =	vld [tilespmem:s31+$0x7E00];
	v12 =	vmul.f32 v41, v44;
	[tilespmem:s31+$0x7D90] =	vst v10  }
0xcd: {  	v42 =	vld [tilespmem:s31+$0x7E30];
	v51 =	vmul.f32 v46, v44;
	[tilespmem:s31+$0x7DC0] =	vst v13  }
0xce: {  	v48 =	vld [tilespmem:s31+$0x7E90];
	[tilespmem:s31+$0x7E20] =	vst v12;
	v3 =	vmul.f32 v3, v44  }
0xcf: {  	v49 =	vld [tilespmem:s31+$0x7EA0];
	v9 =	vmul.f32 v36, v35;
	[tilespmem:s31+$0x7E60] =	vst v51  }
0xd0: {  	v6 =	vmul.f32 v37, v35;
	[tilespmem:s31+$0x7E10] =	vst v3;
	v3 =	vld [tilespmem:s31+$0x7E80]  }
0xd1: {  	v2 =	vbroadcast v2, $0xE;
	v50 =	vld [tilespmem:s31+$0x7EB0];
	v10 =	vmul.f32 v39, v44;
	[tilespmem:s31+$0x7DD0] =	vst v9  }
0xd2: {  	v45 =	vld [tilespmem:s31+$0x7E50];
	v13 =	vmul.f32 v42, v44;
	[tilespmem:s31+$0x7DE0] =	vst v6  }
0xd3: {  	v47 =	vld [tilespmem:s31+$0x7E70];
	v12 =	vmul.f32 v48, v2;
	[tilespmem:s31+$0x7E00] =	vst v10  }
0xd4: {  	v43 =	vld [tilespmem:s31+$0x7E40];
	v11 =	vmul.f32 v49, v2;
	[tilespmem:s31+$0x7E30] =	vst v13  }
0xd5: {  	v55 =	vld [tilespmem:s31+$0x7F00];
	[tilespmem:s31+$0x7E90] =	vst v12;
	v3 =	vmul.f32 v3, v2  }
0xd6: {  	v57 =	vld [tilespmem:s31+$0x7F20];
	v7 =	vmul.f32 v50, v2;
	[tilespmem:s31+$0x7EA0] =	vst v11  }
0xd7: {  	v6 =	vmul.f32 v45, v44;
	[tilespmem:s31+$0x7E80] =	vst v3;
	v3 =	vld [tilespmem:s31+$0x7EF0]  }
0xd8: {  	v52 =	vld [tilespmem:s31+$0x7EC0];
	v10 =	vmul.f32 v47, v44;
	[tilespmem:s31+$0x7EB0] =	vst v7  }
0xd9: {  	v56 =	vld [tilespmem:s31+$0x7F10];
	v9 =	vmul.f32 v43, v44;
	[tilespmem:s31+$0x7E50] =	vst v6  }
0xda: {  	v54 =	vld [tilespmem:s31+$0x7EE0];
	v12 =	vmul.f32 v55, v5;
	[tilespmem:s31+$0x7E70] =	vst v10  }
0xdb: {  	v58 =	vld [tilespmem:s31+$0x7F30];
	v7 =	vmul.f32 v57, v5;
	[tilespmem:s31+$0x7E40] =	vst v9  }
0xdc: {  	v53 =	vld [tilespmem:s31+$0x7ED0];
	[tilespmem:s31+$0x7F00] =	vst v12;
	v3 =	vmul.f32 v3, v2  }
0xdd: {  	v59 =	vld [tilespmem:s31+$0x7F40];
	v6 =	vmul.f32 v52, v2;
	[tilespmem:s31+$0x7F20] =	vst v7  }
0xde: {  	v60 =	vld [tilespmem:s31+$0x7F60];
	[tilespmem:s31+$0x7EF0] =	vst v3;
	v3 =	vmul.f32 v56, v5  }
0xdf: {  	v10 =	vmul.f32 v54, v2;
	[tilespmem:s31+$0x7EC0] =	vst v6  }
0xe0: {  	v4 =	vld [tilespmem:s31+$0x7DA0];
	[tilespmem:s31+$0x7F10] =	vst v3;
	v3 =	vmul.f32 v58, v5  }
0xe1: {  	[tilespmem:s31+$0x7EE0] =	vst v10;
	v2 =	vmul.f32 v53, v2  }
0xe2: {  	[tilespmem:s31+$0x7F30] =	vst v3;
	v3 =	vmul.f32 v59, v5  }
0xe3: {  	[tilespmem:s31+$0x7ED0] =	vst v2;
	v5 =	vmul.f32 v60, v5  }
0xe4: {  	[tilespmem:s31+$0x7F40] =	vst v3  }
0xe5: {  	s2 =	simm.s32 $0x1;
	v3 =	vmul.f32 v4, v35;
	[tilespmem:s31+$0x7F60] =	vst v5  }
.LBB2_5:
0xe6: {  	s23 =	sshll.u32 s2, $0x4  }
0xe7: {  	p3 =	sne.s32 s2, $0x7;
	[tilespmem:s31+$0x7DA0] =	vst v3;
	s31 =	smov.u32 s2;
	s2 =	sadd.s32 $0x1, s2  }
0xe8: {  	s23 =	sand.u32 $0x3FFFFFF0, s23  }
0xe9: {  	v2 =	vld.idx.msk [tilespmem:v1+s23+$0x0 ss:$0x1], $0xffff  }
0xea: {  	s23 =	sshll.u32 s31, $0xB  }
0xeb: {  	s31 =	sand.u32 $0x3FFFF800, s23  }
0xec: {  	v9 =	vld [tilespmem:s31+$0x7840]  }
0xed: {  	v10 =	vld [tilespmem:s31+$0x7850]  }
0xee: {  	v11 =	vld [tilespmem:s31+$0x7830]  }
0xef: {  	v3 =	vbroadcast v2, $0x0;
	v8 =	vbroadcast v2, $0x4;
	v4 =	vld [tilespmem:s31+$0x77A0]  }
0xf0: {  	v6 =	vld [tilespmem:s31+$0x77B0]  }
0xf1: {  	v7 =	vld [tilespmem:s31+$0x7CF0]  }
0xf2: {  	v12 =	vld [tilespmem:s31+$0x77E0]  }
0xf3: {  	v13 =	vld [tilespmem:s31+$0x77F0]  }
0xf4: {  	v5 =	vbroadcast v2, $0xA;
	v4 =	vmul.f32 v4, v3;
	v14 =	vld [tilespmem:s31+$0x7800]  }
0xf5: {  	v6 =	vmul.f32 v6, v3;
	v15 =	vld [tilespmem:s31+$0x7810]  }
0xf6: {  	[tilespmem:s31+$0x77A0] =	vst v4;
	v16 =	vld [tilespmem:s31+$0x7820];
	v4 =	vmul.f32 v7, v5  }
0xf7: {  	[tilespmem:s31+$0x77B0] =	vst v6;
	v7 =	vmul.f32 v12, v3;
	v12 =	vbroadcast v2, $0x1;
	v6 =	vld [tilespmem:s31+$0x7D00]  }
0xf8: {  	v13 =	vmul.f32 v13, v3;
	[tilespmem:s31+$0x7CF0] =	vst v4;
	v4 =	vld [tilespmem:s31+$0x7F50]  }
0xf9: {  	[tilespmem:s31+$0x77E0] =	vst v7;
	v14 =	vmul.f32 v14, v12;
	v7 =	vld [tilespmem:s31+$0x7D10]  }
0xfa: {  	[tilespmem:s31+$0x77F0] =	vst v13;
	v13 =	vmul.f32 v15, v12;
	v15 =	vld [tilespmem:s31+$0x7860]  }
0xfb: {  	[tilespmem:s31+$0x7800] =	vst v14;
	v14 =	vmul.f32 v16, v12;
	v16 =	vld [tilespmem:s31+$0x7870]  }
0xfc: {  	v11 =	vmul.f32 v11, v12;
	[tilespmem:s31+$0x7810] =	vst v13;
	v13 =	vld [tilespmem:s31+$0x7880]  }
0xfd: {  	v9 =	vmul.f32 v9, v12;
	[tilespmem:s31+$0x7820] =	vst v14;
	v14 =	vld [tilespmem:s31+$0x7890]  }
0xfe: {  	v10 =	vmul.f32 v10, v12;
	[tilespmem:s31+$0x7830] =	vst v11;
	v11 =	vld [tilespmem:s31+$0x78A0]  }
0xff: {  	[tilespmem:s31+$0x7840] =	vst v9;
	v9 =	vmul.f32 v15, v12;
	v15 =	vbroadcast v2, $0x2;
	v17 =	vld [tilespmem:s31+$0x78B0]  }
0x100: {  	[tilespmem:s31+$0x7850] =	vst v10;
	v10 =	vmul.f32 v16, v12;
	v12 =	vld [tilespmem:s31+$0x78C0]  }
0x101: {  	[tilespmem:s31+$0x7860] =	vst v9;
	v9 =	vmul.f32 v13, v15;
	v13 =	vld [tilespmem:s31+$0x78D0]  }
0x102: {  	[tilespmem:s31+$0x7870] =	vst v10;
	v10 =	vmul.f32 v14, v15;
	v14 =	vld [tilespmem:s31+$0x78E0]  }
0x103: {  	[tilespmem:s31+$0x7880] =	vst v9;
	v9 =	vmul.f32 v11, v15;
	v11 =	vld [tilespmem:s31+$0x78F0]  }
0x104: {  	[tilespmem:s31+$0x7890] =	vst v10;
	v10 =	vmul.f32 v17, v15;
	v16 =	vld [tilespmem:s31+$0x7900]  }
0x105: {  	[tilespmem:s31+$0x78A0] =	vst v9;
	v9 =	vmul.f32 v12, v15;
	v12 =	vld [tilespmem:s31+$0x7910]  }
0x106: {  	[tilespmem:s31+$0x78B0] =	vst v10;
	v10 =	vmul.f32 v13, v15;
	v13 =	vld [tilespmem:s31+$0x7920]  }
0x107: {  	[tilespmem:s31+$0x78C0] =	vst v9;
	v9 =	vmul.f32 v14, v15;
	v14 =	vbroadcast v2, $0x3;
	v17 =	vld [tilespmem:s31+$0x7930]  }
0x108: {  	[tilespmem:s31+$0x78D0] =	vst v10;
	v10 =	vmul.f32 v11, v15;
	v11 =	vld [tilespmem:s31+$0x7940]  }
0x109: {  	[tilespmem:s31+$0x78E0] =	vst v9;
	v9 =	vmul.f32 v16, v14;
	v15 =	vld [tilespmem:s31+$0x7950]  }
0x10a: {  	[tilespmem:s31+$0x78F0] =	vst v10;
	v10 =	vmul.f32 v12, v14;
	v12 =	vld [tilespmem:s31+$0x7960]  }
0x10b: {  	[tilespmem:s31+$0x7900] =	vst v9;
	v9 =	vmul.f32 v13, v14;
	v13 =	vld [tilespmem:s31+$0x7970]  }
0x10c: {  	[tilespmem:s31+$0x7910] =	vst v10;
	v10 =	vmul.f32 v17, v14;
	v16 =	vld [tilespmem:s31+$0x7980]  }
0x10d: {  	[tilespmem:s31+$0x7920] =	vst v9;
	v9 =	vmul.f32 v11, v14;
	v11 =	vld [tilespmem:s31+$0x7990]  }
0x10e: {  	[tilespmem:s31+$0x7930] =	vst v10;
	v10 =	vmul.f32 v15, v14;
	v15 =	vld [tilespmem:s31+$0x79A0]  }
0x10f: {  	[tilespmem:s31+$0x7940] =	vst v9;
	v9 =	vmul.f32 v12, v14;
	v12 =	vld [tilespmem:s31+$0x79B0]  }
0x110: {  	[tilespmem:s31+$0x7950] =	vst v10;
	v10 =	vmul.f32 v13, v14;
	v13 =	vld [tilespmem:s31+$0x79C0]  }
0x111: {  	[tilespmem:s31+$0x7960] =	vst v9;
	v9 =	vmul.f32 v16, v8;
	v14 =	vld [tilespmem:s31+$0x79D0]  }
0x112: {  	[tilespmem:s31+$0x7970] =	vst v10;
	v10 =	vmul.f32 v11, v8;
	v11 =	vld [tilespmem:s31+$0x79E0]  }
0x113: {  	[tilespmem:s31+$0x7980] =	vst v9;
	v9 =	vmul.f32 v15, v8;
	v15 =	vld [tilespmem:s31+$0x79F0]  }
0x114: {  	[tilespmem:s31+$0x7990] =	vst v10;
	v10 =	vmul.f32 v12, v8;
	v12 =	vld [tilespmem:s31+$0x7A00]  }
0x115: {  	[tilespmem:s31+$0x79A0] =	vst v9;
	v9 =	vmul.f32 v13, v8;
	v13 =	vld [tilespmem:s31+$0x7A10]  }
0x116: {  	[tilespmem:s31+$0x79B0] =	vst v10;
	v10 =	vmul.f32 v14, v8;
	v14 =	vld [tilespmem:s31+$0x7A20]  }
0x117: {  	[tilespmem:s31+$0x79C0] =	vst v9;
	v9 =	vmul.f32 v11, v8;
	v11 =	vbroadcast v2, $0x5;
	v16 =	vld [tilespmem:s31+$0x7A30]  }
0x118: {  	[tilespmem:s31+$0x79D0] =	vst v10;
	v8 =	vmul.f32 v15, v8;
	v10 =	vld [tilespmem:s31+$0x7A40]  }
0x119: {  	[tilespmem:s31+$0x79E0] =	vst v9;
	v9 =	vmul.f32 v12, v11;
	v12 =	vld [tilespmem:s31+$0x7A50]  }
0x11a: {  	[tilespmem:s31+$0x79F0] =	vst v8;
	v8 =	vmul.f32 v13, v11;
	v13 =	vld [tilespmem:s31+$0x7A60]  }
0x11b: {  	[tilespmem:s31+$0x7A00] =	vst v9;
	v9 =	vmul.f32 v14, v11;
	v14 =	vld [tilespmem:s31+$0x7A70]  }
0x11c: {  	[tilespmem:s31+$0x7A10] =	vst v8;
	v8 =	vmul.f32 v16, v11;
	v15 =	vld [tilespmem:s31+$0x7A80]  }
0x11d: {  	[tilespmem:s31+$0x7A20] =	vst v9;
	v9 =	vmul.f32 v10, v11;
	v10 =	vld [tilespmem:s31+$0x7A90]  }
0x11e: {  	[tilespmem:s31+$0x7A30] =	vst v8;
	v8 =	vmul.f32 v12, v11;
	v12 =	vld [tilespmem:s31+$0x7AA0]  }
0x11f: {  	[tilespmem:s31+$0x7A40] =	vst v9;
	v9 =	vmul.f32 v13, v11;
	v13 =	vbroadcast v2, $0x6;
	v16 =	vld [tilespmem:s31+$0x7AB0]  }
0x120: {  	[tilespmem:s31+$0x7A50] =	vst v8;
	v8 =	vmul.f32 v14, v11;
	v11 =	vld [tilespmem:s31+$0x7AC0]  }
0x121: {  	[tilespmem:s31+$0x7A60] =	vst v9;
	v9 =	vmul.f32 v15, v13;
	v14 =	vld [tilespmem:s31+$0x7AD0]  }
0x122: {  	[tilespmem:s31+$0x7A70] =	vst v8;
	v8 =	vmul.f32 v10, v13;
	v10 =	vld [tilespmem:s31+$0x7AE0]  }
0x123: {  	[tilespmem:s31+$0x7A80] =	vst v9;
	v9 =	vmul.f32 v12, v13;
	v12 =	vld [tilespmem:s31+$0x7AF0]  }
0x124: {  	[tilespmem:s31+$0x7A90] =	vst v8;
	v8 =	vmul.f32 v16, v13;
	v15 =	vld [tilespmem:s31+$0x7B00]  }
0x125: {  	[tilespmem:s31+$0x7AA0] =	vst v9;
	v9 =	vmul.f32 v11, v13;
	v11 =	vld [tilespmem:s31+$0x7B10]  }
0x126: {  	[tilespmem:s31+$0x7AB0] =	vst v8;
	v8 =	vmul.f32 v14, v13;
	v14 =	vld [tilespmem:s31+$0x7B20]  }
0x127: {  	[tilespmem:s31+$0x7AC0] =	vst v9;
	v9 =	vmul.f32 v10, v13;
	v10 =	vbroadcast v2, $0x7;
	v16 =	vld [tilespmem:s31+$0x7B30]  }
0x128: {  	[tilespmem:s31+$0x7AD0] =	vst v8;
	v8 =	vmul.f32 v12, v13;
	v12 =	vld [tilespmem:s31+$0x7B40]  }
0x129: {  	[tilespmem:s31+$0x7AE0] =	vst v9;
	v9 =	vmul.f32 v15, v10;
	v13 =	vld [tilespmem:s31+$0x7B50]  }
0x12a: {  	[tilespmem:s31+$0x7AF0] =	vst v8;
	v8 =	vmul.f32 v11, v10;
	v11 =	vld [tilespmem:s31+$0x7B60]  }
0x12b: {  	[tilespmem:s31+$0x7B00] =	vst v9;
	v9 =	vmul.f32 v14, v10;
	v14 =	vld [tilespmem:s31+$0x7B70]  }
0x12c: {  	[tilespmem:s31+$0x7B10] =	vst v8;
	v8 =	vmul.f32 v16, v10;
	v15 =	vld [tilespmem:s31+$0x7B80]  }
0x12d: {  	[tilespmem:s31+$0x7B20] =	vst v9;
	v9 =	vmul.f32 v12, v10;
	v12 =	vld [tilespmem:s31+$0x7B90]  }
0x12e: {  	[tilespmem:s31+$0x7B30] =	vst v8;
	v8 =	vmul.f32 v13, v10;
	v13 =	vld [tilespmem:s31+$0x7BA0]  }
0x12f: {  	[tilespmem:s31+$0x7B40] =	vst v9;
	v9 =	vmul.f32 v11, v10;
	v11 =	vbroadcast v2, $0x8;
	v16 =	vld [tilespmem:s31+$0x7BB0]  }
0x130: {  	[tilespmem:s31+$0x7B50] =	vst v8;
	v8 =	vmul.f32 v14, v10;
	v10 =	vld [tilespmem:s31+$0x7BC0]  }
0x131: {  	[tilespmem:s31+$0x7B60] =	vst v9;
	v9 =	vmul.f32 v15, v11;
	v14 =	vld [tilespmem:s31+$0x7BD0]  }
0x132: {  	[tilespmem:s31+$0x7B70] =	vst v8;
	v8 =	vmul.f32 v12, v11;
	v12 =	vld [tilespmem:s31+$0x7BE0]  }
0x133: {  	[tilespmem:s31+$0x7B80] =	vst v9;
	v9 =	vmul.f32 v13, v11;
	v13 =	vld [tilespmem:s31+$0x7BF0]  }
0x134: {  	[tilespmem:s31+$0x7B90] =	vst v8;
	v8 =	vmul.f32 v16, v11;
	v15 =	vld [tilespmem:s31+$0x7C00]  }
0x135: {  	[tilespmem:s31+$0x7BA0] =	vst v9;
	v9 =	vmul.f32 v10, v11;
	v10 =	vld [tilespmem:s31+$0x7C10]  }
0x136: {  	[tilespmem:s31+$0x7BB0] =	vst v8;
	v8 =	vmul.f32 v14, v11;
	v14 =	vld [tilespmem:s31+$0x7C20]  }
0x137: {  	[tilespmem:s31+$0x7BC0] =	vst v9;
	v9 =	vmul.f32 v12, v11;
	v12 =	vbroadcast v2, $0x9;
	v16 =	vld [tilespmem:s31+$0x7C30]  }
0x138: {  	[tilespmem:s31+$0x7BD0] =	vst v8;
	v8 =	vmul.f32 v13, v11;
	v11 =	vld [tilespmem:s31+$0x7C40]  }
0x139: {  	[tilespmem:s31+$0x7BE0] =	vst v9;
	v9 =	vmul.f32 v15, v12;
	v13 =	vld [tilespmem:s31+$0x7C50]  }
0x13a: {  	[tilespmem:s31+$0x7BF0] =	vst v8;
	v8 =	vmul.f32 v10, v12;
	v10 =	vld [tilespmem:s31+$0x7C60]  }
0x13b: {  	[tilespmem:s31+$0x7C00] =	vst v9;
	v9 =	vmul.f32 v14, v12;
	v14 =	vld [tilespmem:s31+$0x7C70]  }
0x13c: {  	[tilespmem:s31+$0x7C10] =	vst v8;
	v8 =	vmul.f32 v16, v12;
	v15 =	vld [tilespmem:s31+$0x7C80]  }
0x13d: {  	[tilespmem:s31+$0x7C20] =	vst v9;
	v9 =	vmul.f32 v11, v12;
	v11 =	vld [tilespmem:s31+$0x7C90]  }
0x13e: {  	[tilespmem:s31+$0x7C30] =	vst v8;
	v8 =	vmul.f32 v13, v12;
	v13 =	vld [tilespmem:s31+$0x7CA0]  }
0x13f: {  	[tilespmem:s31+$0x7C40] =	vst v9;
	v9 =	vmul.f32 v10, v12;
	v10 =	vld [tilespmem:s31+$0x7CB0]  }
0x140: {  	[tilespmem:s31+$0x7C50] =	vst v8;
	v8 =	vmul.f32 v14, v12;
	v12 =	vld [tilespmem:s31+$0x7CC0]  }
0x141: {  	[tilespmem:s31+$0x7C60] =	vst v9;
	v9 =	vmul.f32 v15, v5;
	v14 =	vld [tilespmem:s31+$0x7CD0]  }
0x142: {  	[tilespmem:s31+$0x7C70] =	vst v8;
	v8 =	vmul.f32 v11, v5;
	v11 =	vld [tilespmem:s31+$0x7CE0]  }
0x143: {  	v15 =	vld [tilespmem:s31+$0x7780];
	[tilespmem:s31+$0x7C80] =	vst v9;
	v9 =	vmul.f32 v13, v5  }
0x144: {  	v13 =	vld [tilespmem:s31+$0x7790];
	[tilespmem:s31+$0x7C90] =	vst v8;
	v8 =	vmul.f32 v10, v5  }
0x145: {  	v10 =	vld [tilespmem:s31+$0x77C0];
	[tilespmem:s31+$0x7CA0] =	vst v9;
	v9 =	vmul.f32 v12, v5  }
0x146: {  	v12 =	vld [tilespmem:s31+$0x77D0];
	[tilespmem:s31+$0x7CB0] =	vst v8;
	v8 =	vmul.f32 v14, v5  }
0x147: {  	[tilespmem:s31+$0x7CC0] =	vst v9;
	v9 =	vmul.f32 v11, v5;
	v11 =	vbroadcast v2, $0xB;
	v14 =	vld [tilespmem:s31+$0x7D20]  }
0x148: {  	v5 =	vbroadcast v2, $0xF;
	v15 =	vmul.f32 v3, v15;
	[tilespmem:s31+$0x7CD0] =	vst v8;
	v8 =	vld [tilespmem:s31+$0x7D30]  }
0x149: {  	v13 =	vmul.f32 v13, v3;
	[tilespmem:s31+$0x7CE0] =	vst v9;
	v6 =	vmul.f32 v6, v11;
	v9 =	vld [tilespmem:s31+$0x7D40]  }
0x14a: {  	v7 =	vmul.f32 v7, v11;
	[tilespmem:s31+$0x7780] =	vst v15;
	v10 =	vmul.f32 v10, v3;
	v15 =	vld [tilespmem:s31+$0x7D50]  }
0x14b: {  	v4 =	vmul.f32 v4, v5;
	v12 =	vmul.f32 v12, v3;
	[tilespmem:s31+$0x7D00] =	vst v6;
	v3 =	vld [tilespmem:s31+$0x7D60]  }
0x14c: {  	[tilespmem:s31+$0x7D10] =	vst v7;
	v6 =	vmul.f32 v14, v11;
	v7 =	vld [tilespmem:s31+$0x7D70]  }
0x14d: {  	v8 =	vmul.f32 v8, v11;
	v14 =	vld [tilespmem:s31+$0x7D80];
	[tilespmem:s31+$0x7F50] =	vst v4  }
0x14e: {  	[tilespmem:s31+$0x7790] =	vst v13;
	v4 =	vmul.f32 v9, v11;
	v9 =	vld [tilespmem:s31+$0x7D90]  }
0x14f: {  	[tilespmem:s31+$0x77C0] =	vst v10;
	v10 =	vmul.f32 v15, v11;
	v13 =	vld [tilespmem:s31+$0x7DA0]  }
0x150: {  	v15 =	vbroadcast v2, $0xC;
	[tilespmem:s31+$0x7D20] =	vst v6;
	v6 =	vmul.f32 v3, v11;
	v16 =	vld [tilespmem:s31+$0x7DB0]  }
0x151: {  	[tilespmem:s31+$0x7D50] =	vst v10;
	v7 =	vmul.f32 v7, v11;
	v10 =	vld [tilespmem:s31+$0x7DC0]  }
0x152: {  	[tilespmem:s31+$0x7D30] =	vst v8;
	v3 =	vmul.f32 v14, v15;
	v8 =	vld [tilespmem:s31+$0x7DD0]  }
0x153: {  	[tilespmem:s31+$0x7D40] =	vst v4;
	v4 =	vmul.f32 v9, v15;
	v9 =	vld [tilespmem:s31+$0x7DE0]  }
0x154: {  	[tilespmem:s31+$0x7D80] =	vst v3;
	v3 =	vmul.f32 v13, v15;
	v11 =	vld [tilespmem:s31+$0x7DF0]  }
0x155: {  	[tilespmem:s31+$0x7D90] =	vst v4;
	v4 =	vld [tilespmem:s31+$0x7E00]  }
0x156: {  	[tilespmem:s31+$0x77D0] =	vst v12;
	v10 =	vmul.f32 v10, v15;
	v12 =	vld [tilespmem:s31+$0x7E10]  }
0x157: {  	[tilespmem:s31+$0x7D60] =	vst v6;
	v6 =	vmul.f32 v8, v15;
	v8 =	vld [tilespmem:s31+$0x7E20]  }
0x158: {  	[tilespmem:s31+$0x7DC0] =	vst v10;
	v9 =	vmul.f32 v9, v15;
	v10 =	vbroadcast v2, $0xD;
	v13 =	vld [tilespmem:s31+$0x7E30]  }
0x159: {  	[tilespmem:s31+$0x7DD0] =	vst v6;
	v6 =	vmul.f32 v11, v15;
	v11 =	vld [tilespmem:s31+$0x7E40]  }
0x15a: {  	[tilespmem:s31+$0x7DE0] =	vst v9;
	v4 =	vmul.f32 v4, v10;
	v9 =	vld [tilespmem:s31+$0x7E50]  }
0x15b: {  	[tilespmem:s31+$0x7DF0] =	vst v6;
	v6 =	vmul.f32 v12, v10;
	v12 =	vld [tilespmem:s31+$0x7E60]  }
0x15c: {  	[tilespmem:s31+$0x7E00] =	vst v4;
	v4 =	vmul.f32 v8, v10;
	v8 =	vld [tilespmem:s31+$0x7E70]  }
0x15d: {  	[tilespmem:s31+$0x7E10] =	vst v6;
	v6 =	vmul.f32 v13, v10;
	v13 =	vld [tilespmem:s31+$0x7E80]  }
0x15e: {  	[tilespmem:s31+$0x7E20] =	vst v4;
	v4 =	vmul.f32 v11, v10;
	v11 =	vld [tilespmem:s31+$0x7E90]  }
0x15f: {  	[tilespmem:s31+$0x7E30] =	vst v6;
	v6 =	vmul.f32 v9, v10;
	v9 =	vld [tilespmem:s31+$0x7EA0]  }
0x160: {  	v2 =	vbroadcast v2, $0xE;
	[tilespmem:s31+$0x7D70] =	vst v7;
	v7 =	vmul.f32 v12, v10;
	v12 =	vld [tilespmem:s31+$0x7EB0]  }
0x161: {  	[tilespmem:s31+$0x7E50] =	vst v6;
	v6 =	vmul.f32 v8, v10;
	v8 =	vld [tilespmem:s31+$0x7EC0]  }
0x162: {  	[tilespmem:s31+$0x7E60] =	vst v7;
	v7 =	vmul.f32 v13, v2;
	v10 =	vld [tilespmem:s31+$0x7ED0]  }
0x163: {  	[tilespmem:s31+$0x7E70] =	vst v6;
	v6 =	vmul.f32 v11, v2;
	v11 =	vld [tilespmem:s31+$0x7EE0]  }
0x164: {  	[tilespmem:s31+$0x7E80] =	vst v7;
	v7 =	vmul.f32 v9, v2;
	v9 =	vld [tilespmem:s31+$0x7EF0]  }
0x165: {  	[tilespmem:s31+$0x7E90] =	vst v6;
	v6 =	vmul.f32 v12, v2;
	v12 =	vld [tilespmem:s31+$0x7F00]  }
0x166: {  	[tilespmem:s31+$0x7EA0] =	vst v7;
	v7 =	vmul.f32 v8, v2;
	v8 =	vld [tilespmem:s31+$0x7F10]  }
0x167: {  	[tilespmem:s31+$0x7EB0] =	vst v6;
	v6 =	vmul.f32 v10, v2;
	v10 =	vld [tilespmem:s31+$0x7F20]  }
0x168: {  	[tilespmem:s31+$0x7EC0] =	vst v7;
	v7 =	vmul.f32 v11, v2;
	v11 =	vld [tilespmem:s31+$0x7F30]  }
0x169: {  	[tilespmem:s31+$0x7E40] =	vst v4;
	v2 =	vmul.f32 v9, v2;
	v4 =	vld [tilespmem:s31+$0x7F40]  }
0x16a: {  	[tilespmem:s31+$0x7EE0] =	vst v7;
	v7 =	vmul.f32 v12, v5;
	v9 =	vld [tilespmem:s31+$0x7F60]  }
0x16b: {  	[tilespmem:s31+$0x7EF0] =	vst v2;
	v2 =	vmul.f32 v8, v5;
	v8 =	vld [tilespmem:s31+$0x7F70]  }
0x16c: {  	[tilespmem:s31+$0x7F00] =	vst v7;
	v7 =	vmul.f32 v10, v5  }
0x16d: {  	[tilespmem:s31+$0x7F10] =	vst v2;
	v2 =	vmul.f32 v11, v5  }
0x16e: {  	v10 =	vmul.f32 v16, v15;
	[tilespmem:s31+$0x7F20] =	vst v7  }
0x16f: {  	[tilespmem:s31+$0x7F30] =	vst v2;
	v2 =	vmul.f32 v4, v5  }
.Ltmp1:
0x170: {  	[tilespmem:s31+$0x7DB0] =	vst v10;
	v4 =	vmul.f32 v8, v5;
	(pc) =	sbr.rel @p3 .LBB2_5-.Ltmp1, $4  }
0x171: {  	[tilespmem:s31+$0x7F40] =	vst v2  }
0x172: {  	v2 =	vmul.f32 v9, v5;
	[tilespmem:s31+$0x7F70] =	vst v4  }
0x173: {  	[tilespmem:s31+$0x7ED0] =	vst v6  }
0x174: {  	[tilespmem:s31+$0x7F60] =	vst v2  }
0x175: {  	s29 =	sadd.s32 $0x1, s29  }
0x176: {  	p3 =	sne.s32 s29, $0x4F  }
.Ltmp2:
0x177: {  	[tilespmem:s31+$0x7DA0] =	vst v3;
	s2 =	sadd.s32 $0x2800, s30;
	(pc) =	sbr.rel @p3 .LBB2_4-.Ltmp2, $4  }
0x178: {  	[spmem:s3] =	stream.indirect.scatter.add.f32 [tilespmem:s21], [sflag:$0x2], $0x80, s2, s24, $0xb8;
	[tilespmem:$0x1F000] =	vst v63  }
0x179: {  	_ =	swait.ge [sflag:s22], $0x4000  }
0x17a: {  	[sflag:s22] =	ssyncset.done $0x0  }
0x17b: {  	[sflag:s22] =	ssyncadd.s32 $0xFFFFC000  }
0x17c: {  	s2 =	sshll.u32 s0, $0x6  }
0x17d: {  	[bflag:$0x0] =	sbarrier.arrive $0xFFFF;
	s23 =	sshrl.u32 s5, $0x3;
	s2 =	sor.u32 $0x1C02, s2  }
0x17e: {  	[hbm:s14], [sflag:s2] =	dma.local [spmem:s23], $0x800  }
0x17f: {  	_ =	swait.ge [sflag:s22], $0x800  }
0x180: {  	[sflag:s22] =	ssyncset.done $0x0  }
0x181: {  	s30 =	sshrl.u32 s6, $0x3;
	[sflag:s22] =	ssyncadd.s32 $0xFFFFF800  }
0x182: {  	[hbm:s15], [sflag:s2] =	dma.local [spmem:s30], $0x800  }
0x183: {  	_ =	swait.ge [sflag:s22], $0x800  }
0x184: {  	[sflag:s22] =	ssyncset.done $0x0  }
0x185: {  	s31 =	sshrl.u32 s7, $0x3;
	[sflag:s22] =	ssyncadd.s32 $0xFFFFF800  }
0x186: {  	[hbm:s16], [sflag:s2] =	dma.local [spmem:s31], $0x800  }
0x187: {  	_ =	swait.ge [sflag:s22], $0x800  }
0x188: {  	[sflag:s22] =	ssyncset.done $0x0  }
0x189: {  	s23 =	sshrl.u32 @!p0 s8, $0x3;
	[sflag:s22] =	ssyncadd.s32 $0xFFFFF800  }
0x18a: {  	[hbm:s17], [sflag:s2] =	dma.local @!p0 [spmem:s23], $0x800  }
0x18b: {  	s23 =	simm.s32 @!p0 $0x2  }
0x18c: {  	_ =	swait.ge @!p0 [sflag:s23], $0x800  }
0x18d: {  	[sflag:s23] =	ssyncset.done @!p0 $0x0  }
0x18e: {  	s29 =	sshrl.u32 @!p1 s9, $0x3;
	[sflag:s23] =	ssyncadd.s32 @!p0 $0xFFFFF800  }
0x18f: {  	[hbm:s18], [sflag:s2] =	dma.local @!p1 [spmem:s29], $0x100  }
0x190: {  	s29 =	simm.s32 @!p1 $0x2  }
0x191: {  	_ =	swait.ge @!p1 [sflag:s29], $0x100  }
0x192: {  	[sflag:s29] =	ssyncset.done @!p1 $0x0  }
0x193: {  	[sflag:s29] =	ssyncadd.s32 @!p1 $0xFFFFFF00;
	s29 =	sshrl.u32 @!p0 s10, $0x3  }
0x194: {  	[hbm:s19], [sflag:s2] =	dma.local @!p0 [spmem:s29], $0x800  }
0x195: {  	_ =	swait.ge @!p0 [sflag:s23], $0x800  }
0x196: {  	s4 =	sadd.s32 $0x1, s4;
	[sflag:s23] =	ssyncset.done @!p0 $0x0  }
0x197: {  	p3 =	sne.s32 s4, s20;
	[sflag:s23] =	ssyncadd.s32 @!p0 $0xFFFFF800;
	s23 =	sshrl.u32 @!p2 s9, $0x3  }
0x198: {  	[hbm:s18], [sflag:s2] =	dma.local @!p2 [spmem:s23], $0x100  }
.Ltmp3:
0x199: {  	_ = 	snop;
	(pc) =	sbr.rel @p3 .LBB2_1-.Ltmp3, $4  }
0x19a: {  	s2 =	simm.s32 @!p2 $0x2  }
0x19b: {  	_ =	swait.ge @!p2 [sflag:s2], $0x100  }
0x19c: {  	[sflag:s2] =	ssyncset.done @!p2 $0x0  }
0x19d: {  	[sflag:s2] =	ssyncadd.s32 @!p2 $0xFFFFFF00  }
0x19e: {  	_ =	sfence.sel $0x180000  }
0x19f: {  	[bflag:$0x0] =	sbarrier.arrive $0xFFFF  }
0x1a0: {  	_ =	strace $0x90000047  }
0x1a1: {  	[bflag:$0x2] =	sbarrier.arrive $0xFFFF  }
0x1a2: {  	p0 =	sne.s32 s0, $0x0;
	s0 =	rddreg [dreg:$0x3]  }
0x1a3: {  	s0 =	sadd.s32 @!p0 $0x100000, s0  }
0x1a4: {  	[sflag:s0] =	ssyncadd.tile.s32 @!p0 $0x1;
	_ =	shalt  }
.Lfunc_end2:
_tile_overlayer_lowered:
.L_overlay_start_2:
0x1a5: {  	(tag) =	ssettag $0x2  }
0x1a6: {  	s0 =	rddreg [dreg:$0x0];
	s2 =	stileid.u32  }
0x1a7: {  	s1 =	rddreg [dreg:$0x1];
	p0 =	sne.s32 s2, $0x0  }
0x1a8: {  	s3 =	rddreg [dreg:$0x2];
	[bflag:$0x3] =	sbarrier.arrive $0xFFFF;
	s2 =	simm.s32 @!p0 $0x1C02  }
0x1a9: {  	[timem:s3], [sflag:s2] =	dma.local @!p0 [hbm:s0], s1  }
0x1aa: {  	s0 =	simm.s32 @!p0 $0x2  }
0x1ab: {  	_ =	swait.ge @!p0 [sflag:s0], s1  }
0x1ac: {  	s1 =	ssub.s32 @!p0 $0x0, s1;
	[sflag:s0] =	ssyncset.done @!p0 $0x0  }
0x1ad: {  	[sflag:s0] =	ssyncadd.s32 @!p0 s1  }
0x1ae: {  	[bflag:$0x3] =	sbarrier.arrive $0xFFFF  }
0x1af: {  	_ =	shalt  }

</sc_bundles>
